<compile_context>
chip_gen: v7x
topology: tpu7x:2x2x1
jax: 0.10.2.dev20260603
libtpu: 0.0.44.dev20260713+nightly
codegen_flags: <defaults>
</compile_context>

<pallas_src>
import functools
import math

import jax
import jax.numpy as jnp
from jax import lax
from jax.experimental import pallas as pl
from jax.experimental.pallas import tpu as pltpu
from jax.experimental.pallas import tpu_sc as plsc

NC = 2
NS = 16
NW = NC * NS
L = 16
C = 8
NBUF = 3


def _sc_embed_lookup(n_rows, d_model, scale):
    k = n_rows // (NW * C)
    rows_per_w = k * C

    mesh = plsc.VectorSubcoreMesh(core_axis_name="c", subcore_axis_name="s")

    @functools.partial(
        pl.kernel,
        out_type=jax.ShapeDtypeStruct((n_rows, d_model), jnp.float32),
        mesh=mesh,
        scratch_types=[
            pltpu.VMEM((k, C), jnp.int32),
            [pltpu.VMEM((C, d_model), jnp.float32) for _ in range(NBUF)],
            [pltpu.SemaphoreType.DMA for _ in range(NBUF)],
            [pltpu.SemaphoreType.DMA for _ in range(NBUF)],
        ],
    )
    def body(ids_hbm, table_hbm, out_hbm, idx_v, bufs, gsems, ssems):
        wid = lax.axis_index("s") * NC + lax.axis_index("c")
        base = wid * rows_per_w

        pltpu.sync_copy(ids_hbm.at[wid], idx_v)

        def gather_start(cc, p):
            pltpu.async_copy(table_hbm.at[idx_v.at[cc]], bufs[p], gsems[p])

        def gather_wait(cc, p):
            pltpu.make_async_copy(
                table_hbm.at[idx_v.at[cc]], bufs[p], gsems[p]).wait()

        def scatter_start(cc, p):
            pltpu.async_copy(
                bufs[p], out_hbm.at[pl.ds(base + cc * C, C)], ssems[p])

        def scatter_wait(p):
            pltpu.make_async_copy(
                bufs[p], out_hbm.at[pl.ds(base, C)], ssems[p]).wait()

        def scale_buf(buf):
            @plsc.parallel_loop(0, d_model // L, unroll=8)
            def _(j):
                sl = pl.ds(j * L, L)
                for r in range(C):
                    buf[r, sl] = buf[r, sl] * scale

        def stage_a(cc, q):
            pprev = (q + NBUF - 1) % NBUF
            scatter_wait(pprev)

            @pl.when(cc + NBUF - 1 < k)
            def _():
                gather_start(cc + NBUF - 1, pprev)

        def stage_b(cc, q):
            gather_wait(cc, q)
            scale_buf(bufs[q])
            scatter_start(cc, q)

        for q in range(NBUF):
            gather_start(q, q)
        stage_b(0, 0)

        m = (k - 2) // NBUF

        @pl.loop(0, m)
        def _(i):
            c0 = i * NBUF
            for off in range(1, NBUF + 1):
                cc = c0 + off
                stage_a(cc, off % NBUF)
                stage_b(cc, off % NBUF)

        for cc in range(1 + m * NBUF, k):
            stage_a(cc, cc % NBUF)
            stage_b(cc, cc % NBUF)
        scatter_wait((k - 1) % NBUF)

    return body


def kernel(input_ids, table):
    b, s = input_ids.shape
    v, d = table.shape
    n = b * s
    scale = math.sqrt(d)
    ids = input_ids.reshape(n).astype(jnp.int32)
    k = n // (NW * C)
    ids3 = ids.reshape(NW, k, C)
    out = _sc_embed_lookup(n, d, scale)(ids3, table)
    return out.reshape(b, s, d)

# --- scband reference (transcript-rebuilt; emitter-appended) ---
"""Pipeline reference for scband-input-encoder-60842506715720 (READ-ONLY COPY).

The authoritative reference and input builder live on the scoring server;
editing this copy changes nothing except your own understanding.
"""

import math
import jax, jax.numpy as jnp
import numpy as np

VOCAB = 100000
D_MODEL = 2048
BATCH = 4
SEQ = 4096

def setup_inputs(seed: int = 0) -> dict:
    key = jax.random.key(seed)
    k1, k2 = jax.random.split(key)
    input_ids = jax.random.randint(k1, (BATCH, SEQ), 0, VOCAB, dtype=jnp.int64 if jax.config.jax_enable_x64 else jnp.int32)
    # embedding std = 1/sqrt(d_model), as recommended when scale_sqrt_d_model=True
    table = jax.random.normal(k2, (VOCAB, D_MODEL), dtype=jnp.float32) * (1.0 / math.sqrt(D_MODEL))
    return {"input_ids": input_ids, "table": table}

def reference(input_ids, table):
    scale = math.sqrt(D_MODEL)  # scale_sqrt_d_model=True
    x = jnp.take(table, input_ids, axis=0)  # embedding lookup (gather)
    x = x * scale
    # positional_encoder is None; dropout=0.0 -> Identity
    return x

if __name__ == "__main__":
    import jax
    _d = setup_inputs()
    print(jax.jit(kernel)(*tuple(_d.values())))

</pallas_src>

<mosaic_0001>
#map = affine_map<(d0, d1) -> (0, 0, 0)>
#map1 = affine_map<(d0, d1) -> (0, 0)>
module attributes {stable_mosaic.version = 14 : i64} {
  func.func @body(%arg0: i32, %arg1: i32, %arg2: memref<32x64x8xi32, #tpu.memory_space<hbm>>, %arg3: memref<100000x2048xf32, #tpu.memory_space<hbm>>, %arg4: memref<16384x2048xf32, #tpu.memory_space<hbm>>, %arg5: memref<64x8xi32, #tpu.memory_space<vmem>>, %arg6: memref<8x2048xf32, #tpu.memory_space<vmem>>, %arg7: memref<8x2048xf32, #tpu.memory_space<vmem>>, %arg8: memref<8x2048xf32, #tpu.memory_space<vmem>>, %arg9: memref<!tpu.dma_semaphore, #tpu.memory_space<semaphore_mem>>, %arg10: memref<!tpu.dma_semaphore, #tpu.memory_space<semaphore_mem>>, %arg11: memref<!tpu.dma_semaphore, #tpu.memory_space<semaphore_mem>>, %arg12: memref<!tpu.dma_semaphore, #tpu.memory_space<semaphore_mem>>, %arg13: memref<!tpu.dma_semaphore, #tpu.memory_space<semaphore_mem>>, %arg14: memref<!tpu.dma_semaphore, #tpu.memory_space<semaphore_mem>>) attributes {dimension_semantics = [#tpu.dimension_semantics<core_parallel>, #tpu.dimension_semantics<subcore_parallel>], iteration_bounds = array<i64: 2, 16>, scalar_prefetch = 0 : i64, scratch_operands = 10 : i64, tpu.core_type = #tpu.core_type<sc_vector_subcore>, window_params = [{transform_indices = #map}, {transform_indices = #map1}, {transform_indices = #map1}]} {
    %mul3A = arith.constant 2 : i32
    %mul3A_0 = arith.muli %arg1, %mul3A : i32
    %add3A = arith.addi %mul3A_0, %arg0 : i32
    %mul3A_1 = arith.constant 512 : i32
    %mul3A_2 = arith.muli %add3A, %mul3A_1 : i32
    "tpu.region"() ({
      %run_scoped3A = tpu.sem_alloc : memref<!tpu.dma_semaphore, #tpu.memory_space<semaphore_mem>>
      %dma_start3A_112 = arith.constant 0 : i32
      %dma_start3A_113 = arith.constant 0 : i32
      %dma_start3A_114 = tpu.memref_slice %arg2[%add3A, %dma_start3A_112, %dma_start3A_113] : memref<32x64x8xi32, #tpu.memory_space<hbm>> -> memref<1x64x8xi32, #tpu.memory_space<hbm>>
      %dma_start3A_115 = tpu.memref_squeeze %dma_start3A_114 : memref<1x64x8xi32, #tpu.memory_space<hbm>> -> memref<64x8xi32, #tpu.memory_space<hbm>>
      %dma_start3A_116 = arith.constant 0 : i32
      %dma_start3A_117 = arith.constant 0 : i32
      %dma_start3A_118 = tpu.memref_slice %arg2[%add3A, %dma_start3A_116, %dma_start3A_117] : memref<32x64x8xi32, #tpu.memory_space<hbm>> -> memref<1x64x8xi32, #tpu.memory_space<hbm>>
      %dma_start3A_119 = tpu.memref_squeeze %dma_start3A_118 : memref<1x64x8xi32, #tpu.memory_space<hbm>> -> memref<64x8xi32, #tpu.memory_space<hbm>>
      tpu.enqueue_dma source(%dma_start3A_119 : memref<64x8xi32, #tpu.memory_space<hbm>>) target(%arg5 : memref<64x8xi32, #tpu.memory_space<vmem>>) target_semaphore(%run_scoped3A : memref<!tpu.dma_semaphore, #tpu.memory_space<semaphore_mem>>)
      %dma_wait3A_120 = arith.constant 0 : i32
      %dma_wait3A_121 = arith.constant 0 : i32
      %dma_wait3A_122 = tpu.memref_slice %arg2[%add3A, %dma_wait3A_120, %dma_wait3A_121] : memref<32x64x8xi32, #tpu.memory_space<hbm>> -> memref<1x64x8xi32, #tpu.memory_space<hbm>>
      %dma_wait3A_123 = tpu.memref_squeeze %dma_wait3A_122 : memref<1x64x8xi32, #tpu.memory_space<hbm>> -> memref<64x8xi32, #tpu.memory_space<hbm>>
      %dma_wait3A_124 = arith.constant 0 : i32
      %dma_wait3A_125 = arith.constant 0 : i32
      %dma_wait3A_126 = tpu.memref_slice %arg2[%add3A, %dma_wait3A_124, %dma_wait3A_125] : memref<32x64x8xi32, #tpu.memory_space<hbm>> -> memref<1x64x8xi32, #tpu.memory_space<hbm>>
      %dma_wait3A_127 = tpu.memref_squeeze %dma_wait3A_126 : memref<1x64x8xi32, #tpu.memory_space<hbm>> -> memref<64x8xi32, #tpu.memory_space<hbm>>
      tpu.wait_dma2 semaphore(%run_scoped3A : memref<!tpu.dma_semaphore, #tpu.memory_space<semaphore_mem>>) src(%dma_wait3A_127 : memref<64x8xi32, #tpu.memory_space<hbm>>) dst(%arg5 : memref<64x8xi32, #tpu.memory_space<vmem>>)
      tpu.yield
    }) : () -> ()
    %dma_start3A = arith.constant 0 : i32
    %dma_start3A_3 = arith.constant 0 : i32
    %dma_start3A_4 = tpu.memref_slice %arg5[%dma_start3A, %dma_start3A_3] : memref<64x8xi32, #tpu.memory_space<vmem>> -> memref<1x8xi32, #tpu.memory_space<vmem>>
    %dma_start3A_5 = tpu.memref_squeeze %dma_start3A_4 : memref<1x8xi32, #tpu.memory_space<vmem>> -> memref<8xi32, #tpu.memory_space<vmem>>
    %dma_start3A_6 = arith.constant 0 : i32
    %dma_start3A_7 = arith.constant 0 : i32
    %dma_start3A_8 = tpu.memref_slice %arg3[%dma_start3A_6, %dma_start3A_7] : memref<100000x2048xf32, #tpu.memory_space<hbm>> -> memref<100000x2048xf32, #tpu.memory_space<hbm>>
    tpu.enqueue_indirect_dma source(%dma_start3A_8 : memref<100000x2048xf32, #tpu.memory_space<hbm>>) target(%arg6 : memref<8x2048xf32, #tpu.memory_space<vmem>>) offsets(%dma_start3A_5 : memref<8xi32, #tpu.memory_space<vmem>>) semaphore(%arg9 : memref<!tpu.dma_semaphore, #tpu.memory_space<semaphore_mem>>)
    %dma_start3A_9 = arith.constant 1 : i32
    %dma_start3A_10 = arith.constant 0 : i32
    %dma_start3A_11 = tpu.memref_slice %arg5[%dma_start3A_9, %dma_start3A_10] : memref<64x8xi32, #tpu.memory_space<vmem>> -> memref<1x8xi32, #tpu.memory_space<vmem>>
    %dma_start3A_12 = tpu.memref_squeeze %dma_start3A_11 : memref<1x8xi32, #tpu.memory_space<vmem>> -> memref<8xi32, #tpu.memory_space<vmem>>
    %dma_start3A_13 = arith.constant 0 : i32
    %dma_start3A_14 = arith.constant 0 : i32
    %dma_start3A_15 = tpu.memref_slice %arg3[%dma_start3A_13, %dma_start3A_14] : memref<100000x2048xf32, #tpu.memory_space<hbm>> -> memref<100000x2048xf32, #tpu.memory_space<hbm>>
    tpu.enqueue_indirect_dma source(%dma_start3A_15 : memref<100000x2048xf32, #tpu.memory_space<hbm>>) target(%arg7 : memref<8x2048xf32, #tpu.memory_space<vmem>>) offsets(%dma_start3A_12 : memref<8xi32, #tpu.memory_space<vmem>>) semaphore(%arg10 : memref<!tpu.dma_semaphore, #tpu.memory_space<semaphore_mem>>)
    %dma_start3A_16 = arith.constant 2 : i32
    %dma_start3A_17 = arith.constant 0 : i32
    %dma_start3A_18 = tpu.memref_slice %arg5[%dma_start3A_16, %dma_start3A_17] : memref<64x8xi32, #tpu.memory_space<vmem>> -> memref<1x8xi32, #tpu.memory_space<vmem>>
    %dma_start3A_19 = tpu.memref_squeeze %dma_start3A_18 : memref<1x8xi32, #tpu.memory_space<vmem>> -> memref<8xi32, #tpu.memory_space<vmem>>
    %dma_start3A_20 = arith.constant 0 : i32
    %dma_start3A_21 = arith.constant 0 : i32
    %dma_start3A_22 = tpu.memref_slice %arg3[%dma_start3A_20, %dma_start3A_21] : memref<100000x2048xf32, #tpu.memory_space<hbm>> -> memref<100000x2048xf32, #tpu.memory_space<hbm>>
    tpu.enqueue_indirect_dma source(%dma_start3A_22 : memref<100000x2048xf32, #tpu.memory_space<hbm>>) target(%arg8 : memref<8x2048xf32, #tpu.memory_space<vmem>>) offsets(%dma_start3A_19 : memref<8xi32, #tpu.memory_space<vmem>>) semaphore(%arg11 : memref<!tpu.dma_semaphore, #tpu.memory_space<semaphore_mem>>)
    %dma_wait3A = arith.constant 0 : i32
    %dma_wait3A_23 = arith.constant 0 : i32
    %dma_wait3A_24 = tpu.memref_slice %arg5[%dma_wait3A, %dma_wait3A_23] : memref<64x8xi32, #tpu.memory_space<vmem>> -> memref<1x8xi32, #tpu.memory_space<vmem>>
    %dma_wait3A_25 = tpu.memref_squeeze %dma_wait3A_24 : memref<1x8xi32, #tpu.memory_space<vmem>> -> memref<8xi32, #tpu.memory_space<vmem>>
    %dma_wait3A_26 = arith.constant 0 : i32
    %dma_wait3A_27 = arith.constant 0 : i32
    %dma_wait3A_28 = tpu.memref_slice %arg3[%dma_wait3A_26, %dma_wait3A_27] : memref<100000x2048xf32, #tpu.memory_space<hbm>> -> memref<100000x2048xf32, #tpu.memory_space<hbm>>
    tpu.wait_indirect_dma semaphore(%arg9 : memref<!tpu.dma_semaphore, #tpu.memory_space<semaphore_mem>>) src(%dma_wait3A_28 : memref<100000x2048xf32, #tpu.memory_space<hbm>>) dst(%arg6 : memref<8x2048xf32, #tpu.memory_space<vmem>>)
    %parallel_loop3A = arith.constant 0 : i32
    %parallel_loop3A_29 = arith.constant 128 : i32
    %parallel_loop3A_30 = arith.constant 1 : i32
    scf.for %parallel_loop3A_112 = %parallel_loop3A to %parallel_loop3A_29 step %parallel_loop3A_30  : i32 {
      %parallel_loop3A_113 = arith.constant 16 : i32
      %parallel_loop3A_114 = arith.muli %parallel_loop3A_112, %parallel_loop3A_113 : i32
      %parallel_loop3A_115 = arith.constant 0 : i32
      %parallel_loop3A_116 = arith.index_cast %parallel_loop3A_115 : i32 to index
      %parallel_loop3A_117 = arith.index_cast %parallel_loop3A_114 : i32 to index
      %parallel_loop3A_118 = tpu.vector_load %arg6[%parallel_loop3A_116, %parallel_loop3A_117] {strides = array<i32>} : memref<8x2048xf32, #tpu.memory_space<vmem>>, vector<1x16xf32>,
      %parallel_loop3A_119 = vector.shape_cast %parallel_loop3A_118 : vector<1x16xf32> to vector<16xf32>
      %parallel_loop3A_120 = arith.constant 45.2548332 : f32
      %parallel_loop3A_121 = vector.broadcast %parallel_loop3A_120 : f32 to vector<16xf32>
      %parallel_loop3A_122 = arith.mulf %parallel_loop3A_119, %parallel_loop3A_121 : vector<16xf32>
      %parallel_loop3A_123 = arith.constant 0 : i32
      %parallel_loop3A_124 = arith.index_cast %parallel_loop3A_123 : i32 to index
      %parallel_loop3A_125 = arith.index_cast %parallel_loop3A_114 : i32 to index
      %parallel_loop3A_126 = tpu.vector_load %arg6[%parallel_loop3A_124, %parallel_loop3A_125] {strides = array<i32>} : memref<8x2048xf32, #tpu.memory_space<vmem>>, vector<1x16xf32>,
      %parallel_loop3A_127 = vector.shape_cast %parallel_loop3A_126 : vector<1x16xf32> to vector<16xf32>
      %parallel_loop3A_128 = vector.shape_cast %parallel_loop3A_122 : vector<16xf32> to vector<1x16xf32>
      tpu.vector_store %arg6[%parallel_loop3A_124, %parallel_loop3A_125], %parallel_loop3A_128 {strides = array<i32>} : memref<8x2048xf32, #tpu.memory_space<vmem>>, vector<1x16xf32>,
      %parallel_loop3A_129 = arith.constant 1 : i32
      %parallel_loop3A_130 = arith.index_cast %parallel_loop3A_129 : i32 to index
      %parallel_loop3A_131 = arith.index_cast %parallel_loop3A_114 : i32 to index
      %parallel_loop3A_132 = tpu.vector_load %arg6[%parallel_loop3A_130, %parallel_loop3A_131] {strides = array<i32>} : memref<8x2048xf32, #tpu.memory_space<vmem>>, vector<1x16xf32>,
      %parallel_loop3A_133 = vector.shape_cast %parallel_loop3A_132 : vector<1x16xf32> to vector<16xf32>
      %parallel_loop3A_134 = arith.constant 45.2548332 : f32
      %parallel_loop3A_135 = vector.broadcast %parallel_loop3A_134 : f32 to vector<16xf32>
      %parallel_loop3A_136 = arith.mulf %parallel_loop3A_133, %parallel_loop3A_135 : vector<16xf32>
      %parallel_loop3A_137 = arith.constant 1 : i32
      %parallel_loop3A_138 = arith.index_cast %parallel_loop3A_137 : i32 to index
      %parallel_loop3A_139 = arith.index_cast %parallel_loop3A_114 : i32 to index
      %parallel_loop3A_140 = tpu.vector_load %arg6[%parallel_loop3A_138, %parallel_loop3A_139] {strides = array<i32>} : memref<8x2048xf32, #tpu.memory_space<vmem>>, vector<1x16xf32>,
      %parallel_loop3A_141 = vector.shape_cast %parallel_loop3A_140 : vector<1x16xf32> to vector<16xf32>
      %parallel_loop3A_142 = vector.shape_cast %parallel_loop3A_136 : vector<16xf32> to vector<1x16xf32>
      tpu.vector_store %arg6[%parallel_loop3A_138, %parallel_loop3A_139], %parallel_loop3A_142 {strides = array<i32>} : memref<8x2048xf32, #tpu.memory_space<vmem>>, vector<1x16xf32>,
      %parallel_loop3A_143 = arith.constant 2 : i32
      %parallel_loop3A_144 = arith.index_cast %parallel_loop3A_143 : i32 to index
      %parallel_loop3A_145 = arith.index_cast %parallel_loop3A_114 : i32 to index
      %parallel_loop3A_146 = tpu.vector_load %arg6[%parallel_loop3A_144, %parallel_loop3A_145] {strides = array<i32>} : memref<8x2048xf32, #tpu.memory_space<vmem>>, vector<1x16xf32>,
      %parallel_loop3A_147 = vector.shape_cast %parallel_loop3A_146 : vector<1x16xf32> to vector<16xf32>
      %parallel_loop3A_148 = arith.constant 45.2548332 : f32
      %parallel_loop3A_149 = vector.broadcast %parallel_loop3A_148 : f32 to vector<16xf32>
      %parallel_loop3A_150 = arith.mulf %parallel_loop3A_147, %parallel_loop3A_149 : vector<16xf32>
      %parallel_loop3A_151 = arith.constant 2 : i32
      %parallel_loop3A_152 = arith.index_cast %parallel_loop3A_151 : i32 to index
      %parallel_loop3A_153 = arith.index_cast %parallel_loop3A_114 : i32 to index
      %parallel_loop3A_154 = tpu.vector_load %arg6[%parallel_loop3A_152, %parallel_loop3A_153] {strides = array<i32>} : memref<8x2048xf32, #tpu.memory_space<vmem>>, vector<1x16xf32>,
      %parallel_loop3A_155 = vector.shape_cast %parallel_loop3A_154 : vector<1x16xf32> to vector<16xf32>
      %parallel_loop3A_156 = vector.shape_cast %parallel_loop3A_150 : vector<16xf32> to vector<1x16xf32>
      tpu.vector_store %arg6[%parallel_loop3A_152, %parallel_loop3A_153], %parallel_loop3A_156 {strides = array<i32>} : memref<8x2048xf32, #tpu.memory_space<vmem>>, vector<1x16xf32>,
      %parallel_loop3A_157 = arith.constant 3 : i32
      %parallel_loop3A_158 = arith.index_cast %parallel_loop3A_157 : i32 to index
      %parallel_loop3A_159 = arith.index_cast %parallel_loop3A_114 : i32 to index
      %parallel_loop3A_160 = tpu.vector_load %arg6[%parallel_loop3A_158, %parallel_loop3A_159] {strides = array<i32>} : memref<8x2048xf32, #tpu.memory_space<vmem>>, vector<1x16xf32>,
      %parallel_loop3A_161 = vector.shape_cast %parallel_loop3A_160 : vector<1x16xf32> to vector<16xf32>
      %parallel_loop3A_162 = arith.constant 45.2548332 : f32
      %parallel_loop3A_163 = vector.broadcast %parallel_loop3A_162 : f32 to vector<16xf32>
      %parallel_loop3A_164 = arith.mulf %parallel_loop3A_161, %parallel_loop3A_163 : vector<16xf32>
      %parallel_loop3A_165 = arith.constant 3 : i32
      %parallel_loop3A_166 = arith.index_cast %parallel_loop3A_165 : i32 to index
      %parallel_loop3A_167 = arith.index_cast %parallel_loop3A_114 : i32 to index
      %parallel_loop3A_168 = tpu.vector_load %arg6[%parallel_loop3A_166, %parallel_loop3A_167] {strides = array<i32>} : memref<8x2048xf32, #tpu.memory_space<vmem>>, vector<1x16xf32>,
      %parallel_loop3A_169 = vector.shape_cast %parallel_loop3A_168 : vector<1x16xf32> to vector<16xf32>
      %parallel_loop3A_170 = vector.shape_cast %parallel_loop3A_164 : vector<16xf32> to vector<1x16xf32>
      tpu.vector_store %arg6[%parallel_loop3A_166, %parallel_loop3A_167], %parallel_loop3A_170 {strides = array<i32>} : memref<8x2048xf32, #tpu.memory_space<vmem>>, vector<1x16xf32>,
      %parallel_loop3A_171 = arith.constant 4 : i32
      %parallel_loop3A_172 = arith.index_cast %parallel_loop3A_171 : i32 to index
      %parallel_loop3A_173 = arith.index_cast %parallel_loop3A_114 : i32 to index
      %parallel_loop3A_174 = tpu.vector_load %arg6[%parallel_loop3A_172, %parallel_loop3A_173] {strides = array<i32>} : memref<8x2048xf32, #tpu.memory_space<vmem>>, vector<1x16xf32>,
      %parallel_loop3A_175 = vector.shape_cast %parallel_loop3A_174 : vector<1x16xf32> to vector<16xf32>
      %parallel_loop3A_176 = arith.constant 45.2548332 : f32
      %parallel_loop3A_177 = vector.broadcast %parallel_loop3A_176 : f32 to vector<16xf32>
      %parallel_loop3A_178 = arith.mulf %parallel_loop3A_175, %parallel_loop3A_177 : vector<16xf32>
      %parallel_loop3A_179 = arith.constant 4 : i32
      %parallel_loop3A_180 = arith.index_cast %parallel_loop3A_179 : i32 to index
      %parallel_loop3A_181 = arith.index_cast %parallel_loop3A_114 : i32 to index
      %parallel_loop3A_182 = tpu.vector_load %arg6[%parallel_loop3A_180, %parallel_loop3A_181] {strides = array<i32>} : memref<8x2048xf32, #tpu.memory_space<vmem>>, vector<1x16xf32>,
      %parallel_loop3A_183 = vector.shape_cast %parallel_loop3A_182 : vector<1x16xf32> to vector<16xf32>
      %parallel_loop3A_184 = vector.shape_cast %parallel_loop3A_178 : vector<16xf32> to vector<1x16xf32>
      tpu.vector_store %arg6[%parallel_loop3A_180, %parallel_loop3A_181], %parallel_loop3A_184 {strides = array<i32>} : memref<8x2048xf32, #tpu.memory_space<vmem>>, vector<1x16xf32>,
      %parallel_loop3A_185 = arith.constant 5 : i32
      %parallel_loop3A_186 = arith.index_cast %parallel_loop3A_185 : i32 to index
      %parallel_loop3A_187 = arith.index_cast %parallel_loop3A_114 : i32 to index
      %parallel_loop3A_188 = tpu.vector_load %arg6[%parallel_loop3A_186, %parallel_loop3A_187] {strides = array<i32>} : memref<8x2048xf32, #tpu.memory_space<vmem>>, vector<1x16xf32>,
      %parallel_loop3A_189 = vector.shape_cast %parallel_loop3A_188 : vector<1x16xf32> to vector<16xf32>
      %parallel_loop3A_190 = arith.constant 45.2548332 : f32
      %parallel_loop3A_191 = vector.broadcast %parallel_loop3A_190 : f32 to vector<16xf32>
      %parallel_loop3A_192 = arith.mulf %parallel_loop3A_189, %parallel_loop3A_191 : vector<16xf32>
      %parallel_loop3A_193 = arith.constant 5 : i32
      %parallel_loop3A_194 = arith.index_cast %parallel_loop3A_193 : i32 to index
      %parallel_loop3A_195 = arith.index_cast %parallel_loop3A_114 : i32 to index
      %parallel_loop3A_196 = tpu.vector_load %arg6[%parallel_loop3A_194, %parallel_loop3A_195] {strides = array<i32>} : memref<8x2048xf32, #tpu.memory_space<vmem>>, vector<1x16xf32>,
      %parallel_loop3A_197 = vector.shape_cast %parallel_loop3A_196 : vector<1x16xf32> to vector<16xf32>
      %parallel_loop3A_198 = vector.shape_cast %parallel_loop3A_192 : vector<16xf32> to vector<1x16xf32>
      tpu.vector_store %arg6[%parallel_loop3A_194, %parallel_loop3A_195], %parallel_loop3A_198 {strides = array<i32>} : memref<8x2048xf32, #tpu.memory_space<vmem>>, vector<1x16xf32>,
      %parallel_loop3A_199 = arith.constant 6 : i32
      %parallel_loop3A_200 = arith.index_cast %parallel_loop3A_199 : i32 to index
      %parallel_loop3A_201 = arith.index_cast %parallel_loop3A_114 : i32 to index
      %parallel_loop3A_202 = tpu.vector_load %arg6[%parallel_loop3A_200, %parallel_loop3A_201] {strides = array<i32>} : memref<8x2048xf32, #tpu.memory_space<vmem>>, vector<1x16xf32>,
      %parallel_loop3A_203 = vector.shape_cast %parallel_loop3A_202 : vector<1x16xf32> to vector<16xf32>
      %parallel_loop3A_204 = arith.constant 45.2548332 : f32
      %parallel_loop3A_205 = vector.broadcast %parallel_loop3A_204 : f32 to vector<16xf32>
      %parallel_loop3A_206 = arith.mulf %parallel_loop3A_203, %parallel_loop3A_205 : vector<16xf32>
      %parallel_loop3A_207 = arith.constant 6 : i32
      %parallel_loop3A_208 = arith.index_cast %parallel_loop3A_207 : i32 to index
      %parallel_loop3A_209 = arith.index_cast %parallel_loop3A_114 : i32 to index
      %parallel_loop3A_210 = tpu.vector_load %arg6[%parallel_loop3A_208, %parallel_loop3A_209] {strides = array<i32>} : memref<8x2048xf32, #tpu.memory_space<vmem>>, vector<1x16xf32>,
      %parallel_loop3A_211 = vector.shape_cast %parallel_loop3A_210 : vector<1x16xf32> to vector<16xf32>
      %parallel_loop3A_212 = vector.shape_cast %parallel_loop3A_206 : vector<16xf32> to vector<1x16xf32>
      tpu.vector_store %arg6[%parallel_loop3A_208, %parallel_loop3A_209], %parallel_loop3A_212 {strides = array<i32>} : memref<8x2048xf32, #tpu.memory_space<vmem>>, vector<1x16xf32>,
      %parallel_loop3A_213 = arith.constant 7 : i32
      %parallel_loop3A_214 = arith.index_cast %parallel_loop3A_213 : i32 to index
      %parallel_loop3A_215 = arith.index_cast %parallel_loop3A_114 : i32 to index
      %parallel_loop3A_216 = tpu.vector_load %arg6[%parallel_loop3A_214, %parallel_loop3A_215] {strides = array<i32>} : memref<8x2048xf32, #tpu.memory_space<vmem>>, vector<1x16xf32>,
      %parallel_loop3A_217 = vector.shape_cast %parallel_loop3A_216 : vector<1x16xf32> to vector<16xf32>
      %parallel_loop3A_218 = arith.constant 45.2548332 : f32
      %parallel_loop3A_219 = vector.broadcast %parallel_loop3A_218 : f32 to vector<16xf32>
      %parallel_loop3A_220 = arith.mulf %parallel_loop3A_217, %parallel_loop3A_219 : vector<16xf32>
      %parallel_loop3A_221 = arith.constant 7 : i32
      %parallel_loop3A_222 = arith.index_cast %parallel_loop3A_221 : i32 to index
      %parallel_loop3A_223 = arith.index_cast %parallel_loop3A_114 : i32 to index
      %parallel_loop3A_224 = tpu.vector_load %arg6[%parallel_loop3A_222, %parallel_loop3A_223] {strides = array<i32>} : memref<8x2048xf32, #tpu.memory_space<vmem>>, vector<1x16xf32>,
      %parallel_loop3A_225 = vector.shape_cast %parallel_loop3A_224 : vector<1x16xf32> to vector<16xf32>
      %parallel_loop3A_226 = vector.shape_cast %parallel_loop3A_220 : vector<16xf32> to vector<1x16xf32>
      tpu.vector_store %arg6[%parallel_loop3A_222, %parallel_loop3A_223], %parallel_loop3A_226 {strides = array<i32>} : memref<8x2048xf32, #tpu.memory_space<vmem>>, vector<1x16xf32>,
    } {sc.loop_unroll_factor = 8 : i64, sc.parallel_access}
    %add3A_31 = arith.constant 0 : i32
    %add3A_32 = arith.addi %mul3A_2, %add3A_31 : i32
    %dma_start3A_33 = arith.constant 0 : i32
    %dma_start3A_34 = tpu.memref_slice %arg4[%add3A_32, %dma_start3A_33] : memref<16384x2048xf32, #tpu.memory_space<hbm>> -> memref<8x2048xf32, #tpu.memory_space<hbm>>
    %dma_start3A_35 = arith.constant 0 : i32
    %dma_start3A_36 = tpu.memref_slice %arg4[%add3A_32, %dma_start3A_35] : memref<16384x2048xf32, #tpu.memory_space<hbm>> -> memref<8x2048xf32, #tpu.memory_space<hbm>>
    tpu.enqueue_dma source(%arg6 : memref<8x2048xf32, #tpu.memory_space<vmem>>) target(%dma_start3A_36 : memref<8x2048xf32, #tpu.memory_space<hbm>>) target_semaphore(%arg12 : memref<!tpu.dma_semaphore, #tpu.memory_space<semaphore_mem>>)
    %scan3A = arith.constant 0 : i32
    %scan3A_37 = arith.constant 20 : i32
    %scan3A_38 = arith.addi %scan3A, %scan3A_37 : i32
    %scan3A_39 = arith.constant 1 : i32
    scf.for %scan3A_112 = %scan3A to %scan3A_38 step %scan3A_39  : i32 {
      %mul3A_113 = arith.constant 1 : i32
      %mul3A_114 = arith.muli %scan3A_112, %mul3A_113 : i32
      %add3A_115 = arith.constant 0 : i32
      %add3A_116 = arith.addi %add3A_115, %mul3A_114 : i32
      %mul3A_117 = arith.constant 3 : i32
      %mul3A_118 = arith.muli %add3A_116, %mul3A_117 : i32
      %add3A_119 = arith.constant 1 : i32
      %add3A_120 = arith.addi %mul3A_118, %add3A_119 : i32
      %dma_wait3A_121 = arith.constant 0 : i32
      %dma_wait3A_122 = tpu.memref_slice %arg4[%mul3A_2, %dma_wait3A_121] : memref<16384x2048xf32, #tpu.memory_space<hbm>> -> memref<8x2048xf32, #tpu.memory_space<hbm>>
      %dma_wait3A_123 = arith.constant 0 : i32
      %dma_wait3A_124 = tpu.memref_slice %arg4[%mul3A_2, %dma_wait3A_123] : memref<16384x2048xf32, #tpu.memory_space<hbm>> -> memref<8x2048xf32, #tpu.memory_space<hbm>>
      tpu.wait_dma2 semaphore(%arg12 : memref<!tpu.dma_semaphore, #tpu.memory_space<semaphore_mem>>) src(%arg6 : memref<8x2048xf32, #tpu.memory_space<vmem>>) dst(%dma_wait3A_124 : memref<8x2048xf32, #tpu.memory_space<hbm>>)
      %add3A_125 = arith.constant 3 : i32
      %add3A_126 = arith.addi %add3A_120, %add3A_125 : i32
      %sub3A = arith.constant 1 : i32
      %sub3A_127 = arith.subi %add3A_126, %sub3A : i32
      %lt3A = arith.constant 64 : i32
      %lt3A_128 = arith.cmpi slt, %sub3A_127, %lt3A : i32
      %convert_element_type3A = arith.extui %lt3A_128 : i1 to i32
      %cond3A = arith.constant 0 : i32
      %cond3A_129 = arith.cmpi ne, %convert_element_type3A, %cond3A : i32
      scf.if %cond3A_129 {
        %add3A_208 = arith.constant 3 : i32
        %add3A_209 = arith.addi %add3A_120, %add3A_208 : i32
        %sub3A_210 = arith.constant 1 : i32
        %sub3A_211 = arith.subi %add3A_209, %sub3A_210 : i32
        %dma_start3A_212 = arith.constant 0 : i32
        %dma_start3A_213 = tpu.memref_slice %arg5[%sub3A_211, %dma_start3A_212] : memref<64x8xi32, #tpu.memory_space<vmem>> -> memref<1x8xi32, #tpu.memory_space<vmem>>
        %dma_start3A_214 = tpu.memref_squeeze %dma_start3A_213 : memref<1x8xi32, #tpu.memory_space<vmem>> -> memref<8xi32, #tpu.memory_space<vmem>>
        %dma_start3A_215 = arith.constant 0 : i32
        %dma_start3A_216 = arith.constant 0 : i32
        %dma_start3A_217 = tpu.memref_slice %arg3[%dma_start3A_215, %dma_start3A_216] : memref<100000x2048xf32, #tpu.memory_space<hbm>> -> memref<100000x2048xf32, #tpu.memory_space<hbm>>
        tpu.enqueue_indirect_dma source(%dma_start3A_217 : memref<100000x2048xf32, #tpu.memory_space<hbm>>) target(%arg6 : memref<8x2048xf32, #tpu.memory_space<vmem>>) offsets(%dma_start3A_214 : memref<8xi32, #tpu.memory_space<vmem>>) semaphore(%arg9 : memref<!tpu.dma_semaphore, #tpu.memory_space<semaphore_mem>>)
      } else {
      }
      %dma_wait3A_130 = arith.constant 0 : i32
      %dma_wait3A_131 = tpu.memref_slice %arg5[%add3A_120, %dma_wait3A_130] : memref<64x8xi32, #tpu.memory_space<vmem>> -> memref<1x8xi32, #tpu.memory_space<vmem>>
      %dma_wait3A_132 = tpu.memref_squeeze %dma_wait3A_131 : memref<1x8xi32, #tpu.memory_space<vmem>> -> memref<8xi32, #tpu.memory_space<vmem>>
      %dma_wait3A_133 = arith.constant 0 : i32
      %dma_wait3A_134 = arith.constant 0 : i32
      %dma_wait3A_135 = tpu.memref_slice %arg3[%dma_wait3A_133, %dma_wait3A_134] : memref<100000x2048xf32, #tpu.memory_space<hbm>> -> memref<100000x2048xf32, #tpu.memory_space<hbm>>
      tpu.wait_indirect_dma semaphore(%arg10 : memref<!tpu.dma_semaphore, #tpu.memory_space<semaphore_mem>>) src(%dma_wait3A_135 : memref<100000x2048xf32, #tpu.memory_space<hbm>>) dst(%arg7 : memref<8x2048xf32, #tpu.memory_space<vmem>>)
      %parallel_loop3A_136 = arith.constant 0 : i32
      %parallel_loop3A_137 = arith.constant 128 : i32
      %parallel_loop3A_138 = arith.constant 1 : i32
      scf.for %parallel_loop3A_208 = %parallel_loop3A_136 to %parallel_loop3A_137 step %parallel_loop3A_138  : i32 {
        %parallel_loop3A_209 = arith.constant 16 : i32
        %parallel_loop3A_210 = arith.muli %parallel_loop3A_208, %parallel_loop3A_209 : i32
        %parallel_loop3A_211 = arith.constant 0 : i32
        %parallel_loop3A_212 = arith.index_cast %parallel_loop3A_211 : i32 to index
        %parallel_loop3A_213 = arith.index_cast %parallel_loop3A_210 : i32 to index
        %parallel_loop3A_214 = tpu.vector_load %arg7[%parallel_loop3A_212, %parallel_loop3A_213] {strides = array<i32>} : memref<8x2048xf32, #tpu.memory_space<vmem>>, vector<1x16xf32>,
        %parallel_loop3A_215 = vector.shape_cast %parallel_loop3A_214 : vector<1x16xf32> to vector<16xf32>
        %parallel_loop3A_216 = arith.constant 45.2548332 : f32
        %parallel_loop3A_217 = vector.broadcast %parallel_loop3A_216 : f32 to vector<16xf32>
        %parallel_loop3A_218 = arith.mulf %parallel_loop3A_215, %parallel_loop3A_217 : vector<16xf32>
        %parallel_loop3A_219 = arith.constant 0 : i32
        %parallel_loop3A_220 = arith.index_cast %parallel_loop3A_219 : i32 to index
        %parallel_loop3A_221 = arith.index_cast %parallel_loop3A_210 : i32 to index
        %parallel_loop3A_222 = tpu.vector_load %arg7[%parallel_loop3A_220, %parallel_loop3A_221] {strides = array<i32>} : memref<8x2048xf32, #tpu.memory_space<vmem>>, vector<1x16xf32>,
        %parallel_loop3A_223 = vector.shape_cast %parallel_loop3A_222 : vector<1x16xf32> to vector<16xf32>
        %parallel_loop3A_224 = vector.shape_cast %parallel_loop3A_218 : vector<16xf32> to vector<1x16xf32>
        tpu.vector_store %arg7[%parallel_loop3A_220, %parallel_loop3A_221], %parallel_loop3A_224 {strides = array<i32>} : memref<8x2048xf32, #tpu.memory_space<vmem>>, vector<1x16xf32>,
        %parallel_loop3A_225 = arith.constant 1 : i32
        %parallel_loop3A_226 = arith.index_cast %parallel_loop3A_225 : i32 to index
        %parallel_loop3A_227 = arith.index_cast %parallel_loop3A_210 : i32 to index
        %parallel_loop3A_228 = tpu.vector_load %arg7[%parallel_loop3A_226, %parallel_loop3A_227] {strides = array<i32>} : memref<8x2048xf32, #tpu.memory_space<vmem>>, vector<1x16xf32>,
        %parallel_loop3A_229 = vector.shape_cast %parallel_loop3A_228 : vector<1x16xf32> to vector<16xf32>
        %parallel_loop3A_230 = arith.constant 45.2548332 : f32
        %parallel_loop3A_231 = vector.broadcast %parallel_loop3A_230 : f32 to vector<16xf32>
        %parallel_loop3A_232 = arith.mulf %parallel_loop3A_229, %parallel_loop3A_231 : vector<16xf32>
        %parallel_loop3A_233 = arith.constant 1 : i32
        %parallel_loop3A_234 = arith.index_cast %parallel_loop3A_233 : i32 to index
        %parallel_loop3A_235 = arith.index_cast %parallel_loop3A_210 : i32 to index
        %parallel_loop3A_236 = tpu.vector_load %arg7[%parallel_loop3A_234, %parallel_loop3A_235] {strides = array<i32>} : memref<8x2048xf32, #tpu.memory_space<vmem>>, vector<1x16xf32>,
        %parallel_loop3A_237 = vector.shape_cast %parallel_loop3A_236 : vector<1x16xf32> to vector<16xf32>
        %parallel_loop3A_238 = vector.shape_cast %parallel_loop3A_232 : vector<16xf32> to vector<1x16xf32>
        tpu.vector_store %arg7[%parallel_loop3A_234, %parallel_loop3A_235], %parallel_loop3A_238 {strides = array<i32>} : memref<8x2048xf32, #tpu.memory_space<vmem>>, vector<1x16xf32>,
        %parallel_loop3A_239 = arith.constant 2 : i32
        %parallel_loop3A_240 = arith.index_cast %parallel_loop3A_239 : i32 to index
        %parallel_loop3A_241 = arith.index_cast %parallel_loop3A_210 : i32 to index
        %parallel_loop3A_242 = tpu.vector_load %arg7[%parallel_loop3A_240, %parallel_loop3A_241] {strides = array<i32>} : memref<8x2048xf32, #tpu.memory_space<vmem>>, vector<1x16xf32>,
        %parallel_loop3A_243 = vector.shape_cast %parallel_loop3A_242 : vector<1x16xf32> to vector<16xf32>
        %parallel_loop3A_244 = arith.constant 45.2548332 : f32
        %parallel_loop3A_245 = vector.broadcast %parallel_loop3A_244 : f32 to vector<16xf32>
        %parallel_loop3A_246 = arith.mulf %parallel_loop3A_243, %parallel_loop3A_245 : vector<16xf32>
        %parallel_loop3A_247 = arith.constant 2 : i32
        %parallel_loop3A_248 = arith.index_cast %parallel_loop3A_247 : i32 to index
        %parallel_loop3A_249 = arith.index_cast %parallel_loop3A_210 : i32 to index
        %parallel_loop3A_250 = tpu.vector_load %arg7[%parallel_loop3A_248, %parallel_loop3A_249] {strides = array<i32>} : memref<8x2048xf32, #tpu.memory_space<vmem>>, vector<1x16xf32>,
        %parallel_loop3A_251 = vector.shape_cast %parallel_loop3A_250 : vector<1x16xf32> to vector<16xf32>
        %parallel_loop3A_252 = vector.shape_cast %parallel_loop3A_246 : vector<16xf32> to vector<1x16xf32>
        tpu.vector_store %arg7[%parallel_loop3A_248, %parallel_loop3A_249], %parallel_loop3A_252 {strides = array<i32>} : memref<8x2048xf32, #tpu.memory_space<vmem>>, vector<1x16xf32>,
        %parallel_loop3A_253 = arith.constant 3 : i32
        %parallel_loop3A_254 = arith.index_cast %parallel_loop3A_253 : i32 to index
        %parallel_loop3A_255 = arith.index_cast %parallel_loop3A_210 : i32 to index
        %parallel_loop3A_256 = tpu.vector_load %arg7[%parallel_loop3A_254, %parallel_loop3A_255] {strides = array<i32>} : memref<8x2048xf32, #tpu.memory_space<vmem>>, vector<1x16xf32>,
        %parallel_loop3A_257 = vector.shape_cast %parallel_loop3A_256 : vector<1x16xf32> to vector<16xf32>
        %parallel_loop3A_258 = arith.constant 45.2548332 : f32
        %parallel_loop3A_259 = vector.broadcast %parallel_loop3A_258 : f32 to vector<16xf32>
        %parallel_loop3A_260 = arith.mulf %parallel_loop3A_257, %parallel_loop3A_259 : vector<16xf32>
        %parallel_loop3A_261 = arith.constant 3 : i32
        %parallel_loop3A_262 = arith.index_cast %parallel_loop3A_261 : i32 to index
        %parallel_loop3A_263 = arith.index_cast %parallel_loop3A_210 : i32 to index
        %parallel_loop3A_264 = tpu.vector_load %arg7[%parallel_loop3A_262, %parallel_loop3A_263] {strides = array<i32>} : memref<8x2048xf32, #tpu.memory_space<vmem>>, vector<1x16xf32>,
        %parallel_loop3A_265 = vector.shape_cast %parallel_loop3A_264 : vector<1x16xf32> to vector<16xf32>
        %parallel_loop3A_266 = vector.shape_cast %parallel_loop3A_260 : vector<16xf32> to vector<1x16xf32>
        tpu.vector_store %arg7[%parallel_loop3A_262, %parallel_loop3A_263], %parallel_loop3A_266 {strides = array<i32>} : memref<8x2048xf32, #tpu.memory_space<vmem>>, vector<1x16xf32>,
        %parallel_loop3A_267 = arith.constant 4 : i32
        %parallel_loop3A_268 = arith.index_cast %parallel_loop3A_267 : i32 to index
        %parallel_loop3A_269 = arith.index_cast %parallel_loop3A_210 : i32 to index
        %parallel_loop3A_270 = tpu.vector_load %arg7[%parallel_loop3A_268, %parallel_loop3A_269] {strides = array<i32>} : memref<8x2048xf32, #tpu.memory_space<vmem>>, vector<1x16xf32>,
        %parallel_loop3A_271 = vector.shape_cast %parallel_loop3A_270 : vector<1x16xf32> to vector<16xf32>
        %parallel_loop3A_272 = arith.constant 45.2548332 : f32
        %parallel_loop3A_273 = vector.broadcast %parallel_loop3A_272 : f32 to vector<16xf32>
        %parallel_loop3A_274 = arith.mulf %parallel_loop3A_271, %parallel_loop3A_273 : vector<16xf32>
        %parallel_loop3A_275 = arith.constant 4 : i32
        %parallel_loop3A_276 = arith.index_cast %parallel_loop3A_275 : i32 to index
        %parallel_loop3A_277 = arith.index_cast %parallel_loop3A_210 : i32 to index
        %parallel_loop3A_278 = tpu.vector_load %arg7[%parallel_loop3A_276, %parallel_loop3A_277] {strides = array<i32>} : memref<8x2048xf32, #tpu.memory_space<vmem>>, vector<1x16xf32>,
        %parallel_loop3A_279 = vector.shape_cast %parallel_loop3A_278 : vector<1x16xf32> to vector<16xf32>
        %parallel_loop3A_280 = vector.shape_cast %parallel_loop3A_274 : vector<16xf32> to vector<1x16xf32>
        tpu.vector_store %arg7[%parallel_loop3A_276, %parallel_loop3A_277], %parallel_loop3A_280 {strides = array<i32>} : memref<8x2048xf32, #tpu.memory_space<vmem>>, vector<1x16xf32>,
        %parallel_loop3A_281 = arith.constant 5 : i32
        %parallel_loop3A_282 = arith.index_cast %parallel_loop3A_281 : i32 to index
        %parallel_loop3A_283 = arith.index_cast %parallel_loop3A_210 : i32 to index
        %parallel_loop3A_284 = tpu.vector_load %arg7[%parallel_loop3A_282, %parallel_loop3A_283] {strides = array<i32>} : memref<8x2048xf32, #tpu.memory_space<vmem>>, vector<1x16xf32>,
        %parallel_loop3A_285 = vector.shape_cast %parallel_loop3A_284 : vector<1x16xf32> to vector<16xf32>
        %parallel_loop3A_286 = arith.constant 45.2548332 : f32
        %parallel_loop3A_287 = vector.broadcast %parallel_loop3A_286 : f32 to vector<16xf32>
        %parallel_loop3A_288 = arith.mulf %parallel_loop3A_285, %parallel_loop3A_287 : vector<16xf32>
        %parallel_loop3A_289 = arith.constant 5 : i32
        %parallel_loop3A_290 = arith.index_cast %parallel_loop3A_289 : i32 to index
        %parallel_loop3A_291 = arith.index_cast %parallel_loop3A_210 : i32 to index
        %parallel_loop3A_292 = tpu.vector_load %arg7[%parallel_loop3A_290, %parallel_loop3A_291] {strides = array<i32>} : memref<8x2048xf32, #tpu.memory_space<vmem>>, vector<1x16xf32>,
        %parallel_loop3A_293 = vector.shape_cast %parallel_loop3A_292 : vector<1x16xf32> to vector<16xf32>
        %parallel_loop3A_294 = vector.shape_cast %parallel_loop3A_288 : vector<16xf32> to vector<1x16xf32>
        tpu.vector_store %arg7[%parallel_loop3A_290, %parallel_loop3A_291], %parallel_loop3A_294 {strides = array<i32>} : memref<8x2048xf32, #tpu.memory_space<vmem>>, vector<1x16xf32>,
        %parallel_loop3A_295 = arith.constant 6 : i32
        %parallel_loop3A_296 = arith.index_cast %parallel_loop3A_295 : i32 to index
        %parallel_loop3A_297 = arith.index_cast %parallel_loop3A_210 : i32 to index
        %parallel_loop3A_298 = tpu.vector_load %arg7[%parallel_loop3A_296, %parallel_loop3A_297] {strides = array<i32>} : memref<8x2048xf32, #tpu.memory_space<vmem>>, vector<1x16xf32>,
        %parallel_loop3A_299 = vector.shape_cast %parallel_loop3A_298 : vector<1x16xf32> to vector<16xf32>
        %parallel_loop3A_300 = arith.constant 45.2548332 : f32
        %parallel_loop3A_301 = vector.broadcast %parallel_loop3A_300 : f32 to vector<16xf32>
        %parallel_loop3A_302 = arith.mulf %parallel_loop3A_299, %parallel_loop3A_301 : vector<16xf32>
        %parallel_loop3A_303 = arith.constant 6 : i32
        %parallel_loop3A_304 = arith.index_cast %parallel_loop3A_303 : i32 to index
        %parallel_loop3A_305 = arith.index_cast %parallel_loop3A_210 : i32 to index
        %parallel_loop3A_306 = tpu.vector_load %arg7[%parallel_loop3A_304, %parallel_loop3A_305] {strides = array<i32>} : memref<8x2048xf32, #tpu.memory_space<vmem>>, vector<1x16xf32>,
        %parallel_loop3A_307 = vector.shape_cast %parallel_loop3A_306 : vector<1x16xf32> to vector<16xf32>
        %parallel_loop3A_308 = vector.shape_cast %parallel_loop3A_302 : vector<16xf32> to vector<1x16xf32>
        tpu.vector_store %arg7[%parallel_loop3A_304, %parallel_loop3A_305], %parallel_loop3A_308 {strides = array<i32>} : memref<8x2048xf32, #tpu.memory_space<vmem>>, vector<1x16xf32>,
        %parallel_loop3A_309 = arith.constant 7 : i32
        %parallel_loop3A_310 = arith.index_cast %parallel_loop3A_309 : i32 to index
        %parallel_loop3A_311 = arith.index_cast %parallel_loop3A_210 : i32 to index
        %parallel_loop3A_312 = tpu.vector_load %arg7[%parallel_loop3A_310, %parallel_loop3A_311] {strides = array<i32>} : memref<8x2048xf32, #tpu.memory_space<vmem>>, vector<1x16xf32>,
        %parallel_loop3A_313 = vector.shape_cast %parallel_loop3A_312 : vector<1x16xf32> to vector<16xf32>
        %parallel_loop3A_314 = arith.constant 45.2548332 : f32
        %parallel_loop3A_315 = vector.broadcast %parallel_loop3A_314 : f32 to vector<16xf32>
        %parallel_loop3A_316 = arith.mulf %parallel_loop3A_313, %parallel_loop3A_315 : vector<16xf32>
        %parallel_loop3A_317 = arith.constant 7 : i32
        %parallel_loop3A_318 = arith.index_cast %parallel_loop3A_317 : i32 to index
        %parallel_loop3A_319 = arith.index_cast %parallel_loop3A_210 : i32 to index
        %parallel_loop3A_320 = tpu.vector_load %arg7[%parallel_loop3A_318, %parallel_loop3A_319] {strides = array<i32>} : memref<8x2048xf32, #tpu.memory_space<vmem>>, vector<1x16xf32>,
        %parallel_loop3A_321 = vector.shape_cast %parallel_loop3A_320 : vector<1x16xf32> to vector<16xf32>
        %parallel_loop3A_322 = vector.shape_cast %parallel_loop3A_316 : vector<16xf32> to vector<1x16xf32>
        tpu.vector_store %arg7[%parallel_loop3A_318, %parallel_loop3A_319], %parallel_loop3A_322 {strides = array<i32>} : memref<8x2048xf32, #tpu.memory_space<vmem>>, vector<1x16xf32>,
      } {sc.loop_unroll_factor = 8 : i64, sc.parallel_access}
      %mul3A_139 = arith.constant 8 : i32
      %mul3A_140 = arith.muli %add3A_120, %mul3A_139 : i32
      %add3A_141 = arith.addi %mul3A_2, %mul3A_140 : i32
      %dma_start3A_142 = arith.constant 0 : i32
      %dma_start3A_143 = tpu.memref_slice %arg4[%add3A_141, %dma_start3A_142] : memref<16384x2048xf32, #tpu.memory_space<hbm>> -> memref<8x2048xf32, #tpu.memory_space<hbm>>
      %dma_start3A_144 = arith.constant 0 : i32
      %dma_start3A_145 = tpu.memref_slice %arg4[%add3A_141, %dma_start3A_144] : memref<16384x2048xf32, #tpu.memory_space<hbm>> -> memref<8x2048xf32, #tpu.memory_space<hbm>>
      tpu.enqueue_dma source(%arg7 : memref<8x2048xf32, #tpu.memory_space<vmem>>) target(%dma_start3A_145 : memref<8x2048xf32, #tpu.memory_space<hbm>>) target_semaphore(%arg13 : memref<!tpu.dma_semaphore, #tpu.memory_space<semaphore_mem>>)
      %add3A_146 = arith.constant 2 : i32
      %add3A_147 = arith.addi %mul3A_118, %add3A_146 : i32
      %dma_wait3A_148 = arith.constant 0 : i32
      %dma_wait3A_149 = tpu.memref_slice %arg4[%mul3A_2, %dma_wait3A_148] : memref<16384x2048xf32, #tpu.memory_space<hbm>> -> memref<8x2048xf32, #tpu.memory_space<hbm>>
      %dma_wait3A_150 = arith.constant 0 : i32
      %dma_wait3A_151 = tpu.memref_slice %arg4[%mul3A_2, %dma_wait3A_150] : memref<16384x2048xf32, #tpu.memory_space<hbm>> -> memref<8x2048xf32, #tpu.memory_space<hbm>>
      tpu.wait_dma2 semaphore(%arg13 : memref<!tpu.dma_semaphore, #tpu.memory_space<semaphore_mem>>) src(%arg7 : memref<8x2048xf32, #tpu.memory_space<vmem>>) dst(%dma_wait3A_151 : memref<8x2048xf32, #tpu.memory_space<hbm>>)
      %add3A_152 = arith.constant 3 : i32
      %add3A_153 = arith.addi %add3A_147, %add3A_152 : i32
      %sub3A_154 = arith.constant 1 : i32
      %sub3A_155 = arith.subi %add3A_153, %sub3A_154 : i32
      %lt3A_156 = arith.constant 64 : i32
      %lt3A_157 = arith.cmpi slt, %sub3A_155, %lt3A_156 : i32
      %convert_element_type3A_158 = arith.extui %lt3A_157 : i1 to i32
      %cond3A_159 = arith.constant 0 : i32
      %cond3A_160 = arith.cmpi ne, %convert_element_type3A_158, %cond3A_159 : i32
      scf.if %cond3A_160 {
        %add3A_208 = arith.constant 3 : i32
        %add3A_209 = arith.addi %add3A_147, %add3A_208 : i32
        %sub3A_210 = arith.constant 1 : i32
        %sub3A_211 = arith.subi %add3A_209, %sub3A_210 : i32
        %dma_start3A_212 = arith.constant 0 : i32
        %dma_start3A_213 = tpu.memref_slice %arg5[%sub3A_211, %dma_start3A_212] : memref<64x8xi32, #tpu.memory_space<vmem>> -> memref<1x8xi32, #tpu.memory_space<vmem>>
        %dma_start3A_214 = tpu.memref_squeeze %dma_start3A_213 : memref<1x8xi32, #tpu.memory_space<vmem>> -> memref<8xi32, #tpu.memory_space<vmem>>
        %dma_start3A_215 = arith.constant 0 : i32
        %dma_start3A_216 = arith.constant 0 : i32
        %dma_start3A_217 = tpu.memref_slice %arg3[%dma_start3A_215, %dma_start3A_216] : memref<100000x2048xf32, #tpu.memory_space<hbm>> -> memref<100000x2048xf32, #tpu.memory_space<hbm>>
        tpu.enqueue_indirect_dma source(%dma_start3A_217 : memref<100000x2048xf32, #tpu.memory_space<hbm>>) target(%arg7 : memref<8x2048xf32, #tpu.memory_space<vmem>>) offsets(%dma_start3A_214 : memref<8xi32, #tpu.memory_space<vmem>>) semaphore(%arg10 : memref<!tpu.dma_semaphore, #tpu.memory_space<semaphore_mem>>)
      } else {
      }
      %dma_wait3A_161 = arith.constant 0 : i32
      %dma_wait3A_162 = tpu.memref_slice %arg5[%add3A_147, %dma_wait3A_161] : memref<64x8xi32, #tpu.memory_space<vmem>> -> memref<1x8xi32, #tpu.memory_space<vmem>>
      %dma_wait3A_163 = tpu.memref_squeeze %dma_wait3A_162 : memref<1x8xi32, #tpu.memory_space<vmem>> -> memref<8xi32, #tpu.memory_space<vmem>>
      %dma_wait3A_164 = arith.constant 0 : i32
      %dma_wait3A_165 = arith.constant 0 : i32
      %dma_wait3A_166 = tpu.memref_slice %arg3[%dma_wait3A_164, %dma_wait3A_165] : memref<100000x2048xf32, #tpu.memory_space<hbm>> -> memref<100000x2048xf32, #tpu.memory_space<hbm>>
      tpu.wait_indirect_dma semaphore(%arg11 : memref<!tpu.dma_semaphore, #tpu.memory_space<semaphore_mem>>) src(%dma_wait3A_166 : memref<100000x2048xf32, #tpu.memory_space<hbm>>) dst(%arg8 : memref<8x2048xf32, #tpu.memory_space<vmem>>)
      %parallel_loop3A_167 = arith.constant 0 : i32
      %parallel_loop3A_168 = arith.constant 128 : i32
      %parallel_loop3A_169 = arith.constant 1 : i32
      scf.for %parallel_loop3A_208 = %parallel_loop3A_167 to %parallel_loop3A_168 step %parallel_loop3A_169  : i32 {
        %parallel_loop3A_209 = arith.constant 16 : i32
        %parallel_loop3A_210 = arith.muli %parallel_loop3A_208, %parallel_loop3A_209 : i32
        %parallel_loop3A_211 = arith.constant 0 : i32
        %parallel_loop3A_212 = arith.index_cast %parallel_loop3A_211 : i32 to index
        %parallel_loop3A_213 = arith.index_cast %parallel_loop3A_210 : i32 to index
        %parallel_loop3A_214 = tpu.vector_load %arg8[%parallel_loop3A_212, %parallel_loop3A_213] {strides = array<i32>} : memref<8x2048xf32, #tpu.memory_space<vmem>>, vector<1x16xf32>,
        %parallel_loop3A_215 = vector.shape_cast %parallel_loop3A_214 : vector<1x16xf32> to vector<16xf32>
        %parallel_loop3A_216 = arith.constant 45.2548332 : f32
        %parallel_loop3A_217 = vector.broadcast %parallel_loop3A_216 : f32 to vector<16xf32>
        %parallel_loop3A_218 = arith.mulf %parallel_loop3A_215, %parallel_loop3A_217 : vector<16xf32>
        %parallel_loop3A_219 = arith.constant 0 : i32
        %parallel_loop3A_220 = arith.index_cast %parallel_loop3A_219 : i32 to index
        %parallel_loop3A_221 = arith.index_cast %parallel_loop3A_210 : i32 to index
        %parallel_loop3A_222 = tpu.vector_load %arg8[%parallel_loop3A_220, %parallel_loop3A_221] {strides = array<i32>} : memref<8x2048xf32, #tpu.memory_space<vmem>>, vector<1x16xf32>,
        %parallel_loop3A_223 = vector.shape_cast %parallel_loop3A_222 : vector<1x16xf32> to vector<16xf32>
        %parallel_loop3A_224 = vector.shape_cast %parallel_loop3A_218 : vector<16xf32> to vector<1x16xf32>
        tpu.vector_store %arg8[%parallel_loop3A_220, %parallel_loop3A_221], %parallel_loop3A_224 {strides = array<i32>} : memref<8x2048xf32, #tpu.memory_space<vmem>>, vector<1x16xf32>,
        %parallel_loop3A_225 = arith.constant 1 : i32
        %parallel_loop3A_226 = arith.index_cast %parallel_loop3A_225 : i32 to index
        %parallel_loop3A_227 = arith.index_cast %parallel_loop3A_210 : i32 to index
        %parallel_loop3A_228 = tpu.vector_load %arg8[%parallel_loop3A_226, %parallel_loop3A_227] {strides = array<i32>} : memref<8x2048xf32, #tpu.memory_space<vmem>>, vector<1x16xf32>,
        %parallel_loop3A_229 = vector.shape_cast %parallel_loop3A_228 : vector<1x16xf32> to vector<16xf32>
        %parallel_loop3A_230 = arith.constant 45.2548332 : f32
        %parallel_loop3A_231 = vector.broadcast %parallel_loop3A_230 : f32 to vector<16xf32>
        %parallel_loop3A_232 = arith.mulf %parallel_loop3A_229, %parallel_loop3A_231 : vector<16xf32>
        %parallel_loop3A_233 = arith.constant 1 : i32
        %parallel_loop3A_234 = arith.index_cast %parallel_loop3A_233 : i32 to index
        %parallel_loop3A_235 = arith.index_cast %parallel_loop3A_210 : i32 to index
        %parallel_loop3A_236 = tpu.vector_load %arg8[%parallel_loop3A_234, %parallel_loop3A_235] {strides = array<i32>} : memref<8x2048xf32, #tpu.memory_space<vmem>>, vector<1x16xf32>,
        %parallel_loop3A_237 = vector.shape_cast %parallel_loop3A_236 : vector<1x16xf32> to vector<16xf32>
        %parallel_loop3A_238 = vector.shape_cast %parallel_loop3A_232 : vector<16xf32> to vector<1x16xf32>
        tpu.vector_store %arg8[%parallel_loop3A_234, %parallel_loop3A_235], %parallel_loop3A_238 {strides = array<i32>} : memref<8x2048xf32, #tpu.memory_space<vmem>>, vector<1x16xf32>,
        %parallel_loop3A_239 = arith.constant 2 : i32
        %parallel_loop3A_240 = arith.index_cast %parallel_loop3A_239 : i32 to index
        %parallel_loop3A_241 = arith.index_cast %parallel_loop3A_210 : i32 to index
        %parallel_loop3A_242 = tpu.vector_load %arg8[%parallel_loop3A_240, %parallel_loop3A_241] {strides = array<i32>} : memref<8x2048xf32, #tpu.memory_space<vmem>>, vector<1x16xf32>,
        %parallel_loop3A_243 = vector.shape_cast %parallel_loop3A_242 : vector<1x16xf32> to vector<16xf32>
        %parallel_loop3A_244 = arith.constant 45.2548332 : f32
        %parallel_loop3A_245 = vector.broadcast %parallel_loop3A_244 : f32 to vector<16xf32>
        %parallel_loop3A_246 = arith.mulf %parallel_loop3A_243, %parallel_loop3A_245 : vector<16xf32>
        %parallel_loop3A_247 = arith.constant 2 : i32
        %parallel_loop3A_248 = arith.index_cast %parallel_loop3A_247 : i32 to index
        %parallel_loop3A_249 = arith.index_cast %parallel_loop3A_210 : i32 to index
        %parallel_loop3A_250 = tpu.vector_load %arg8[%parallel_loop3A_248, %parallel_loop3A_249] {strides = array<i32>} : memref<8x2048xf32, #tpu.memory_space<vmem>>, vector<1x16xf32>,
        %parallel_loop3A_251 = vector.shape_cast %parallel_loop3A_250 : vector<1x16xf32> to vector<16xf32>
        %parallel_loop3A_252 = vector.shape_cast %parallel_loop3A_246 : vector<16xf32> to vector<1x16xf32>
        tpu.vector_store %arg8[%parallel_loop3A_248, %parallel_loop3A_249], %parallel_loop3A_252 {strides = array<i32>} : memref<8x2048xf32, #tpu.memory_space<vmem>>, vector<1x16xf32>,
        %parallel_loop3A_253 = arith.constant 3 : i32
        %parallel_loop3A_254 = arith.index_cast %parallel_loop3A_253 : i32 to index
        %parallel_loop3A_255 = arith.index_cast %parallel_loop3A_210 : i32 to index
        %parallel_loop3A_256 = tpu.vector_load %arg8[%parallel_loop3A_254, %parallel_loop3A_255] {strides = array<i32>} : memref<8x2048xf32, #tpu.memory_space<vmem>>, vector<1x16xf32>,
        %parallel_loop3A_257 = vector.shape_cast %parallel_loop3A_256 : vector<1x16xf32> to vector<16xf32>
        %parallel_loop3A_258 = arith.constant 45.2548332 : f32
        %parallel_loop3A_259 = vector.broadcast %parallel_loop3A_258 : f32 to vector<16xf32>
        %parallel_loop3A_260 = arith.mulf %parallel_loop3A_257, %parallel_loop3A_259 : vector<16xf32>
        %parallel_loop3A_261 = arith.constant 3 : i32
        %parallel_loop3A_262 = arith.index_cast %parallel_loop3A_261 : i32 to index
        %parallel_loop3A_263 = arith.index_cast %parallel_loop3A_210 : i32 to index
        %parallel_loop3A_264 = tpu.vector_load %arg8[%parallel_loop3A_262, %parallel_loop3A_263] {strides = array<i32>} : memref<8x2048xf32, #tpu.memory_space<vmem>>, vector<1x16xf32>,
        %parallel_loop3A_265 = vector.shape_cast %parallel_loop3A_264 : vector<1x16xf32> to vector<16xf32>
        %parallel_loop3A_266 = vector.shape_cast %parallel_loop3A_260 : vector<16xf32> to vector<1x16xf32>
        tpu.vector_store %arg8[%parallel_loop3A_262, %parallel_loop3A_263], %parallel_loop3A_266 {strides = array<i32>} : memref<8x2048xf32, #tpu.memory_space<vmem>>, vector<1x16xf32>,
        %parallel_loop3A_267 = arith.constant 4 : i32
        %parallel_loop3A_268 = arith.index_cast %parallel_loop3A_267 : i32 to index
        %parallel_loop3A_269 = arith.index_cast %parallel_loop3A_210 : i32 to index
        %parallel_loop3A_270 = tpu.vector_load %arg8[%parallel_loop3A_268, %parallel_loop3A_269] {strides = array<i32>} : memref<8x2048xf32, #tpu.memory_space<vmem>>, vector<1x16xf32>,
        %parallel_loop3A_271 = vector.shape_cast %parallel_loop3A_270 : vector<1x16xf32> to vector<16xf32>
        %parallel_loop3A_272 = arith.constant 45.2548332 : f32
        %parallel_loop3A_273 = vector.broadcast %parallel_loop3A_272 : f32 to vector<16xf32>
        %parallel_loop3A_274 = arith.mulf %parallel_loop3A_271, %parallel_loop3A_273 : vector<16xf32>
        %parallel_loop3A_275 = arith.constant 4 : i32
        %parallel_loop3A_276 = arith.index_cast %parallel_loop3A_275 : i32 to index
        %parallel_loop3A_277 = arith.index_cast %parallel_loop3A_210 : i32 to index
        %parallel_loop3A_278 = tpu.vector_load %arg8[%parallel_loop3A_276, %parallel_loop3A_277] {strides = array<i32>} : memref<8x2048xf32, #tpu.memory_space<vmem>>, vector<1x16xf32>,
        %parallel_loop3A_279 = vector.shape_cast %parallel_loop3A_278 : vector<1x16xf32> to vector<16xf32>
        %parallel_loop3A_280 = vector.shape_cast %parallel_loop3A_274 : vector<16xf32> to vector<1x16xf32>
        tpu.vector_store %arg8[%parallel_loop3A_276, %parallel_loop3A_277], %parallel_loop3A_280 {strides = array<i32>} : memref<8x2048xf32, #tpu.memory_space<vmem>>, vector<1x16xf32>,
        %parallel_loop3A_281 = arith.constant 5 : i32
        %parallel_loop3A_282 = arith.index_cast %parallel_loop3A_281 : i32 to index
        %parallel_loop3A_283 = arith.index_cast %parallel_loop3A_210 : i32 to index
        %parallel_loop3A_284 = tpu.vector_load %arg8[%parallel_loop3A_282, %parallel_loop3A_283] {strides = array<i32>} : memref<8x2048xf32, #tpu.memory_space<vmem>>, vector<1x16xf32>,
        %parallel_loop3A_285 = vector.shape_cast %parallel_loop3A_284 : vector<1x16xf32> to vector<16xf32>
        %parallel_loop3A_286 = arith.constant 45.2548332 : f32
        %parallel_loop3A_287 = vector.broadcast %parallel_loop3A_286 : f32 to vector<16xf32>
        %parallel_loop3A_288 = arith.mulf %parallel_loop3A_285, %parallel_loop3A_287 : vector<16xf32>
        %parallel_loop3A_289 = arith.constant 5 : i32
        %parallel_loop3A_290 = arith.index_cast %parallel_loop3A_289 : i32 to index
        %parallel_loop3A_291 = arith.index_cast %parallel_loop3A_210 : i32 to index
        %parallel_loop3A_292 = tpu.vector_load %arg8[%parallel_loop3A_290, %parallel_loop3A_291] {strides = array<i32>} : memref<8x2048xf32, #tpu.memory_space<vmem>>, vector<1x16xf32>,
        %parallel_loop3A_293 = vector.shape_cast %parallel_loop3A_292 : vector<1x16xf32> to vector<16xf32>
        %parallel_loop3A_294 = vector.shape_cast %parallel_loop3A_288 : vector<16xf32> to vector<1x16xf32>
        tpu.vector_store %arg8[%parallel_loop3A_290, %parallel_loop3A_291], %parallel_loop3A_294 {strides = array<i32>} : memref<8x2048xf32, #tpu.memory_space<vmem>>, vector<1x16xf32>,
        %parallel_loop3A_295 = arith.constant 6 : i32
        %parallel_loop3A_296 = arith.index_cast %parallel_loop3A_295 : i32 to index
        %parallel_loop3A_297 = arith.index_cast %parallel_loop3A_210 : i32 to index
        %parallel_loop3A_298 = tpu.vector_load %arg8[%parallel_loop3A_296, %parallel_loop3A_297] {strides = array<i32>} : memref<8x2048xf32, #tpu.memory_space<vmem>>, vector<1x16xf32>,
        %parallel_loop3A_299 = vector.shape_cast %parallel_loop3A_298 : vector<1x16xf32> to vector<16xf32>
        %parallel_loop3A_300 = arith.constant 45.2548332 : f32
        %parallel_loop3A_301 = vector.broadcast %parallel_loop3A_300 : f32 to vector<16xf32>
        %parallel_loop3A_302 = arith.mulf %parallel_loop3A_299, %parallel_loop3A_301 : vector<16xf32>
        %parallel_loop3A_303 = arith.constant 6 : i32
        %parallel_loop3A_304 = arith.index_cast %parallel_loop3A_303 : i32 to index
        %parallel_loop3A_305 = arith.index_cast %parallel_loop3A_210 : i32 to index
        %parallel_loop3A_306 = tpu.vector_load %arg8[%parallel_loop3A_304, %parallel_loop3A_305] {strides = array<i32>} : memref<8x2048xf32, #tpu.memory_space<vmem>>, vector<1x16xf32>,
        %parallel_loop3A_307 = vector.shape_cast %parallel_loop3A_306 : vector<1x16xf32> to vector<16xf32>
        %parallel_loop3A_308 = vector.shape_cast %parallel_loop3A_302 : vector<16xf32> to vector<1x16xf32>
        tpu.vector_store %arg8[%parallel_loop3A_304, %parallel_loop3A_305], %parallel_loop3A_308 {strides = array<i32>} : memref<8x2048xf32, #tpu.memory_space<vmem>>, vector<1x16xf32>,
        %parallel_loop3A_309 = arith.constant 7 : i32
        %parallel_loop3A_310 = arith.index_cast %parallel_loop3A_309 : i32 to index
        %parallel_loop3A_311 = arith.index_cast %parallel_loop3A_210 : i32 to index
        %parallel_loop3A_312 = tpu.vector_load %arg8[%parallel_loop3A_310, %parallel_loop3A_311] {strides = array<i32>} : memref<8x2048xf32, #tpu.memory_space<vmem>>, vector<1x16xf32>,
        %parallel_loop3A_313 = vector.shape_cast %parallel_loop3A_312 : vector<1x16xf32> to vector<16xf32>
        %parallel_loop3A_314 = arith.constant 45.2548332 : f32
        %parallel_loop3A_315 = vector.broadcast %parallel_loop3A_314 : f32 to vector<16xf32>
        %parallel_loop3A_316 = arith.mulf %parallel_loop3A_313, %parallel_loop3A_315 : vector<16xf32>
        %parallel_loop3A_317 = arith.constant 7 : i32
        %parallel_loop3A_318 = arith.index_cast %parallel_loop3A_317 : i32 to index
        %parallel_loop3A_319 = arith.index_cast %parallel_loop3A_210 : i32 to index
        %parallel_loop3A_320 = tpu.vector_load %arg8[%parallel_loop3A_318, %parallel_loop3A_319] {strides = array<i32>} : memref<8x2048xf32, #tpu.memory_space<vmem>>, vector<1x16xf32>,
        %parallel_loop3A_321 = vector.shape_cast %parallel_loop3A_320 : vector<1x16xf32> to vector<16xf32>
        %parallel_loop3A_322 = vector.shape_cast %parallel_loop3A_316 : vector<16xf32> to vector<1x16xf32>
        tpu.vector_store %arg8[%parallel_loop3A_318, %parallel_loop3A_319], %parallel_loop3A_322 {strides = array<i32>} : memref<8x2048xf32, #tpu.memory_space<vmem>>, vector<1x16xf32>,
      } {sc.loop_unroll_factor = 8 : i64, sc.parallel_access}
      %mul3A_170 = arith.constant 8 : i32
      %mul3A_171 = arith.muli %add3A_147, %mul3A_170 : i32
      %add3A_172 = arith.addi %mul3A_2, %mul3A_171 : i32
      %dma_start3A_173 = arith.constant 0 : i32
      %dma_start3A_174 = tpu.memref_slice %arg4[%add3A_172, %dma_start3A_173] : memref<16384x2048xf32, #tpu.memory_space<hbm>> -> memref<8x2048xf32, #tpu.memory_space<hbm>>
      %dma_start3A_175 = arith.constant 0 : i32
      %dma_start3A_176 = tpu.memref_slice %arg4[%add3A_172, %dma_start3A_175] : memref<16384x2048xf32, #tpu.memory_space<hbm>> -> memref<8x2048xf32, #tpu.memory_space<hbm>>
      tpu.enqueue_dma source(%arg8 : memref<8x2048xf32, #tpu.memory_space<vmem>>) target(%dma_start3A_176 : memref<8x2048xf32, #tpu.memory_space<hbm>>) target_semaphore(%arg14 : memref<!tpu.dma_semaphore, #tpu.memory_space<semaphore_mem>>)
      %add3A_177 = arith.constant 3 : i32
      %add3A_178 = arith.addi %mul3A_118, %add3A_177 : i32
      %dma_wait3A_179 = arith.constant 0 : i32
      %dma_wait3A_180 = tpu.memref_slice %arg4[%mul3A_2, %dma_wait3A_179] : memref<16384x2048xf32, #tpu.memory_space<hbm>> -> memref<8x2048xf32, #tpu.memory_space<hbm>>
      %dma_wait3A_181 = arith.constant 0 : i32
      %dma_wait3A_182 = tpu.memref_slice %arg4[%mul3A_2, %dma_wait3A_181] : memref<16384x2048xf32, #tpu.memory_space<hbm>> -> memref<8x2048xf32, #tpu.memory_space<hbm>>
      tpu.wait_dma2 semaphore(%arg14 : memref<!tpu.dma_semaphore, #tpu.memory_space<semaphore_mem>>) src(%arg8 : memref<8x2048xf32, #tpu.memory_space<vmem>>) dst(%dma_wait3A_182 : memref<8x2048xf32, #tpu.memory_space<hbm>>)
      %add3A_183 = arith.constant 3 : i32
      %add3A_184 = arith.addi %add3A_178, %add3A_183 : i32
      %sub3A_185 = arith.constant 1 : i32
      %sub3A_186 = arith.subi %add3A_184, %sub3A_185 : i32
      %lt3A_187 = arith.constant 64 : i32
      %lt3A_188 = arith.cmpi slt, %sub3A_186, %lt3A_187 : i32
      %convert_element_type3A_189 = arith.extui %lt3A_188 : i1 to i32
      %cond3A_190 = arith.constant 0 : i32
      %cond3A_191 = arith.cmpi ne, %convert_element_type3A_189, %cond3A_190 : i32
      scf.if %cond3A_191 {
        %add3A_208 = arith.constant 3 : i32
        %add3A_209 = arith.addi %add3A_178, %add3A_208 : i32
        %sub3A_210 = arith.constant 1 : i32
        %sub3A_211 = arith.subi %add3A_209, %sub3A_210 : i32
        %dma_start3A_212 = arith.constant 0 : i32
        %dma_start3A_213 = tpu.memref_slice %arg5[%sub3A_211, %dma_start3A_212] : memref<64x8xi32, #tpu.memory_space<vmem>> -> memref<1x8xi32, #tpu.memory_space<vmem>>
        %dma_start3A_214 = tpu.memref_squeeze %dma_start3A_213 : memref<1x8xi32, #tpu.memory_space<vmem>> -> memref<8xi32, #tpu.memory_space<vmem>>
        %dma_start3A_215 = arith.constant 0 : i32
        %dma_start3A_216 = arith.constant 0 : i32
        %dma_start3A_217 = tpu.memref_slice %arg3[%dma_start3A_215, %dma_start3A_216] : memref<100000x2048xf32, #tpu.memory_space<hbm>> -> memref<100000x2048xf32, #tpu.memory_space<hbm>>
        tpu.enqueue_indirect_dma source(%dma_start3A_217 : memref<100000x2048xf32, #tpu.memory_space<hbm>>) target(%arg8 : memref<8x2048xf32, #tpu.memory_space<vmem>>) offsets(%dma_start3A_214 : memref<8xi32, #tpu.memory_space<vmem>>) semaphore(%arg11 : memref<!tpu.dma_semaphore, #tpu.memory_space<semaphore_mem>>)
      } else {
      }
      %dma_wait3A_192 = arith.constant 0 : i32
      %dma_wait3A_193 = tpu.memref_slice %arg5[%add3A_178, %dma_wait3A_192] : memref<64x8xi32, #tpu.memory_space<vmem>> -> memref<1x8xi32, #tpu.memory_space<vmem>>
      %dma_wait3A_194 = tpu.memref_squeeze %dma_wait3A_193 : memref<1x8xi32, #tpu.memory_space<vmem>> -> memref<8xi32, #tpu.memory_space<vmem>>
      %dma_wait3A_195 = arith.constant 0 : i32
      %dma_wait3A_196 = arith.constant 0 : i32
      %dma_wait3A_197 = tpu.memref_slice %arg3[%dma_wait3A_195, %dma_wait3A_196] : memref<100000x2048xf32, #tpu.memory_space<hbm>> -> memref<100000x2048xf32, #tpu.memory_space<hbm>>
      tpu.wait_indirect_dma semaphore(%arg9 : memref<!tpu.dma_semaphore, #tpu.memory_space<semaphore_mem>>) src(%dma_wait3A_197 : memref<100000x2048xf32, #tpu.memory_space<hbm>>) dst(%arg6 : memref<8x2048xf32, #tpu.memory_space<vmem>>)
      %parallel_loop3A_198 = arith.constant 0 : i32
      %parallel_loop3A_199 = arith.constant 128 : i32
      %parallel_loop3A_200 = arith.constant 1 : i32
      scf.for %parallel_loop3A_208 = %parallel_loop3A_198 to %parallel_loop3A_199 step %parallel_loop3A_200  : i32 {
        %parallel_loop3A_209 = arith.constant 16 : i32
        %parallel_loop3A_210 = arith.muli %parallel_loop3A_208, %parallel_loop3A_209 : i32
        %parallel_loop3A_211 = arith.constant 0 : i32
        %parallel_loop3A_212 = arith.index_cast %parallel_loop3A_211 : i32 to index
        %parallel_loop3A_213 = arith.index_cast %parallel_loop3A_210 : i32 to index
        %parallel_loop3A_214 = tpu.vector_load %arg6[%parallel_loop3A_212, %parallel_loop3A_213] {strides = array<i32>} : memref<8x2048xf32, #tpu.memory_space<vmem>>, vector<1x16xf32>,
        %parallel_loop3A_215 = vector.shape_cast %parallel_loop3A_214 : vector<1x16xf32> to vector<16xf32>
        %parallel_loop3A_216 = arith.constant 45.2548332 : f32
        %parallel_loop3A_217 = vector.broadcast %parallel_loop3A_216 : f32 to vector<16xf32>
        %parallel_loop3A_218 = arith.mulf %parallel_loop3A_215, %parallel_loop3A_217 : vector<16xf32>
        %parallel_loop3A_219 = arith.constant 0 : i32
        %parallel_loop3A_220 = arith.index_cast %parallel_loop3A_219 : i32 to index
        %parallel_loop3A_221 = arith.index_cast %parallel_loop3A_210 : i32 to index
        %parallel_loop3A_222 = tpu.vector_load %arg6[%parallel_loop3A_220, %parallel_loop3A_221] {strides = array<i32>} : memref<8x2048xf32, #tpu.memory_space<vmem>>, vector<1x16xf32>,
        %parallel_loop3A_223 = vector.shape_cast %parallel_loop3A_222 : vector<1x16xf32> to vector<16xf32>
        %parallel_loop3A_224 = vector.shape_cast %parallel_loop3A_218 : vector<16xf32> to vector<1x16xf32>
        tpu.vector_store %arg6[%parallel_loop3A_220, %parallel_loop3A_221], %parallel_loop3A_224 {strides = array<i32>} : memref<8x2048xf32, #tpu.memory_space<vmem>>, vector<1x16xf32>,
        %parallel_loop3A_225 = arith.constant 1 : i32
        %parallel_loop3A_226 = arith.index_cast %parallel_loop3A_225 : i32 to index
        %parallel_loop3A_227 = arith.index_cast %parallel_loop3A_210 : i32 to index
        %parallel_loop3A_228 = tpu.vector_load %arg6[%parallel_loop3A_226, %parallel_loop3A_227] {strides = array<i32>} : memref<8x2048xf32, #tpu.memory_space<vmem>>, vector<1x16xf32>,
        %parallel_loop3A_229 = vector.shape_cast %parallel_loop3A_228 : vector<1x16xf32> to vector<16xf32>
        %parallel_loop3A_230 = arith.constant 45.2548332 : f32
        %parallel_loop3A_231 = vector.broadcast %parallel_loop3A_230 : f32 to vector<16xf32>
        %parallel_loop3A_232 = arith.mulf %parallel_loop3A_229, %parallel_loop3A_231 : vector<16xf32>
        %parallel_loop3A_233 = arith.constant 1 : i32
        %parallel_loop3A_234 = arith.index_cast %parallel_loop3A_233 : i32 to index
        %parallel_loop3A_235 = arith.index_cast %parallel_loop3A_210 : i32 to index
        %parallel_loop3A_236 = tpu.vector_load %arg6[%parallel_loop3A_234, %parallel_loop3A_235] {strides = array<i32>} : memref<8x2048xf32, #tpu.memory_space<vmem>>, vector<1x16xf32>,
        %parallel_loop3A_237 = vector.shape_cast %parallel_loop3A_236 : vector<1x16xf32> to vector<16xf32>
        %parallel_loop3A_238 = vector.shape_cast %parallel_loop3A_232 : vector<16xf32> to vector<1x16xf32>
        tpu.vector_store %arg6[%parallel_loop3A_234, %parallel_loop3A_235], %parallel_loop3A_238 {strides = array<i32>} : memref<8x2048xf32, #tpu.memory_space<vmem>>, vector<1x16xf32>,
        %parallel_loop3A_239 = arith.constant 2 : i32
        %parallel_loop3A_240 = arith.index_cast %parallel_loop3A_239 : i32 to index
        %parallel_loop3A_241 = arith.index_cast %parallel_loop3A_210 : i32 to index
        %parallel_loop3A_242 = tpu.vector_load %arg6[%parallel_loop3A_240, %parallel_loop3A_241] {strides = array<i32>} : memref<8x2048xf32, #tpu.memory_space<vmem>>, vector<1x16xf32>,
        %parallel_loop3A_243 = vector.shape_cast %parallel_loop3A_242 : vector<1x16xf32> to vector<16xf32>
        %parallel_loop3A_244 = arith.constant 45.2548332 : f32
        %parallel_loop3A_245 = vector.broadcast %parallel_loop3A_244 : f32 to vector<16xf32>
        %parallel_loop3A_246 = arith.mulf %parallel_loop3A_243, %parallel_loop3A_245 : vector<16xf32>
        %parallel_loop3A_247 = arith.constant 2 : i32
        %parallel_loop3A_248 = arith.index_cast %parallel_loop3A_247 : i32 to index
        %parallel_loop3A_249 = arith.index_cast %parallel_loop3A_210 : i32 to index
        %parallel_loop3A_250 = tpu.vector_load %arg6[%parallel_loop3A_248, %parallel_loop3A_249] {strides = array<i32>} : memref<8x2048xf32, #tpu.memory_space<vmem>>, vector<1x16xf32>,
        %parallel_loop3A_251 = vector.shape_cast %parallel_loop3A_250 : vector<1x16xf32> to vector<16xf32>
        %parallel_loop3A_252 = vector.shape_cast %parallel_loop3A_246 : vector<16xf32> to vector<1x16xf32>
        tpu.vector_store %arg6[%parallel_loop3A_248, %parallel_loop3A_249], %parallel_loop3A_252 {strides = array<i32>} : memref<8x2048xf32, #tpu.memory_space<vmem>>, vector<1x16xf32>,
        %parallel_loop3A_253 = arith.constant 3 : i32
        %parallel_loop3A_254 = arith.index_cast %parallel_loop3A_253 : i32 to index
        %parallel_loop3A_255 = arith.index_cast %parallel_loop3A_210 : i32 to index
        %parallel_loop3A_256 = tpu.vector_load %arg6[%parallel_loop3A_254, %parallel_loop3A_255] {strides = array<i32>} : memref<8x2048xf32, #tpu.memory_space<vmem>>, vector<1x16xf32>,
        %parallel_loop3A_257 = vector.shape_cast %parallel_loop3A_256 : vector<1x16xf32> to vector<16xf32>
        %parallel_loop3A_258 = arith.constant 45.2548332 : f32
        %parallel_loop3A_259 = vector.broadcast %parallel_loop3A_258 : f32 to vector<16xf32>
        %parallel_loop3A_260 = arith.mulf %parallel_loop3A_257, %parallel_loop3A_259 : vector<16xf32>
        %parallel_loop3A_261 = arith.constant 3 : i32
        %parallel_loop3A_262 = arith.index_cast %parallel_loop3A_261 : i32 to index
        %parallel_loop3A_263 = arith.index_cast %parallel_loop3A_210 : i32 to index
        %parallel_loop3A_264 = tpu.vector_load %arg6[%parallel_loop3A_262, %parallel_loop3A_263] {strides = array<i32>} : memref<8x2048xf32, #tpu.memory_space<vmem>>, vector<1x16xf32>,
        %parallel_loop3A_265 = vector.shape_cast %parallel_loop3A_264 : vector<1x16xf32> to vector<16xf32>
        %parallel_loop3A_266 = vector.shape_cast %parallel_loop3A_260 : vector<16xf32> to vector<1x16xf32>
        tpu.vector_store %arg6[%parallel_loop3A_262, %parallel_loop3A_263], %parallel_loop3A_266 {strides = array<i32>} : memref<8x2048xf32, #tpu.memory_space<vmem>>, vector<1x16xf32>,
        %parallel_loop3A_267 = arith.constant 4 : i32
        %parallel_loop3A_268 = arith.index_cast %parallel_loop3A_267 : i32 to index
        %parallel_loop3A_269 = arith.index_cast %parallel_loop3A_210 : i32 to index
        %parallel_loop3A_270 = tpu.vector_load %arg6[%parallel_loop3A_268, %parallel_loop3A_269] {strides = array<i32>} : memref<8x2048xf32, #tpu.memory_space<vmem>>, vector<1x16xf32>,
        %parallel_loop3A_271 = vector.shape_cast %parallel_loop3A_270 : vector<1x16xf32> to vector<16xf32>
        %parallel_loop3A_272 = arith.constant 45.2548332 : f32
        %parallel_loop3A_273 = vector.broadcast %parallel_loop3A_272 : f32 to vector<16xf32>
        %parallel_loop3A_274 = arith.mulf %parallel_loop3A_271, %parallel_loop3A_273 : vector<16xf32>
        %parallel_loop3A_275 = arith.constant 4 : i32
        %parallel_loop3A_276 = arith.index_cast %parallel_loop3A_275 : i32 to index
        %parallel_loop3A_277 = arith.index_cast %parallel_loop3A_210 : i32 to index
        %parallel_loop3A_278 = tpu.vector_load %arg6[%parallel_loop3A_276, %parallel_loop3A_277] {strides = array<i32>} : memref<8x2048xf32, #tpu.memory_space<vmem>>, vector<1x16xf32>,
        %parallel_loop3A_279 = vector.shape_cast %parallel_loop3A_278 : vector<1x16xf32> to vector<16xf32>
        %parallel_loop3A_280 = vector.shape_cast %parallel_loop3A_274 : vector<16xf32> to vector<1x16xf32>
        tpu.vector_store %arg6[%parallel_loop3A_276, %parallel_loop3A_277], %parallel_loop3A_280 {strides = array<i32>} : memref<8x2048xf32, #tpu.memory_space<vmem>>, vector<1x16xf32>,
        %parallel_loop3A_281 = arith.constant 5 : i32
        %parallel_loop3A_282 = arith.index_cast %parallel_loop3A_281 : i32 to index
        %parallel_loop3A_283 = arith.index_cast %parallel_loop3A_210 : i32 to index
        %parallel_loop3A_284 = tpu.vector_load %arg6[%parallel_loop3A_282, %parallel_loop3A_283] {strides = array<i32>} : memref<8x2048xf32, #tpu.memory_space<vmem>>, vector<1x16xf32>,
        %parallel_loop3A_285 = vector.shape_cast %parallel_loop3A_284 : vector<1x16xf32> to vector<16xf32>
        %parallel_loop3A_286 = arith.constant 45.2548332 : f32
        %parallel_loop3A_287 = vector.broadcast %parallel_loop3A_286 : f32 to vector<16xf32>
        %parallel_loop3A_288 = arith.mulf %parallel_loop3A_285, %parallel_loop3A_287 : vector<16xf32>
        %parallel_loop3A_289 = arith.constant 5 : i32
        %parallel_loop3A_290 = arith.index_cast %parallel_loop3A_289 : i32 to index
        %parallel_loop3A_291 = arith.index_cast %parallel_loop3A_210 : i32 to index
        %parallel_loop3A_292 = tpu.vector_load %arg6[%parallel_loop3A_290, %parallel_loop3A_291] {strides = array<i32>} : memref<8x2048xf32, #tpu.memory_space<vmem>>, vector<1x16xf32>,
        %parallel_loop3A_293 = vector.shape_cast %parallel_loop3A_292 : vector<1x16xf32> to vector<16xf32>
        %parallel_loop3A_294 = vector.shape_cast %parallel_loop3A_288 : vector<16xf32> to vector<1x16xf32>
        tpu.vector_store %arg6[%parallel_loop3A_290, %parallel_loop3A_291], %parallel_loop3A_294 {strides = array<i32>} : memref<8x2048xf32, #tpu.memory_space<vmem>>, vector<1x16xf32>,
        %parallel_loop3A_295 = arith.constant 6 : i32
        %parallel_loop3A_296 = arith.index_cast %parallel_loop3A_295 : i32 to index
        %parallel_loop3A_297 = arith.index_cast %parallel_loop3A_210 : i32 to index
        %parallel_loop3A_298 = tpu.vector_load %arg6[%parallel_loop3A_296, %parallel_loop3A_297] {strides = array<i32>} : memref<8x2048xf32, #tpu.memory_space<vmem>>, vector<1x16xf32>,
        %parallel_loop3A_299 = vector.shape_cast %parallel_loop3A_298 : vector<1x16xf32> to vector<16xf32>
        %parallel_loop3A_300 = arith.constant 45.2548332 : f32
        %parallel_loop3A_301 = vector.broadcast %parallel_loop3A_300 : f32 to vector<16xf32>
        %parallel_loop3A_302 = arith.mulf %parallel_loop3A_299, %parallel_loop3A_301 : vector<16xf32>
        %parallel_loop3A_303 = arith.constant 6 : i32
        %parallel_loop3A_304 = arith.index_cast %parallel_loop3A_303 : i32 to index
        %parallel_loop3A_305 = arith.index_cast %parallel_loop3A_210 : i32 to index
        %parallel_loop3A_306 = tpu.vector_load %arg6[%parallel_loop3A_304, %parallel_loop3A_305] {strides = array<i32>} : memref<8x2048xf32, #tpu.memory_space<vmem>>, vector<1x16xf32>,
        %parallel_loop3A_307 = vector.shape_cast %parallel_loop3A_306 : vector<1x16xf32> to vector<16xf32>
        %parallel_loop3A_308 = vector.shape_cast %parallel_loop3A_302 : vector<16xf32> to vector<1x16xf32>
        tpu.vector_store %arg6[%parallel_loop3A_304, %parallel_loop3A_305], %parallel_loop3A_308 {strides = array<i32>} : memref<8x2048xf32, #tpu.memory_space<vmem>>, vector<1x16xf32>,
        %parallel_loop3A_309 = arith.constant 7 : i32
        %parallel_loop3A_310 = arith.index_cast %parallel_loop3A_309 : i32 to index
        %parallel_loop3A_311 = arith.index_cast %parallel_loop3A_210 : i32 to index
        %parallel_loop3A_312 = tpu.vector_load %arg6[%parallel_loop3A_310, %parallel_loop3A_311] {strides = array<i32>} : memref<8x2048xf32, #tpu.memory_space<vmem>>, vector<1x16xf32>,
        %parallel_loop3A_313 = vector.shape_cast %parallel_loop3A_312 : vector<1x16xf32> to vector<16xf32>
        %parallel_loop3A_314 = arith.constant 45.2548332 : f32
        %parallel_loop3A_315 = vector.broadcast %parallel_loop3A_314 : f32 to vector<16xf32>
        %parallel_loop3A_316 = arith.mulf %parallel_loop3A_313, %parallel_loop3A_315 : vector<16xf32>
        %parallel_loop3A_317 = arith.constant 7 : i32
        %parallel_loop3A_318 = arith.index_cast %parallel_loop3A_317 : i32 to index
        %parallel_loop3A_319 = arith.index_cast %parallel_loop3A_210 : i32 to index
        %parallel_loop3A_320 = tpu.vector_load %arg6[%parallel_loop3A_318, %parallel_loop3A_319] {strides = array<i32>} : memref<8x2048xf32, #tpu.memory_space<vmem>>, vector<1x16xf32>,
        %parallel_loop3A_321 = vector.shape_cast %parallel_loop3A_320 : vector<1x16xf32> to vector<16xf32>
        %parallel_loop3A_322 = vector.shape_cast %parallel_loop3A_316 : vector<16xf32> to vector<1x16xf32>
        tpu.vector_store %arg6[%parallel_loop3A_318, %parallel_loop3A_319], %parallel_loop3A_322 {strides = array<i32>} : memref<8x2048xf32, #tpu.memory_space<vmem>>, vector<1x16xf32>,
      } {sc.loop_unroll_factor = 8 : i64, sc.parallel_access}
      %mul3A_201 = arith.constant 8 : i32
      %mul3A_202 = arith.muli %add3A_178, %mul3A_201 : i32
      %add3A_203 = arith.addi %mul3A_2, %mul3A_202 : i32
      %dma_start3A_204 = arith.constant 0 : i32
      %dma_start3A_205 = tpu.memref_slice %arg4[%add3A_203, %dma_start3A_204] : memref<16384x2048xf32, #tpu.memory_space<hbm>> -> memref<8x2048xf32, #tpu.memory_space<hbm>>
      %dma_start3A_206 = arith.constant 0 : i32
      %dma_start3A_207 = tpu.memref_slice %arg4[%add3A_203, %dma_start3A_206] : memref<16384x2048xf32, #tpu.memory_space<hbm>> -> memref<8x2048xf32, #tpu.memory_space<hbm>>
      tpu.enqueue_dma source(%arg6 : memref<8x2048xf32, #tpu.memory_space<vmem>>) target(%dma_start3A_207 : memref<8x2048xf32, #tpu.memory_space<hbm>>) target_semaphore(%arg12 : memref<!tpu.dma_semaphore, #tpu.memory_space<semaphore_mem>>)
    }
    %scan3A_40 = arith.constant 20 : i32
    %dma_wait3A_41 = arith.constant 0 : i32
    %dma_wait3A_42 = tpu.memref_slice %arg4[%mul3A_2, %dma_wait3A_41] : memref<16384x2048xf32, #tpu.memory_space<hbm>> -> memref<8x2048xf32, #tpu.memory_space<hbm>>
    %dma_wait3A_43 = arith.constant 0 : i32
    %dma_wait3A_44 = tpu.memref_slice %arg4[%mul3A_2, %dma_wait3A_43] : memref<16384x2048xf32, #tpu.memory_space<hbm>> -> memref<8x2048xf32, #tpu.memory_space<hbm>>
    tpu.wait_dma2 semaphore(%arg12 : memref<!tpu.dma_semaphore, #tpu.memory_space<semaphore_mem>>) src(%arg6 : memref<8x2048xf32, #tpu.memory_space<vmem>>) dst(%dma_wait3A_44 : memref<8x2048xf32, #tpu.memory_space<hbm>>)
    %dma_start3A_45 = arith.constant 63 : i32
    %dma_start3A_46 = arith.constant 0 : i32
    %dma_start3A_47 = tpu.memref_slice %arg5[%dma_start3A_45, %dma_start3A_46] : memref<64x8xi32, #tpu.memory_space<vmem>> -> memref<1x8xi32, #tpu.memory_space<vmem>>
    %dma_start3A_48 = tpu.memref_squeeze %dma_start3A_47 : memref<1x8xi32, #tpu.memory_space<vmem>> -> memref<8xi32, #tpu.memory_space<vmem>>
    %dma_start3A_49 = arith.constant 0 : i32
    %dma_start3A_50 = arith.constant 0 : i32
    %dma_start3A_51 = tpu.memref_slice %arg3[%dma_start3A_49, %dma_start3A_50] : memref<100000x2048xf32, #tpu.memory_space<hbm>> -> memref<100000x2048xf32, #tpu.memory_space<hbm>>
    tpu.enqueue_indirect_dma source(%dma_start3A_51 : memref<100000x2048xf32, #tpu.memory_space<hbm>>) target(%arg6 : memref<8x2048xf32, #tpu.memory_space<vmem>>) offsets(%dma_start3A_48 : memref<8xi32, #tpu.memory_space<vmem>>) semaphore(%arg9 : memref<!tpu.dma_semaphore, #tpu.memory_space<semaphore_mem>>)
    %dma_wait3A_52 = arith.constant 61 : i32
    %dma_wait3A_53 = arith.constant 0 : i32
    %dma_wait3A_54 = tpu.memref_slice %arg5[%dma_wait3A_52, %dma_wait3A_53] : memref<64x8xi32, #tpu.memory_space<vmem>> -> memref<1x8xi32, #tpu.memory_space<vmem>>
    %dma_wait3A_55 = tpu.memref_squeeze %dma_wait3A_54 : memref<1x8xi32, #tpu.memory_space<vmem>> -> memref<8xi32, #tpu.memory_space<vmem>>
    %dma_wait3A_56 = arith.constant 0 : i32
    %dma_wait3A_57 = arith.constant 0 : i32
    %dma_wait3A_58 = tpu.memref_slice %arg3[%dma_wait3A_56, %dma_wait3A_57] : memref<100000x2048xf32, #tpu.memory_space<hbm>> -> memref<100000x2048xf32, #tpu.memory_space<hbm>>
    tpu.wait_indirect_dma semaphore(%arg10 : memref<!tpu.dma_semaphore, #tpu.memory_space<semaphore_mem>>) src(%dma_wait3A_58 : memref<100000x2048xf32, #tpu.memory_space<hbm>>) dst(%arg7 : memref<8x2048xf32, #tpu.memory_space<vmem>>)
    %parallel_loop3A_59 = arith.constant 0 : i32
    %parallel_loop3A_60 = arith.constant 128 : i32
    %parallel_loop3A_61 = arith.constant 1 : i32
    scf.for %parallel_loop3A_112 = %parallel_loop3A_59 to %parallel_loop3A_60 step %parallel_loop3A_61  : i32 {
      %parallel_loop3A_113 = arith.constant 16 : i32
      %parallel_loop3A_114 = arith.muli %parallel_loop3A_112, %parallel_loop3A_113 : i32
      %parallel_loop3A_115 = arith.constant 0 : i32
      %parallel_loop3A_116 = arith.index_cast %parallel_loop3A_115 : i32 to index
      %parallel_loop3A_117 = arith.index_cast %parallel_loop3A_114 : i32 to index
      %parallel_loop3A_118 = tpu.vector_load %arg7[%parallel_loop3A_116, %parallel_loop3A_117] {strides = array<i32>} : memref<8x2048xf32, #tpu.memory_space<vmem>>, vector<1x16xf32>,
      %parallel_loop3A_119 = vector.shape_cast %parallel_loop3A_118 : vector<1x16xf32> to vector<16xf32>
      %parallel_loop3A_120 = arith.constant 45.2548332 : f32
      %parallel_loop3A_121 = vector.broadcast %parallel_loop3A_120 : f32 to vector<16xf32>
      %parallel_loop3A_122 = arith.mulf %parallel_loop3A_119, %parallel_loop3A_121 : vector<16xf32>
      %parallel_loop3A_123 = arith.constant 0 : i32
      %parallel_loop3A_124 = arith.index_cast %parallel_loop3A_123 : i32 to index
      %parallel_loop3A_125 = arith.index_cast %parallel_loop3A_114 : i32 to index
      %parallel_loop3A_126 = tpu.vector_load %arg7[%parallel_loop3A_124, %parallel_loop3A_125] {strides = array<i32>} : memref<8x2048xf32, #tpu.memory_space<vmem>>, vector<1x16xf32>,
      %parallel_loop3A_127 = vector.shape_cast %parallel_loop3A_126 : vector<1x16xf32> to vector<16xf32>
      %parallel_loop3A_128 = vector.shape_cast %parallel_loop3A_122 : vector<16xf32> to vector<1x16xf32>
      tpu.vector_store %arg7[%parallel_loop3A_124, %parallel_loop3A_125], %parallel_loop3A_128 {strides = array<i32>} : memref<8x2048xf32, #tpu.memory_space<vmem>>, vector<1x16xf32>,
      %parallel_loop3A_129 = arith.constant 1 : i32
      %parallel_loop3A_130 = arith.index_cast %parallel_loop3A_129 : i32 to index
      %parallel_loop3A_131 = arith.index_cast %parallel_loop3A_114 : i32 to index
      %parallel_loop3A_132 = tpu.vector_load %arg7[%parallel_loop3A_130, %parallel_loop3A_131] {strides = array<i32>} : memref<8x2048xf32, #tpu.memory_space<vmem>>, vector<1x16xf32>,
      %parallel_loop3A_133 = vector.shape_cast %parallel_loop3A_132 : vector<1x16xf32> to vector<16xf32>
      %parallel_loop3A_134 = arith.constant 45.2548332 : f32
      %parallel_loop3A_135 = vector.broadcast %parallel_loop3A_134 : f32 to vector<16xf32>
      %parallel_loop3A_136 = arith.mulf %parallel_loop3A_133, %parallel_loop3A_135 : vector<16xf32>
      %parallel_loop3A_137 = arith.constant 1 : i32
      %parallel_loop3A_138 = arith.index_cast %parallel_loop3A_137 : i32 to index
      %parallel_loop3A_139 = arith.index_cast %parallel_loop3A_114 : i32 to index
      %parallel_loop3A_140 = tpu.vector_load %arg7[%parallel_loop3A_138, %parallel_loop3A_139] {strides = array<i32>} : memref<8x2048xf32, #tpu.memory_space<vmem>>, vector<1x16xf32>,
      %parallel_loop3A_141 = vector.shape_cast %parallel_loop3A_140 : vector<1x16xf32> to vector<16xf32>
      %parallel_loop3A_142 = vector.shape_cast %parallel_loop3A_136 : vector<16xf32> to vector<1x16xf32>
      tpu.vector_store %arg7[%parallel_loop3A_138, %parallel_loop3A_139], %parallel_loop3A_142 {strides = array<i32>} : memref<8x2048xf32, #tpu.memory_space<vmem>>, vector<1x16xf32>,
      %parallel_loop3A_143 = arith.constant 2 : i32
      %parallel_loop3A_144 = arith.index_cast %parallel_loop3A_143 : i32 to index
      %parallel_loop3A_145 = arith.index_cast %parallel_loop3A_114 : i32 to index
      %parallel_loop3A_146 = tpu.vector_load %arg7[%parallel_loop3A_144, %parallel_loop3A_145] {strides = array<i32>} : memref<8x2048xf32, #tpu.memory_space<vmem>>, vector<1x16xf32>,
      %parallel_loop3A_147 = vector.shape_cast %parallel_loop3A_146 : vector<1x16xf32> to vector<16xf32>
      %parallel_loop3A_148 = arith.constant 45.2548332 : f32
      %parallel_loop3A_149 = vector.broadcast %parallel_loop3A_148 : f32 to vector<16xf32>
      %parallel_loop3A_150 = arith.mulf %parallel_loop3A_147, %parallel_loop3A_149 : vector<16xf32>
      %parallel_loop3A_151 = arith.constant 2 : i32
      %parallel_loop3A_152 = arith.index_cast %parallel_loop3A_151 : i32 to index
      %parallel_loop3A_153 = arith.index_cast %parallel_loop3A_114 : i32 to index
      %parallel_loop3A_154 = tpu.vector_load %arg7[%parallel_loop3A_152, %parallel_loop3A_153] {strides = array<i32>} : memref<8x2048xf32, #tpu.memory_space<vmem>>, vector<1x16xf32>,
      %parallel_loop3A_155 = vector.shape_cast %parallel_loop3A_154 : vector<1x16xf32> to vector<16xf32>
      %parallel_loop3A_156 = vector.shape_cast %parallel_loop3A_150 : vector<16xf32> to vector<1x16xf32>
      tpu.vector_store %arg7[%parallel_loop3A_152, %parallel_loop3A_153], %parallel_loop3A_156 {strides = array<i32>} : memref<8x2048xf32, #tpu.memory_space<vmem>>, vector<1x16xf32>,
      %parallel_loop3A_157 = arith.constant 3 : i32
      %parallel_loop3A_158 = arith.index_cast %parallel_loop3A_157 : i32 to index
      %parallel_loop3A_159 = arith.index_cast %parallel_loop3A_114 : i32 to index
      %parallel_loop3A_160 = tpu.vector_load %arg7[%parallel_loop3A_158, %parallel_loop3A_159] {strides = array<i32>} : memref<8x2048xf32, #tpu.memory_space<vmem>>, vector<1x16xf32>,
      %parallel_loop3A_161 = vector.shape_cast %parallel_loop3A_160 : vector<1x16xf32> to vector<16xf32>
      %parallel_loop3A_162 = arith.constant 45.2548332 : f32
      %parallel_loop3A_163 = vector.broadcast %parallel_loop3A_162 : f32 to vector<16xf32>
      %parallel_loop3A_164 = arith.mulf %parallel_loop3A_161, %parallel_loop3A_163 : vector<16xf32>
      %parallel_loop3A_165 = arith.constant 3 : i32
      %parallel_loop3A_166 = arith.index_cast %parallel_loop3A_165 : i32 to index
      %parallel_loop3A_167 = arith.index_cast %parallel_loop3A_114 : i32 to index
      %parallel_loop3A_168 = tpu.vector_load %arg7[%parallel_loop3A_166, %parallel_loop3A_167] {strides = array<i32>} : memref<8x2048xf32, #tpu.memory_space<vmem>>, vector<1x16xf32>,
      %parallel_loop3A_169 = vector.shape_cast %parallel_loop3A_168 : vector<1x16xf32> to vector<16xf32>
      %parallel_loop3A_170 = vector.shape_cast %parallel_loop3A_164 : vector<16xf32> to vector<1x16xf32>
      tpu.vector_store %arg7[%parallel_loop3A_166, %parallel_loop3A_167], %parallel_loop3A_170 {strides = array<i32>} : memref<8x2048xf32, #tpu.memory_space<vmem>>, vector<1x16xf32>,
      %parallel_loop3A_171 = arith.constant 4 : i32
      %parallel_loop3A_172 = arith.index_cast %parallel_loop3A_171 : i32 to index
      %parallel_loop3A_173 = arith.index_cast %parallel_loop3A_114 : i32 to index
      %parallel_loop3A_174 = tpu.vector_load %arg7[%parallel_loop3A_172, %parallel_loop3A_173] {strides = array<i32>} : memref<8x2048xf32, #tpu.memory_space<vmem>>, vector<1x16xf32>,
      %parallel_loop3A_175 = vector.shape_cast %parallel_loop3A_174 : vector<1x16xf32> to vector<16xf32>
      %parallel_loop3A_176 = arith.constant 45.2548332 : f32
      %parallel_loop3A_177 = vector.broadcast %parallel_loop3A_176 : f32 to vector<16xf32>
      %parallel_loop3A_178 = arith.mulf %parallel_loop3A_175, %parallel_loop3A_177 : vector<16xf32>
      %parallel_loop3A_179 = arith.constant 4 : i32
      %parallel_loop3A_180 = arith.index_cast %parallel_loop3A_179 : i32 to index
      %parallel_loop3A_181 = arith.index_cast %parallel_loop3A_114 : i32 to index
      %parallel_loop3A_182 = tpu.vector_load %arg7[%parallel_loop3A_180, %parallel_loop3A_181] {strides = array<i32>} : memref<8x2048xf32, #tpu.memory_space<vmem>>, vector<1x16xf32>,
      %parallel_loop3A_183 = vector.shape_cast %parallel_loop3A_182 : vector<1x16xf32> to vector<16xf32>
      %parallel_loop3A_184 = vector.shape_cast %parallel_loop3A_178 : vector<16xf32> to vector<1x16xf32>
      tpu.vector_store %arg7[%parallel_loop3A_180, %parallel_loop3A_181], %parallel_loop3A_184 {strides = array<i32>} : memref<8x2048xf32, #tpu.memory_space<vmem>>, vector<1x16xf32>,
      %parallel_loop3A_185 = arith.constant 5 : i32
      %parallel_loop3A_186 = arith.index_cast %parallel_loop3A_185 : i32 to index
      %parallel_loop3A_187 = arith.index_cast %parallel_loop3A_114 : i32 to index
      %parallel_loop3A_188 = tpu.vector_load %arg7[%parallel_loop3A_186, %parallel_loop3A_187] {strides = array<i32>} : memref<8x2048xf32, #tpu.memory_space<vmem>>, vector<1x16xf32>,
      %parallel_loop3A_189 = vector.shape_cast %parallel_loop3A_188 : vector<1x16xf32> to vector<16xf32>
      %parallel_loop3A_190 = arith.constant 45.2548332 : f32
      %parallel_loop3A_191 = vector.broadcast %parallel_loop3A_190 : f32 to vector<16xf32>
      %parallel_loop3A_192 = arith.mulf %parallel_loop3A_189, %parallel_loop3A_191 : vector<16xf32>
      %parallel_loop3A_193 = arith.constant 5 : i32
      %parallel_loop3A_194 = arith.index_cast %parallel_loop3A_193 : i32 to index
      %parallel_loop3A_195 = arith.index_cast %parallel_loop3A_114 : i32 to index
      %parallel_loop3A_196 = tpu.vector_load %arg7[%parallel_loop3A_194, %parallel_loop3A_195] {strides = array<i32>} : memref<8x2048xf32, #tpu.memory_space<vmem>>, vector<1x16xf32>,
      %parallel_loop3A_197 = vector.shape_cast %parallel_loop3A_196 : vector<1x16xf32> to vector<16xf32>
      %parallel_loop3A_198 = vector.shape_cast %parallel_loop3A_192 : vector<16xf32> to vector<1x16xf32>
      tpu.vector_store %arg7[%parallel_loop3A_194, %parallel_loop3A_195], %parallel_loop3A_198 {strides = array<i32>} : memref<8x2048xf32, #tpu.memory_space<vmem>>, vector<1x16xf32>,
      %parallel_loop3A_199 = arith.constant 6 : i32
      %parallel_loop3A_200 = arith.index_cast %parallel_loop3A_199 : i32 to index
      %parallel_loop3A_201 = arith.index_cast %parallel_loop3A_114 : i32 to index
      %parallel_loop3A_202 = tpu.vector_load %arg7[%parallel_loop3A_200, %parallel_loop3A_201] {strides = array<i32>} : memref<8x2048xf32, #tpu.memory_space<vmem>>, vector<1x16xf32>,
      %parallel_loop3A_203 = vector.shape_cast %parallel_loop3A_202 : vector<1x16xf32> to vector<16xf32>
      %parallel_loop3A_204 = arith.constant 45.2548332 : f32
      %parallel_loop3A_205 = vector.broadcast %parallel_loop3A_204 : f32 to vector<16xf32>
      %parallel_loop3A_206 = arith.mulf %parallel_loop3A_203, %parallel_loop3A_205 : vector<16xf32>
      %parallel_loop3A_207 = arith.constant 6 : i32
      %parallel_loop3A_208 = arith.index_cast %parallel_loop3A_207 : i32 to index
      %parallel_loop3A_209 = arith.index_cast %parallel_loop3A_114 : i32 to index
      %parallel_loop3A_210 = tpu.vector_load %arg7[%parallel_loop3A_208, %parallel_loop3A_209] {strides = array<i32>} : memref<8x2048xf32, #tpu.memory_space<vmem>>, vector<1x16xf32>,
      %parallel_loop3A_211 = vector.shape_cast %parallel_loop3A_210 : vector<1x16xf32> to vector<16xf32>
      %parallel_loop3A_212 = vector.shape_cast %parallel_loop3A_206 : vector<16xf32> to vector<1x16xf32>
      tpu.vector_store %arg7[%parallel_loop3A_208, %parallel_loop3A_209], %parallel_loop3A_212 {strides = array<i32>} : memref<8x2048xf32, #tpu.memory_space<vmem>>, vector<1x16xf32>,
      %parallel_loop3A_213 = arith.constant 7 : i32
      %parallel_loop3A_214 = arith.index_cast %parallel_loop3A_213 : i32 to index
      %parallel_loop3A_215 = arith.index_cast %parallel_loop3A_114 : i32 to index
      %parallel_loop3A_216 = tpu.vector_load %arg7[%parallel_loop3A_214, %parallel_loop3A_215] {strides = array<i32>} : memref<8x2048xf32, #tpu.memory_space<vmem>>, vector<1x16xf32>,
      %parallel_loop3A_217 = vector.shape_cast %parallel_loop3A_216 : vector<1x16xf32> to vector<16xf32>
      %parallel_loop3A_218 = arith.constant 45.2548332 : f32
      %parallel_loop3A_219 = vector.broadcast %parallel_loop3A_218 : f32 to vector<16xf32>
      %parallel_loop3A_220 = arith.mulf %parallel_loop3A_217, %parallel_loop3A_219 : vector<16xf32>
      %parallel_loop3A_221 = arith.constant 7 : i32
      %parallel_loop3A_222 = arith.index_cast %parallel_loop3A_221 : i32 to index
      %parallel_loop3A_223 = arith.index_cast %parallel_loop3A_114 : i32 to index
      %parallel_loop3A_224 = tpu.vector_load %arg7[%parallel_loop3A_222, %parallel_loop3A_223] {strides = array<i32>} : memref<8x2048xf32, #tpu.memory_space<vmem>>, vector<1x16xf32>,
      %parallel_loop3A_225 = vector.shape_cast %parallel_loop3A_224 : vector<1x16xf32> to vector<16xf32>
      %parallel_loop3A_226 = vector.shape_cast %parallel_loop3A_220 : vector<16xf32> to vector<1x16xf32>
      tpu.vector_store %arg7[%parallel_loop3A_222, %parallel_loop3A_223], %parallel_loop3A_226 {strides = array<i32>} : memref<8x2048xf32, #tpu.memory_space<vmem>>, vector<1x16xf32>,
    } {sc.loop_unroll_factor = 8 : i64, sc.parallel_access}
    %add3A_62 = arith.constant 488 : i32
    %add3A_63 = arith.addi %mul3A_2, %add3A_62 : i32
    %dma_start3A_64 = arith.constant 0 : i32
    %dma_start3A_65 = tpu.memref_slice %arg4[%add3A_63, %dma_start3A_64] : memref<16384x2048xf32, #tpu.memory_space<hbm>> -> memref<8x2048xf32, #tpu.memory_space<hbm>>
    %dma_start3A_66 = arith.constant 0 : i32
    %dma_start3A_67 = tpu.memref_slice %arg4[%add3A_63, %dma_start3A_66] : memref<16384x2048xf32, #tpu.memory_space<hbm>> -> memref<8x2048xf32, #tpu.memory_space<hbm>>
    tpu.enqueue_dma source(%arg7 : memref<8x2048xf32, #tpu.memory_space<vmem>>) target(%dma_start3A_67 : memref<8x2048xf32, #tpu.memory_space<hbm>>) target_semaphore(%arg13 : memref<!tpu.dma_semaphore, #tpu.memory_space<semaphore_mem>>)
    %dma_wait3A_68 = arith.constant 0 : i32
    %dma_wait3A_69 = tpu.memref_slice %arg4[%mul3A_2, %dma_wait3A_68] : memref<16384x2048xf32, #tpu.memory_space<hbm>> -> memref<8x2048xf32, #tpu.memory_space<hbm>>
    %dma_wait3A_70 = arith.constant 0 : i32
    %dma_wait3A_71 = tpu.memref_slice %arg4[%mul3A_2, %dma_wait3A_70] : memref<16384x2048xf32, #tpu.memory_space<hbm>> -> memref<8x2048xf32, #tpu.memory_space<hbm>>
    tpu.wait_dma2 semaphore(%arg13 : memref<!tpu.dma_semaphore, #tpu.memory_space<semaphore_mem>>) src(%arg7 : memref<8x2048xf32, #tpu.memory_space<vmem>>) dst(%dma_wait3A_71 : memref<8x2048xf32, #tpu.memory_space<hbm>>)
    %dma_wait3A_72 = arith.constant 62 : i32
    %dma_wait3A_73 = arith.constant 0 : i32
    %dma_wait3A_74 = tpu.memref_slice %arg5[%dma_wait3A_72, %dma_wait3A_73] : memref<64x8xi32, #tpu.memory_space<vmem>> -> memref<1x8xi32, #tpu.memory_space<vmem>>
    %dma_wait3A_75 = tpu.memref_squeeze %dma_wait3A_74 : memref<1x8xi32, #tpu.memory_space<vmem>> -> memref<8xi32, #tpu.memory_space<vmem>>
    %dma_wait3A_76 = arith.constant 0 : i32
    %dma_wait3A_77 = arith.constant 0 : i32
    %dma_wait3A_78 = tpu.memref_slice %arg3[%dma_wait3A_76, %dma_wait3A_77] : memref<100000x2048xf32, #tpu.memory_space<hbm>> -> memref<100000x2048xf32, #tpu.memory_space<hbm>>
    tpu.wait_indirect_dma semaphore(%arg11 : memref<!tpu.dma_semaphore, #tpu.memory_space<semaphore_mem>>) src(%dma_wait3A_78 : memref<100000x2048xf32, #tpu.memory_space<hbm>>) dst(%arg8 : memref<8x2048xf32, #tpu.memory_space<vmem>>)
    %parallel_loop3A_79 = arith.constant 0 : i32
    %parallel_loop3A_80 = arith.constant 128 : i32
    %parallel_loop3A_81 = arith.constant 1 : i32
    scf.for %parallel_loop3A_112 = %parallel_loop3A_79 to %parallel_loop3A_80 step %parallel_loop3A_81  : i32 {
      %parallel_loop3A_113 = arith.constant 16 : i32
      %parallel_loop3A_114 = arith.muli %parallel_loop3A_112, %parallel_loop3A_113 : i32
      %parallel_loop3A_115 = arith.constant 0 : i32
      %parallel_loop3A_116 = arith.index_cast %parallel_loop3A_115 : i32 to index
      %parallel_loop3A_117 = arith.index_cast %parallel_loop3A_114 : i32 to index
      %parallel_loop3A_118 = tpu.vector_load %arg8[%parallel_loop3A_116, %parallel_loop3A_117] {strides = array<i32>} : memref<8x2048xf32, #tpu.memory_space<vmem>>, vector<1x16xf32>,
      %parallel_loop3A_119 = vector.shape_cast %parallel_loop3A_118 : vector<1x16xf32> to vector<16xf32>
      %parallel_loop3A_120 = arith.constant 45.2548332 : f32
      %parallel_loop3A_121 = vector.broadcast %parallel_loop3A_120 : f32 to vector<16xf32>
      %parallel_loop3A_122 = arith.mulf %parallel_loop3A_119, %parallel_loop3A_121 : vector<16xf32>
      %parallel_loop3A_123 = arith.constant 0 : i32
      %parallel_loop3A_124 = arith.index_cast %parallel_loop3A_123 : i32 to index
      %parallel_loop3A_125 = arith.index_cast %parallel_loop3A_114 : i32 to index
      %parallel_loop3A_126 = tpu.vector_load %arg8[%parallel_loop3A_124, %parallel_loop3A_125] {strides = array<i32>} : memref<8x2048xf32, #tpu.memory_space<vmem>>, vector<1x16xf32>,
      %parallel_loop3A_127 = vector.shape_cast %parallel_loop3A_126 : vector<1x16xf32> to vector<16xf32>
      %parallel_loop3A_128 = vector.shape_cast %parallel_loop3A_122 : vector<16xf32> to vector<1x16xf32>
      tpu.vector_store %arg8[%parallel_loop3A_124, %parallel_loop3A_125], %parallel_loop3A_128 {strides = array<i32>} : memref<8x2048xf32, #tpu.memory_space<vmem>>, vector<1x16xf32>,
      %parallel_loop3A_129 = arith.constant 1 : i32
      %parallel_loop3A_130 = arith.index_cast %parallel_loop3A_129 : i32 to index
      %parallel_loop3A_131 = arith.index_cast %parallel_loop3A_114 : i32 to index
      %parallel_loop3A_132 = tpu.vector_load %arg8[%parallel_loop3A_130, %parallel_loop3A_131] {strides = array<i32>} : memref<8x2048xf32, #tpu.memory_space<vmem>>, vector<1x16xf32>,
      %parallel_loop3A_133 = vector.shape_cast %parallel_loop3A_132 : vector<1x16xf32> to vector<16xf32>
      %parallel_loop3A_134 = arith.constant 45.2548332 : f32
      %parallel_loop3A_135 = vector.broadcast %parallel_loop3A_134 : f32 to vector<16xf32>
      %parallel_loop3A_136 = arith.mulf %parallel_loop3A_133, %parallel_loop3A_135 : vector<16xf32>
      %parallel_loop3A_137 = arith.constant 1 : i32
      %parallel_loop3A_138 = arith.index_cast %parallel_loop3A_137 : i32 to index
      %parallel_loop3A_139 = arith.index_cast %parallel_loop3A_114 : i32 to index
      %parallel_loop3A_140 = tpu.vector_load %arg8[%parallel_loop3A_138, %parallel_loop3A_139] {strides = array<i32>} : memref<8x2048xf32, #tpu.memory_space<vmem>>, vector<1x16xf32>,
      %parallel_loop3A_141 = vector.shape_cast %parallel_loop3A_140 : vector<1x16xf32> to vector<16xf32>
      %parallel_loop3A_142 = vector.shape_cast %parallel_loop3A_136 : vector<16xf32> to vector<1x16xf32>
      tpu.vector_store %arg8[%parallel_loop3A_138, %parallel_loop3A_139], %parallel_loop3A_142 {strides = array<i32>} : memref<8x2048xf32, #tpu.memory_space<vmem>>, vector<1x16xf32>,
      %parallel_loop3A_143 = arith.constant 2 : i32
      %parallel_loop3A_144 = arith.index_cast %parallel_loop3A_143 : i32 to index
      %parallel_loop3A_145 = arith.index_cast %parallel_loop3A_114 : i32 to index
      %parallel_loop3A_146 = tpu.vector_load %arg8[%parallel_loop3A_144, %parallel_loop3A_145] {strides = array<i32>} : memref<8x2048xf32, #tpu.memory_space<vmem>>, vector<1x16xf32>,
      %parallel_loop3A_147 = vector.shape_cast %parallel_loop3A_146 : vector<1x16xf32> to vector<16xf32>
      %parallel_loop3A_148 = arith.constant 45.2548332 : f32
      %parallel_loop3A_149 = vector.broadcast %parallel_loop3A_148 : f32 to vector<16xf32>
      %parallel_loop3A_150 = arith.mulf %parallel_loop3A_147, %parallel_loop3A_149 : vector<16xf32>
      %parallel_loop3A_151 = arith.constant 2 : i32
      %parallel_loop3A_152 = arith.index_cast %parallel_loop3A_151 : i32 to index
      %parallel_loop3A_153 = arith.index_cast %parallel_loop3A_114 : i32 to index
      %parallel_loop3A_154 = tpu.vector_load %arg8[%parallel_loop3A_152, %parallel_loop3A_153] {strides = array<i32>} : memref<8x2048xf32, #tpu.memory_space<vmem>>, vector<1x16xf32>,
      %parallel_loop3A_155 = vector.shape_cast %parallel_loop3A_154 : vector<1x16xf32> to vector<16xf32>
      %parallel_loop3A_156 = vector.shape_cast %parallel_loop3A_150 : vector<16xf32> to vector<1x16xf32>
      tpu.vector_store %arg8[%parallel_loop3A_152, %parallel_loop3A_153], %parallel_loop3A_156 {strides = array<i32>} : memref<8x2048xf32, #tpu.memory_space<vmem>>, vector<1x16xf32>,
      %parallel_loop3A_157 = arith.constant 3 : i32
      %parallel_loop3A_158 = arith.index_cast %parallel_loop3A_157 : i32 to index
      %parallel_loop3A_159 = arith.index_cast %parallel_loop3A_114 : i32 to index
      %parallel_loop3A_160 = tpu.vector_load %arg8[%parallel_loop3A_158, %parallel_loop3A_159] {strides = array<i32>} : memref<8x2048xf32, #tpu.memory_space<vmem>>, vector<1x16xf32>,
      %parallel_loop3A_161 = vector.shape_cast %parallel_loop3A_160 : vector<1x16xf32> to vector<16xf32>
      %parallel_loop3A_162 = arith.constant 45.2548332 : f32
      %parallel_loop3A_163 = vector.broadcast %parallel_loop3A_162 : f32 to vector<16xf32>
      %parallel_loop3A_164 = arith.mulf %parallel_loop3A_161, %parallel_loop3A_163 : vector<16xf32>
      %parallel_loop3A_165 = arith.constant 3 : i32
      %parallel_loop3A_166 = arith.index_cast %parallel_loop3A_165 : i32 to index
      %parallel_loop3A_167 = arith.index_cast %parallel_loop3A_114 : i32 to index
      %parallel_loop3A_168 = tpu.vector_load %arg8[%parallel_loop3A_166, %parallel_loop3A_167] {strides = array<i32>} : memref<8x2048xf32, #tpu.memory_space<vmem>>, vector<1x16xf32>,
      %parallel_loop3A_169 = vector.shape_cast %parallel_loop3A_168 : vector<1x16xf32> to vector<16xf32>
      %parallel_loop3A_170 = vector.shape_cast %parallel_loop3A_164 : vector<16xf32> to vector<1x16xf32>
      tpu.vector_store %arg8[%parallel_loop3A_166, %parallel_loop3A_167], %parallel_loop3A_170 {strides = array<i32>} : memref<8x2048xf32, #tpu.memory_space<vmem>>, vector<1x16xf32>,
      %parallel_loop3A_171 = arith.constant 4 : i32
      %parallel_loop3A_172 = arith.index_cast %parallel_loop3A_171 : i32 to index
      %parallel_loop3A_173 = arith.index_cast %parallel_loop3A_114 : i32 to index
      %parallel_loop3A_174 = tpu.vector_load %arg8[%parallel_loop3A_172, %parallel_loop3A_173] {strides = array<i32>} : memref<8x2048xf32, #tpu.memory_space<vmem>>, vector<1x16xf32>,
      %parallel_loop3A_175 = vector.shape_cast %parallel_loop3A_174 : vector<1x16xf32> to vector<16xf32>
      %parallel_loop3A_176 = arith.constant 45.2548332 : f32
      %parallel_loop3A_177 = vector.broadcast %parallel_loop3A_176 : f32 to vector<16xf32>
      %parallel_loop3A_178 = arith.mulf %parallel_loop3A_175, %parallel_loop3A_177 : vector<16xf32>
      %parallel_loop3A_179 = arith.constant 4 : i32
      %parallel_loop3A_180 = arith.index_cast %parallel_loop3A_179 : i32 to index
      %parallel_loop3A_181 = arith.index_cast %parallel_loop3A_114 : i32 to index
      %parallel_loop3A_182 = tpu.vector_load %arg8[%parallel_loop3A_180, %parallel_loop3A_181] {strides = array<i32>} : memref<8x2048xf32, #tpu.memory_space<vmem>>, vector<1x16xf32>,
      %parallel_loop3A_183 = vector.shape_cast %parallel_loop3A_182 : vector<1x16xf32> to vector<16xf32>
      %parallel_loop3A_184 = vector.shape_cast %parallel_loop3A_178 : vector<16xf32> to vector<1x16xf32>
      tpu.vector_store %arg8[%parallel_loop3A_180, %parallel_loop3A_181], %parallel_loop3A_184 {strides = array<i32>} : memref<8x2048xf32, #tpu.memory_space<vmem>>, vector<1x16xf32>,
      %parallel_loop3A_185 = arith.constant 5 : i32
      %parallel_loop3A_186 = arith.index_cast %parallel_loop3A_185 : i32 to index
      %parallel_loop3A_187 = arith.index_cast %parallel_loop3A_114 : i32 to index
      %parallel_loop3A_188 = tpu.vector_load %arg8[%parallel_loop3A_186, %parallel_loop3A_187] {strides = array<i32>} : memref<8x2048xf32, #tpu.memory_space<vmem>>, vector<1x16xf32>,
      %parallel_loop3A_189 = vector.shape_cast %parallel_loop3A_188 : vector<1x16xf32> to vector<16xf32>
      %parallel_loop3A_190 = arith.constant 45.2548332 : f32
      %parallel_loop3A_191 = vector.broadcast %parallel_loop3A_190 : f32 to vector<16xf32>
      %parallel_loop3A_192 = arith.mulf %parallel_loop3A_189, %parallel_loop3A_191 : vector<16xf32>
      %parallel_loop3A_193 = arith.constant 5 : i32
      %parallel_loop3A_194 = arith.index_cast %parallel_loop3A_193 : i32 to index
      %parallel_loop3A_195 = arith.index_cast %parallel_loop3A_114 : i32 to index
      %parallel_loop3A_196 = tpu.vector_load %arg8[%parallel_loop3A_194, %parallel_loop3A_195] {strides = array<i32>} : memref<8x2048xf32, #tpu.memory_space<vmem>>, vector<1x16xf32>,
      %parallel_loop3A_197 = vector.shape_cast %parallel_loop3A_196 : vector<1x16xf32> to vector<16xf32>
      %parallel_loop3A_198 = vector.shape_cast %parallel_loop3A_192 : vector<16xf32> to vector<1x16xf32>
      tpu.vector_store %arg8[%parallel_loop3A_194, %parallel_loop3A_195], %parallel_loop3A_198 {strides = array<i32>} : memref<8x2048xf32, #tpu.memory_space<vmem>>, vector<1x16xf32>,
      %parallel_loop3A_199 = arith.constant 6 : i32
      %parallel_loop3A_200 = arith.index_cast %parallel_loop3A_199 : i32 to index
      %parallel_loop3A_201 = arith.index_cast %parallel_loop3A_114 : i32 to index
      %parallel_loop3A_202 = tpu.vector_load %arg8[%parallel_loop3A_200, %parallel_loop3A_201] {strides = array<i32>} : memref<8x2048xf32, #tpu.memory_space<vmem>>, vector<1x16xf32>,
      %parallel_loop3A_203 = vector.shape_cast %parallel_loop3A_202 : vector<1x16xf32> to vector<16xf32>
      %parallel_loop3A_204 = arith.constant 45.2548332 : f32
      %parallel_loop3A_205 = vector.broadcast %parallel_loop3A_204 : f32 to vector<16xf32>
      %parallel_loop3A_206 = arith.mulf %parallel_loop3A_203, %parallel_loop3A_205 : vector<16xf32>
      %parallel_loop3A_207 = arith.constant 6 : i32
      %parallel_loop3A_208 = arith.index_cast %parallel_loop3A_207 : i32 to index
      %parallel_loop3A_209 = arith.index_cast %parallel_loop3A_114 : i32 to index
      %parallel_loop3A_210 = tpu.vector_load %arg8[%parallel_loop3A_208, %parallel_loop3A_209] {strides = array<i32>} : memref<8x2048xf32, #tpu.memory_space<vmem>>, vector<1x16xf32>,
      %parallel_loop3A_211 = vector.shape_cast %parallel_loop3A_210 : vector<1x16xf32> to vector<16xf32>
      %parallel_loop3A_212 = vector.shape_cast %parallel_loop3A_206 : vector<16xf32> to vector<1x16xf32>
      tpu.vector_store %arg8[%parallel_loop3A_208, %parallel_loop3A_209], %parallel_loop3A_212 {strides = array<i32>} : memref<8x2048xf32, #tpu.memory_space<vmem>>, vector<1x16xf32>,
      %parallel_loop3A_213 = arith.constant 7 : i32
      %parallel_loop3A_214 = arith.index_cast %parallel_loop3A_213 : i32 to index
      %parallel_loop3A_215 = arith.index_cast %parallel_loop3A_114 : i32 to index
      %parallel_loop3A_216 = tpu.vector_load %arg8[%parallel_loop3A_214, %parallel_loop3A_215] {strides = array<i32>} : memref<8x2048xf32, #tpu.memory_space<vmem>>, vector<1x16xf32>,
      %parallel_loop3A_217 = vector.shape_cast %parallel_loop3A_216 : vector<1x16xf32> to vector<16xf32>
      %parallel_loop3A_218 = arith.constant 45.2548332 : f32
      %parallel_loop3A_219 = vector.broadcast %parallel_loop3A_218 : f32 to vector<16xf32>
      %parallel_loop3A_220 = arith.mulf %parallel_loop3A_217, %parallel_loop3A_219 : vector<16xf32>
      %parallel_loop3A_221 = arith.constant 7 : i32
      %parallel_loop3A_222 = arith.index_cast %parallel_loop3A_221 : i32 to index
      %parallel_loop3A_223 = arith.index_cast %parallel_loop3A_114 : i32 to index
      %parallel_loop3A_224 = tpu.vector_load %arg8[%parallel_loop3A_222, %parallel_loop3A_223] {strides = array<i32>} : memref<8x2048xf32, #tpu.memory_space<vmem>>, vector<1x16xf32>,
      %parallel_loop3A_225 = vector.shape_cast %parallel_loop3A_224 : vector<1x16xf32> to vector<16xf32>
      %parallel_loop3A_226 = vector.shape_cast %parallel_loop3A_220 : vector<16xf32> to vector<1x16xf32>
      tpu.vector_store %arg8[%parallel_loop3A_222, %parallel_loop3A_223], %parallel_loop3A_226 {strides = array<i32>} : memref<8x2048xf32, #tpu.memory_space<vmem>>, vector<1x16xf32>,
    } {sc.loop_unroll_factor = 8 : i64, sc.parallel_access}
    %add3A_82 = arith.constant 496 : i32
    %add3A_83 = arith.addi %mul3A_2, %add3A_82 : i32
    %dma_start3A_84 = arith.constant 0 : i32
    %dma_start3A_85 = tpu.memref_slice %arg4[%add3A_83, %dma_start3A_84] : memref<16384x2048xf32, #tpu.memory_space<hbm>> -> memref<8x2048xf32, #tpu.memory_space<hbm>>
    %dma_start3A_86 = arith.constant 0 : i32
    %dma_start3A_87 = tpu.memref_slice %arg4[%add3A_83, %dma_start3A_86] : memref<16384x2048xf32, #tpu.memory_space<hbm>> -> memref<8x2048xf32, #tpu.memory_space<hbm>>
    tpu.enqueue_dma source(%arg8 : memref<8x2048xf32, #tpu.memory_space<vmem>>) target(%dma_start3A_87 : memref<8x2048xf32, #tpu.memory_space<hbm>>) target_semaphore(%arg14 : memref<!tpu.dma_semaphore, #tpu.memory_space<semaphore_mem>>)
    %dma_wait3A_88 = arith.constant 0 : i32
    %dma_wait3A_89 = tpu.memref_slice %arg4[%mul3A_2, %dma_wait3A_88] : memref<16384x2048xf32, #tpu.memory_space<hbm>> -> memref<8x2048xf32, #tpu.memory_space<hbm>>
    %dma_wait3A_90 = arith.constant 0 : i32
    %dma_wait3A_91 = tpu.memref_slice %arg4[%mul3A_2, %dma_wait3A_90] : memref<16384x2048xf32, #tpu.memory_space<hbm>> -> memref<8x2048xf32, #tpu.memory_space<hbm>>
    tpu.wait_dma2 semaphore(%arg14 : memref<!tpu.dma_semaphore, #tpu.memory_space<semaphore_mem>>) src(%arg8 : memref<8x2048xf32, #tpu.memory_space<vmem>>) dst(%dma_wait3A_91 : memref<8x2048xf32, #tpu.memory_space<hbm>>)
    %dma_wait3A_92 = arith.constant 63 : i32
    %dma_wait3A_93 = arith.constant 0 : i32
    %dma_wait3A_94 = tpu.memref_slice %arg5[%dma_wait3A_92, %dma_wait3A_93] : memref<64x8xi32, #tpu.memory_space<vmem>> -> memref<1x8xi32, #tpu.memory_space<vmem>>
    %dma_wait3A_95 = tpu.memref_squeeze %dma_wait3A_94 : memref<1x8xi32, #tpu.memory_space<vmem>> -> memref<8xi32, #tpu.memory_space<vmem>>
    %dma_wait3A_96 = arith.constant 0 : i32
    %dma_wait3A_97 = arith.constant 0 : i32
    %dma_wait3A_98 = tpu.memref_slice %arg3[%dma_wait3A_96, %dma_wait3A_97] : memref<100000x2048xf32, #tpu.memory_space<hbm>> -> memref<100000x2048xf32, #tpu.memory_space<hbm>>
    tpu.wait_indirect_dma semaphore(%arg9 : memref<!tpu.dma_semaphore, #tpu.memory_space<semaphore_mem>>) src(%dma_wait3A_98 : memref<100000x2048xf32, #tpu.memory_space<hbm>>) dst(%arg6 : memref<8x2048xf32, #tpu.memory_space<vmem>>)
    %parallel_loop3A_99 = arith.constant 0 : i32
    %parallel_loop3A_100 = arith.constant 128 : i32
    %parallel_loop3A_101 = arith.constant 1 : i32
    scf.for %parallel_loop3A_112 = %parallel_loop3A_99 to %parallel_loop3A_100 step %parallel_loop3A_101  : i32 {
      %parallel_loop3A_113 = arith.constant 16 : i32
      %parallel_loop3A_114 = arith.muli %parallel_loop3A_112, %parallel_loop3A_113 : i32
      %parallel_loop3A_115 = arith.constant 0 : i32
      %parallel_loop3A_116 = arith.index_cast %parallel_loop3A_115 : i32 to index
      %parallel_loop3A_117 = arith.index_cast %parallel_loop3A_114 : i32 to index
      %parallel_loop3A_118 = tpu.vector_load %arg6[%parallel_loop3A_116, %parallel_loop3A_117] {strides = array<i32>} : memref<8x2048xf32, #tpu.memory_space<vmem>>, vector<1x16xf32>,
      %parallel_loop3A_119 = vector.shape_cast %parallel_loop3A_118 : vector<1x16xf32> to vector<16xf32>
      %parallel_loop3A_120 = arith.constant 45.2548332 : f32
      %parallel_loop3A_121 = vector.broadcast %parallel_loop3A_120 : f32 to vector<16xf32>
      %parallel_loop3A_122 = arith.mulf %parallel_loop3A_119, %parallel_loop3A_121 : vector<16xf32>
      %parallel_loop3A_123 = arith.constant 0 : i32
      %parallel_loop3A_124 = arith.index_cast %parallel_loop3A_123 : i32 to index
      %parallel_loop3A_125 = arith.index_cast %parallel_loop3A_114 : i32 to index
      %parallel_loop3A_126 = tpu.vector_load %arg6[%parallel_loop3A_124, %parallel_loop3A_125] {strides = array<i32>} : memref<8x2048xf32, #tpu.memory_space<vmem>>, vector<1x16xf32>,
      %parallel_loop3A_127 = vector.shape_cast %parallel_loop3A_126 : vector<1x16xf32> to vector<16xf32>
      %parallel_loop3A_128 = vector.shape_cast %parallel_loop3A_122 : vector<16xf32> to vector<1x16xf32>
      tpu.vector_store %arg6[%parallel_loop3A_124, %parallel_loop3A_125], %parallel_loop3A_128 {strides = array<i32>} : memref<8x2048xf32, #tpu.memory_space<vmem>>, vector<1x16xf32>,
      %parallel_loop3A_129 = arith.constant 1 : i32
      %parallel_loop3A_130 = arith.index_cast %parallel_loop3A_129 : i32 to index
      %parallel_loop3A_131 = arith.index_cast %parallel_loop3A_114 : i32 to index
      %parallel_loop3A_132 = tpu.vector_load %arg6[%parallel_loop3A_130, %parallel_loop3A_131] {strides = array<i32>} : memref<8x2048xf32, #tpu.memory_space<vmem>>, vector<1x16xf32>,
      %parallel_loop3A_133 = vector.shape_cast %parallel_loop3A_132 : vector<1x16xf32> to vector<16xf32>
      %parallel_loop3A_134 = arith.constant 45.2548332 : f32
      %parallel_loop3A_135 = vector.broadcast %parallel_loop3A_134 : f32 to vector<16xf32>
      %parallel_loop3A_136 = arith.mulf %parallel_loop3A_133, %parallel_loop3A_135 : vector<16xf32>
      %parallel_loop3A_137 = arith.constant 1 : i32
      %parallel_loop3A_138 = arith.index_cast %parallel_loop3A_137 : i32 to index
      %parallel_loop3A_139 = arith.index_cast %parallel_loop3A_114 : i32 to index
      %parallel_loop3A_140 = tpu.vector_load %arg6[%parallel_loop3A_138, %parallel_loop3A_139] {strides = array<i32>} : memref<8x2048xf32, #tpu.memory_space<vmem>>, vector<1x16xf32>,
      %parallel_loop3A_141 = vector.shape_cast %parallel_loop3A_140 : vector<1x16xf32> to vector<16xf32>
      %parallel_loop3A_142 = vector.shape_cast %parallel_loop3A_136 : vector<16xf32> to vector<1x16xf32>
      tpu.vector_store %arg6[%parallel_loop3A_138, %parallel_loop3A_139], %parallel_loop3A_142 {strides = array<i32>} : memref<8x2048xf32, #tpu.memory_space<vmem>>, vector<1x16xf32>,
      %parallel_loop3A_143 = arith.constant 2 : i32
      %parallel_loop3A_144 = arith.index_cast %parallel_loop3A_143 : i32 to index
      %parallel_loop3A_145 = arith.index_cast %parallel_loop3A_114 : i32 to index
      %parallel_loop3A_146 = tpu.vector_load %arg6[%parallel_loop3A_144, %parallel_loop3A_145] {strides = array<i32>} : memref<8x2048xf32, #tpu.memory_space<vmem>>, vector<1x16xf32>,
      %parallel_loop3A_147 = vector.shape_cast %parallel_loop3A_146 : vector<1x16xf32> to vector<16xf32>
      %parallel_loop3A_148 = arith.constant 45.2548332 : f32
      %parallel_loop3A_149 = vector.broadcast %parallel_loop3A_148 : f32 to vector<16xf32>
      %parallel_loop3A_150 = arith.mulf %parallel_loop3A_147, %parallel_loop3A_149 : vector<16xf32>
      %parallel_loop3A_151 = arith.constant 2 : i32
      %parallel_loop3A_152 = arith.index_cast %parallel_loop3A_151 : i32 to index
      %parallel_loop3A_153 = arith.index_cast %parallel_loop3A_114 : i32 to index
      %parallel_loop3A_154 = tpu.vector_load %arg6[%parallel_loop3A_152, %parallel_loop3A_153] {strides = array<i32>} : memref<8x2048xf32, #tpu.memory_space<vmem>>, vector<1x16xf32>,
      %parallel_loop3A_155 = vector.shape_cast %parallel_loop3A_154 : vector<1x16xf32> to vector<16xf32>
      %parallel_loop3A_156 = vector.shape_cast %parallel_loop3A_150 : vector<16xf32> to vector<1x16xf32>
      tpu.vector_store %arg6[%parallel_loop3A_152, %parallel_loop3A_153], %parallel_loop3A_156 {strides = array<i32>} : memref<8x2048xf32, #tpu.memory_space<vmem>>, vector<1x16xf32>,
      %parallel_loop3A_157 = arith.constant 3 : i32
      %parallel_loop3A_158 = arith.index_cast %parallel_loop3A_157 : i32 to index
      %parallel_loop3A_159 = arith.index_cast %parallel_loop3A_114 : i32 to index
      %parallel_loop3A_160 = tpu.vector_load %arg6[%parallel_loop3A_158, %parallel_loop3A_159] {strides = array<i32>} : memref<8x2048xf32, #tpu.memory_space<vmem>>, vector<1x16xf32>,
      %parallel_loop3A_161 = vector.shape_cast %parallel_loop3A_160 : vector<1x16xf32> to vector<16xf32>
      %parallel_loop3A_162 = arith.constant 45.2548332 : f32
      %parallel_loop3A_163 = vector.broadcast %parallel_loop3A_162 : f32 to vector<16xf32>
      %parallel_loop3A_164 = arith.mulf %parallel_loop3A_161, %parallel_loop3A_163 : vector<16xf32>
      %parallel_loop3A_165 = arith.constant 3 : i32
      %parallel_loop3A_166 = arith.index_cast %parallel_loop3A_165 : i32 to index
      %parallel_loop3A_167 = arith.index_cast %parallel_loop3A_114 : i32 to index
      %parallel_loop3A_168 = tpu.vector_load %arg6[%parallel_loop3A_166, %parallel_loop3A_167] {strides = array<i32>} : memref<8x2048xf32, #tpu.memory_space<vmem>>, vector<1x16xf32>,
      %parallel_loop3A_169 = vector.shape_cast %parallel_loop3A_168 : vector<1x16xf32> to vector<16xf32>
      %parallel_loop3A_170 = vector.shape_cast %parallel_loop3A_164 : vector<16xf32> to vector<1x16xf32>
      tpu.vector_store %arg6[%parallel_loop3A_166, %parallel_loop3A_167], %parallel_loop3A_170 {strides = array<i32>} : memref<8x2048xf32, #tpu.memory_space<vmem>>, vector<1x16xf32>,
      %parallel_loop3A_171 = arith.constant 4 : i32
      %parallel_loop3A_172 = arith.index_cast %parallel_loop3A_171 : i32 to index
      %parallel_loop3A_173 = arith.index_cast %parallel_loop3A_114 : i32 to index
      %parallel_loop3A_174 = tpu.vector_load %arg6[%parallel_loop3A_172, %parallel_loop3A_173] {strides = array<i32>} : memref<8x2048xf32, #tpu.memory_space<vmem>>, vector<1x16xf32>,
      %parallel_loop3A_175 = vector.shape_cast %parallel_loop3A_174 : vector<1x16xf32> to vector<16xf32>
      %parallel_loop3A_176 = arith.constant 45.2548332 : f32
      %parallel_loop3A_177 = vector.broadcast %parallel_loop3A_176 : f32 to vector<16xf32>
      %parallel_loop3A_178 = arith.mulf %parallel_loop3A_175, %parallel_loop3A_177 : vector<16xf32>
      %parallel_loop3A_179 = arith.constant 4 : i32
      %parallel_loop3A_180 = arith.index_cast %parallel_loop3A_179 : i32 to index
      %parallel_loop3A_181 = arith.index_cast %parallel_loop3A_114 : i32 to index
      %parallel_loop3A_182 = tpu.vector_load %arg6[%parallel_loop3A_180, %parallel_loop3A_181] {strides = array<i32>} : memref<8x2048xf32, #tpu.memory_space<vmem>>, vector<1x16xf32>,
      %parallel_loop3A_183 = vector.shape_cast %parallel_loop3A_182 : vector<1x16xf32> to vector<16xf32>
      %parallel_loop3A_184 = vector.shape_cast %parallel_loop3A_178 : vector<16xf32> to vector<1x16xf32>
      tpu.vector_store %arg6[%parallel_loop3A_180, %parallel_loop3A_181], %parallel_loop3A_184 {strides = array<i32>} : memref<8x2048xf32, #tpu.memory_space<vmem>>, vector<1x16xf32>,
      %parallel_loop3A_185 = arith.constant 5 : i32
      %parallel_loop3A_186 = arith.index_cast %parallel_loop3A_185 : i32 to index
      %parallel_loop3A_187 = arith.index_cast %parallel_loop3A_114 : i32 to index
      %parallel_loop3A_188 = tpu.vector_load %arg6[%parallel_loop3A_186, %parallel_loop3A_187] {strides = array<i32>} : memref<8x2048xf32, #tpu.memory_space<vmem>>, vector<1x16xf32>,
      %parallel_loop3A_189 = vector.shape_cast %parallel_loop3A_188 : vector<1x16xf32> to vector<16xf32>
      %parallel_loop3A_190 = arith.constant 45.2548332 : f32
      %parallel_loop3A_191 = vector.broadcast %parallel_loop3A_190 : f32 to vector<16xf32>
      %parallel_loop3A_192 = arith.mulf %parallel_loop3A_189, %parallel_loop3A_191 : vector<16xf32>
      %parallel_loop3A_193 = arith.constant 5 : i32
      %parallel_loop3A_194 = arith.index_cast %parallel_loop3A_193 : i32 to index
      %parallel_loop3A_195 = arith.index_cast %parallel_loop3A_114 : i32 to index
      %parallel_loop3A_196 = tpu.vector_load %arg6[%parallel_loop3A_194, %parallel_loop3A_195] {strides = array<i32>} : memref<8x2048xf32, #tpu.memory_space<vmem>>, vector<1x16xf32>,
      %parallel_loop3A_197 = vector.shape_cast %parallel_loop3A_196 : vector<1x16xf32> to vector<16xf32>
      %parallel_loop3A_198 = vector.shape_cast %parallel_loop3A_192 : vector<16xf32> to vector<1x16xf32>
      tpu.vector_store %arg6[%parallel_loop3A_194, %parallel_loop3A_195], %parallel_loop3A_198 {strides = array<i32>} : memref<8x2048xf32, #tpu.memory_space<vmem>>, vector<1x16xf32>,
      %parallel_loop3A_199 = arith.constant 6 : i32
      %parallel_loop3A_200 = arith.index_cast %parallel_loop3A_199 : i32 to index
      %parallel_loop3A_201 = arith.index_cast %parallel_loop3A_114 : i32 to index
      %parallel_loop3A_202 = tpu.vector_load %arg6[%parallel_loop3A_200, %parallel_loop3A_201] {strides = array<i32>} : memref<8x2048xf32, #tpu.memory_space<vmem>>, vector<1x16xf32>,
      %parallel_loop3A_203 = vector.shape_cast %parallel_loop3A_202 : vector<1x16xf32> to vector<16xf32>
      %parallel_loop3A_204 = arith.constant 45.2548332 : f32
      %parallel_loop3A_205 = vector.broadcast %parallel_loop3A_204 : f32 to vector<16xf32>
      %parallel_loop3A_206 = arith.mulf %parallel_loop3A_203, %parallel_loop3A_205 : vector<16xf32>
      %parallel_loop3A_207 = arith.constant 6 : i32
      %parallel_loop3A_208 = arith.index_cast %parallel_loop3A_207 : i32 to index
      %parallel_loop3A_209 = arith.index_cast %parallel_loop3A_114 : i32 to index
      %parallel_loop3A_210 = tpu.vector_load %arg6[%parallel_loop3A_208, %parallel_loop3A_209] {strides = array<i32>} : memref<8x2048xf32, #tpu.memory_space<vmem>>, vector<1x16xf32>,
      %parallel_loop3A_211 = vector.shape_cast %parallel_loop3A_210 : vector<1x16xf32> to vector<16xf32>
      %parallel_loop3A_212 = vector.shape_cast %parallel_loop3A_206 : vector<16xf32> to vector<1x16xf32>
      tpu.vector_store %arg6[%parallel_loop3A_208, %parallel_loop3A_209], %parallel_loop3A_212 {strides = array<i32>} : memref<8x2048xf32, #tpu.memory_space<vmem>>, vector<1x16xf32>,
      %parallel_loop3A_213 = arith.constant 7 : i32
      %parallel_loop3A_214 = arith.index_cast %parallel_loop3A_213 : i32 to index
      %parallel_loop3A_215 = arith.index_cast %parallel_loop3A_114 : i32 to index
      %parallel_loop3A_216 = tpu.vector_load %arg6[%parallel_loop3A_214, %parallel_loop3A_215] {strides = array<i32>} : memref<8x2048xf32, #tpu.memory_space<vmem>>, vector<1x16xf32>,
      %parallel_loop3A_217 = vector.shape_cast %parallel_loop3A_216 : vector<1x16xf32> to vector<16xf32>
      %parallel_loop3A_218 = arith.constant 45.2548332 : f32
      %parallel_loop3A_219 = vector.broadcast %parallel_loop3A_218 : f32 to vector<16xf32>
      %parallel_loop3A_220 = arith.mulf %parallel_loop3A_217, %parallel_loop3A_219 : vector<16xf32>
      %parallel_loop3A_221 = arith.constant 7 : i32
      %parallel_loop3A_222 = arith.index_cast %parallel_loop3A_221 : i32 to index
      %parallel_loop3A_223 = arith.index_cast %parallel_loop3A_114 : i32 to index
      %parallel_loop3A_224 = tpu.vector_load %arg6[%parallel_loop3A_222, %parallel_loop3A_223] {strides = array<i32>} : memref<8x2048xf32, #tpu.memory_space<vmem>>, vector<1x16xf32>,
      %parallel_loop3A_225 = vector.shape_cast %parallel_loop3A_224 : vector<1x16xf32> to vector<16xf32>
      %parallel_loop3A_226 = vector.shape_cast %parallel_loop3A_220 : vector<16xf32> to vector<1x16xf32>
      tpu.vector_store %arg6[%parallel_loop3A_222, %parallel_loop3A_223], %parallel_loop3A_226 {strides = array<i32>} : memref<8x2048xf32, #tpu.memory_space<vmem>>, vector<1x16xf32>,
    } {sc.loop_unroll_factor = 8 : i64, sc.parallel_access}
    %add3A_102 = arith.constant 504 : i32
    %add3A_103 = arith.addi %mul3A_2, %add3A_102 : i32
    %dma_start3A_104 = arith.constant 0 : i32
    %dma_start3A_105 = tpu.memref_slice %arg4[%add3A_103, %dma_start3A_104] : memref<16384x2048xf32, #tpu.memory_space<hbm>> -> memref<8x2048xf32, #tpu.memory_space<hbm>>
    %dma_start3A_106 = arith.constant 0 : i32
    %dma_start3A_107 = tpu.memref_slice %arg4[%add3A_103, %dma_start3A_106] : memref<16384x2048xf32, #tpu.memory_space<hbm>> -> memref<8x2048xf32, #tpu.memory_space<hbm>>
    tpu.enqueue_dma source(%arg6 : memref<8x2048xf32, #tpu.memory_space<vmem>>) target(%dma_start3A_107 : memref<8x2048xf32, #tpu.memory_space<hbm>>) target_semaphore(%arg12 : memref<!tpu.dma_semaphore, #tpu.memory_space<semaphore_mem>>)
    %dma_wait3A_108 = arith.constant 0 : i32
    %dma_wait3A_109 = tpu.memref_slice %arg4[%mul3A_2, %dma_wait3A_108] : memref<16384x2048xf32, #tpu.memory_space<hbm>> -> memref<8x2048xf32, #tpu.memory_space<hbm>>
    %dma_wait3A_110 = arith.constant 0 : i32
    %dma_wait3A_111 = tpu.memref_slice %arg4[%mul3A_2, %dma_wait3A_110] : memref<16384x2048xf32, #tpu.memory_space<hbm>> -> memref<8x2048xf32, #tpu.memory_space<hbm>>
    tpu.wait_dma2 semaphore(%arg12 : memref<!tpu.dma_semaphore, #tpu.memory_space<semaphore_mem>>) src(%arg6 : memref<8x2048xf32, #tpu.memory_space<vmem>>) dst(%dma_wait3A_111 : memref<8x2048xf32, #tpu.memory_space<hbm>>)
    return
  }
}

</mosaic_0001>

<sc_bundles>
// kernel: kernel.3.cloned.1.call-start
scs
__scs_entry_jumppad:
0x0: {  	(pc) =	sbr.rel $0x88, $3  }
0x1: {  	(tag) =	ssettag $0x0;
	lr =	simm.s32 $0x1  }
0x2: {  	[smem:$0x3F9F] =	sst lr;
	_ =	strace $0xD0000000  }
0x3: {  	_ = 	snop  }
0x4: {  	_ = 	snop  }
0x5: {  	_ = 	snop  }
0x6: {  	_ = 	snop  }
0x7: {  	_ = 	snop  }
__scs_overlays_trampoline_lowered:
0x8: {  	[smem:$0x3FAE] =	sst s0  }
0x9: {  	[smem:$0x3FAF] =	sst s1  }
0xa: {  	[smem:$0x3FB0] =	sst s2  }
0xb: {  	[smem:$0x3FB1] =	sst s3  }
0xc: {  	[smem:$0x3FB2] =	sst s4  }
0xd: {  	[smem:$0x3FB3] =	sst s5  }
0xe: {  	[smem:$0x3FB4] =	sst s6  }
0xf: {  	[smem:$0x3FB5] =	sst s7  }
0x10: {  	[smem:$0x3FB6] =	sst s8  }
0x11: {  	[smem:$0x3FB7] =	sst s9;
	s0 =	simm.s32 @!p0 $0x0  }
0x12: {  	s1 =	sld [smem:$0x3F9D];
	s0 =	simm.s32 @p0 $0x1  }
0x13: {  	[smem:$0x3FB8] =	sst s0;
	s0 =	simm.s32 @!p1 $0x0  }
0x14: {  	s2 =	sld [smem:$0x3F9C];
	s0 =	simm.s32 @p1 $0x1  }
0x15: {  	[smem:$0x3FB9] =	sst s0;
	s0 =	simm.s32 @!p2 $0x0  }
0x16: {  	s3 =	sld [smem:$0x3FDB];
	s0 =	simm.s32 @p2 $0x1  }
0x17: {  	s4 =	simm.s32 $0x1BF5;
	[smem:$0x3FBB] =	sst s0  }
0x18: {  	s0 =	sld [smem:$0x3F9E];
	_ =	swait.ge [sflag:s4], $0x0  }
0x19: {  	s7 =	sld [smem:$0x3F9F]  }
0x1a: {  	s8 =	sadd.s32 $0xFFFFE003, lr  }
0x1b: {  	s9 =	sadd.s32 $0xFFFFFEF7, lr;
	s5 =	simm.s32 $0xFFFFFFFF;
	p2 =	slt.u32 s8, $0xFFFFF086  }
0x1c: {  	p1 =	slt.u32 s9, $0xF7A;
	s5 =	simm.s32 @!p2 $0x0  }
0x1d: {  	s5 =	simm.s32 @p1 $0x1;
	p0 =	seq.s32 s7, s2  }
0x1e: {  	s7 =	smul.u32 @!p0 $0xF7A, s2;
	p2 =	seq.s32 @!p0 s5, $0x0  }
0x1f: {  	s9 =	smul.u32 $0xF7A, s1;
	s8 =	simm.s32 @!p0 $0x1BF5;
	p2 =	por !p2, p0  }
0x20: {  	[sflag:s8] =	ssyncset.s32 @!p0 $0xFFFFF086;
	s6 =	sadd.s32 @!p0 s3, s7;
	s7 =	simm.s32 @!p0 $0x108  }
0x21: {  	s3 =	sadd.s32 s3, s9;
	s6 =	sadd.s32 @!p0 $0x88, s6;
	s7 =	simm.s32 @p2 $0x1082  }
0x22: {  	[simem:s7], [sflag:s8] =	dma.local @!p0 [hbm:s6], $0xF7A  }
0x23: {  	s9 =	sor.u32 $0xD0000000, s2;
	s6 =	simm.s32 $0x108;
	_ =	swait.ge @!p0 [sflag:s8], $0x0  }
0x24: {  	s3 =	sadd.s32 $0x88, s3;
	s6 =	simm.s32 @!p1 $0x1082;
	[sflag:s4] =	ssyncset.s32 $0xFFFFF086  }
0x25: {  	[simem:s6], [sflag:s4] =	dma.local [hbm:s3], $0xF7A  }
0x26: {  	[smem:$0x3F9F] =	sst s1;
	(tag) =	ssettag s2;
	_ =	strace s9  }
0x27: {  	s1 =	sld [smem:$0x3FAF]  }
0x28: {  	s2 =	sld [smem:$0x3FB0]  }
0x29: {  	s4 =	sld [smem:$0x3FB2]  }
0x2a: {  	p0 =	seq.s32 s5, $0x0;
	s5 =	sld [smem:$0x3FB3]  }
0x2b: {  	s6 =	sld [smem:$0x3FB4]  }
0x2c: {  	s7 =	sld [smem:$0x3FB5]  }
0x2d: {  	s3 =	simm.s32 $0x108;
	s8 =	sld [smem:$0x3FB6]  }
0x2e: {  	s3 =	simm.s32 @!p0 $0x1082;
	s9 =	sld [smem:$0x3FB7]  }
0x2f: {  	lr =	sadd.s32 s0, s3;
	s0 =	sld [smem:$0x3FAE]  }
0x30: {  	s3 =	sld [smem:$0x3FB1]  }
0x31: {  	[smem:$0x3FBA] =	sst s10  }
0x32: {  	s10 =	sld [smem:$0x3FB8];
	_ =	sdelay $0x3  }
0x33: {  	p0 =	seq.s32 s10, $0x1;
	s10 =	sld [smem:$0x3FBA];
	_ =	sdelay $0x3  }
0x34: {  	[smem:$0x3FBA] =	sst s10  }
0x35: {  	s10 =	sld [smem:$0x3FB9];
	_ =	sdelay $0x3  }
0x36: {  	p1 =	seq.s32 s10, $0x1;
	s10 =	sld [smem:$0x3FBA];
	_ =	sdelay $0x3  }
0x37: {  	[smem:$0x3FBA] =	sst s10  }
0x38: {  	s10 =	sld [smem:$0x3FBB]  }
0x39: {  	_ = 	snop;
	(pc) =	sbr.ind lr, $3  }
0x3a: {  	_ = 	snop  }
0x3b: {  	_ = 	snop  }
0x3c: {  	p2 =	seq.s32 s10, $0x1;
	s10 =	sld [smem:$0x3FBA]  }
0x3d: {  	_ =	shalt  }
0x3e: {  	_ =	shalt  }
0x3f: {  	_ =	shalt  }
0x40: {  	_ =	shalt  }
0x41: {  	_ =	shalt  }
0x42: {  	_ =	shalt  }
0x43: {  	_ =	shalt  }
0x44: {  	_ =	shalt  }
0x45: {  	_ =	shalt  }
0x46: {  	_ =	shalt  }
0x47: {  	_ =	shalt  }
0x48: {  	_ =	shalt  }
0x49: {  	_ =	shalt  }
0x4a: {  	_ =	shalt  }
0x4b: {  	_ =	shalt  }
0x4c: {  	_ =	shalt  }
0x4d: {  	_ =	shalt  }
0x4e: {  	_ =	shalt  }
0x4f: {  	_ =	shalt  }
0x50: {  	_ =	shalt  }
0x51: {  	_ =	shalt  }
0x52: {  	_ =	shalt  }
0x53: {  	_ =	shalt  }
0x54: {  	_ =	shalt  }
0x55: {  	_ =	shalt  }
0x56: {  	_ =	shalt  }
0x57: {  	_ =	shalt  }
0x58: {  	_ =	shalt  }
0x59: {  	_ =	shalt  }
0x5a: {  	_ =	shalt  }
0x5b: {  	_ =	shalt  }
0x5c: {  	_ =	shalt  }
0x5d: {  	_ =	shalt  }
0x5e: {  	_ =	shalt  }
0x5f: {  	_ =	shalt  }
0x60: {  	_ =	shalt  }
0x61: {  	_ =	shalt  }
0x62: {  	_ =	shalt  }
0x63: {  	_ =	shalt  }
0x64: {  	_ =	shalt  }
0x65: {  	_ =	shalt  }
0x66: {  	_ =	shalt  }
0x67: {  	_ =	shalt  }
0x68: {  	_ =	shalt  }
0x69: {  	_ =	shalt  }
0x6a: {  	_ =	shalt  }
0x6b: {  	_ =	shalt  }
0x6c: {  	_ =	shalt  }
0x6d: {  	_ =	shalt  }
0x6e: {  	_ =	shalt  }
0x6f: {  	_ =	shalt  }
0x70: {  	_ =	shalt  }
0x71: {  	_ =	shalt  }
0x72: {  	_ =	shalt  }
0x73: {  	_ =	shalt  }
0x74: {  	_ =	shalt  }
0x75: {  	_ =	shalt  }
0x76: {  	_ =	shalt  }
0x77: {  	_ =	shalt  }
0x78: {  	_ =	shalt  }
0x79: {  	_ =	shalt  }
0x7a: {  	_ =	shalt  }
0x7b: {  	_ =	shalt  }
0x7c: {  	_ =	shalt  }
0x7d: {  	_ =	shalt  }
0x7e: {  	_ =	shalt  }
0x7f: {  	_ =	shalt  }
0x80: {  	_ =	shalt  }
0x81: {  	_ =	shalt  }
0x82: {  	_ =	shalt  }
0x83: {  	_ =	shalt  }
0x84: {  	_ =	shalt  }
0x85: {  	_ =	shalt  }
0x86: {  	_ =	shalt  }
0x87: {  	_ =	shalt  }
.Lfunc_end0:
.L_simem_size_0:
called_computation_lowered:
.L_overlay_start_0:
0x88: {  	s2 =	sld [smem:$0x3FD9]  }
0x89: {  	s3 =	sld [smem:$0x3FFE];
	_ =	sdelay $0x1  }
0x8a: {  	s1 =	srdreg.scid  }
0x8b: {  	s0 =	sand.u32 $0x1, s1  }
0x8c: {  	s17 =	sshll.u32 s0, $0xA;
	s2 =	sadd.s32 s3, s2  }
0x8d: {  	s2 =	sadd.s32 s2, s17  }
0x8e: {  	[smem:$0x3FC6] =	sst s2  }
0x8f: {  	_ = 	snop  }
0x90: {  	s2 =	sld [smem:$0x3FC8]  }
0x91: {  	s18 =	sld [smem:$0x3FD0];
	(tm) =	ssettm $0x1  }
0x92: {  	s4 =	sld [smem:$0x3FFB];
	_ =	sdelay $0x3  }
0x93: {  	_ =	strace s4  }
0x94: {  	s4 =	sld [smem:$0x3FFC];
	_ =	sdelay $0x3  }
0x95: {  	_ =	strace s4  }
0x96: {  	s4 =	sld [smem:$0x3FFD];
	_ =	sdelay $0x3  }
0x97: {  	_ =	strace s4  }
0x98: {  	_ =	strace $0x8FFFFFFF  }
0x99: {  	s19 =	sld [smem:$0x3FDB];
	_ =	sdelay $0x1  }
0x9a: {  	s5 =	simm.s32 $_scs_section_size  }
0x9b: {  	s6 =	simm.s32 $_size__tile_overlayer_lowered;
	s7 =	simm.s32 $_tile_overlayer_lowered  }
0x9c: {  	s22 =	simm.s32 $0x1BFF;
	s21 =	sshll.u32 s7, $0x1;
	s4 =	sadd.s32 s5, s19  }
0x9d: {  	s8 =	simm.s32 $0x0;
	s20 =	sshll.u32 s6, $0x1;
	s6 =	sadd.s32 s21, s4  }
0x9e: {  	[timem:s8], [sflag:s22] =	dma.local [hbm:s6], s20  }
0x9f: {  	_ =	swait.ge [sflag:s22], s20  }
0xa0: {  	s5 =	ssub.s32 $0x0, s20;
	[sflag:s22] =	ssyncset.done $0x0  }
0xa1: {  	[sflag:s22] =	ssyncadd.s32 s5;
	_ =	sdelay $0x1  }
0xa2: {  	s23 =	simm.s32 $0x1B8B  }
0xa3: {  	_ =	swait.ge [sflag:s23], $0x1  }
0xa4: {  	[sflag:s23] =	ssyncset.done $0x0  }
0xa5: {  	s25 =	simm.s32 $0x1B8E;
	s24 =	sld [smem:$0x3FFE];
	[sflag:s23] =	ssyncadd.s32 $0xFFFFFFFF  }
0xa6: {  	s26 =	simm.s32 $execute0_lowered;
	[smem:$0x3FD2] =	sst s25  }
0xa7: {  	s6 =	sshll.u32 s26, $0x1;
	_ =	strace $0x80000046;
	[dreg:$0x1] =	wrdreg $0xFFFFFFFF  }
0xa8: {  	s28 =	simm.s32 $_size_execute0_lowered;
	s4 =	sadd.s32 s4, s6;
	[dreg:$0x0] =	wrdreg $0x0  }
0xa9: {  	s6 =	sshll.u32 s28, $0x1;
	[dreg:$0x2] =	wrdreg s4  }
0xaa: {  	[dreg:$0x3] =	wrdreg s6  }
0xab: {  	[dreg:$0x4] =	wrdreg $0xC0  }
0xac: {  	_ =	task [dreg:s8], $0x5FFFF  }
0xad: {  	[dreg:$0x1] =	wrdreg $0xFFFFFFFF  }
0xae: {  	[dreg:$0x0] =	wrdreg $0x60  }
0xaf: {  	[dreg:$0x2] =	wrdreg s24  }
0xb0: {  	[dreg:$0x3] =	wrdreg s2  }
0xb1: {  	[dreg:$0x4] =	wrdreg s18  }
0xb2: {  	[dreg:$0x5] =	wrdreg $0x9  }
0xb3: {  	_ =	task.clear_ibuf [dreg:s8], $0x6FFFF;
	_ =	strace $0x90000046  }
0xb4: {  	s29 =	simm.s32 $0x9;
	_ =	strace $0x80000048  }
0xb5: {  	_ =	swait.ge [sflag:s29], $0x1  }
0xb6: {  	[sflag:s29] =	ssyncadd.s32 $0xFFFFFFFF  }
0xb7: {  	_ =	strace $0x90000048  }
0xb8: {  	_ =	sfence  }
0xb9: {  	s30 =	sld [smem:$0x0];
	_ =	sdelay $0x2  }
0xba: {  	s31 =	sshll.u32 s1, $0xD;
	s1 =	sshrl.u32 s1, $0x2  }
0xbb: {  	s3 =	sand.u32 $0x4000, s31;
	s1 =	sadd.s32 s1, s30  }
0xbc: {  	s0 =	sor.u32 s3, s0;
	s1 =	sshll.u32 s1, $0x11  }
0xbd: {  	s0 =	sor.u32 s1, s0  }
0xbe: {  	s0 =	sadd.s32 $0x8F2B, s0  }
0xbf: {  	[sflag:s0] =	ssyncadd.remote.s32 $0x1  }
0xc0: {  	_ =	sfence.sel $0xFFFF  }
0xc1: {  	[dreg:$0x0] =	wrdreg $0xFFFFFFFF;
	(pc) =	sbr.abs _section_cstart, $3  }
0xc2: {  	[dreg:$0x1] =	wrdreg $0xFFFFFFFF  }
0xc3: {  	_ =	task.clear_ibuf [dreg:s8], $0x2FFFF;
	_ =	strace $0x9FFFFFFF  }
0xc4: {  	(tm) =	ssettm $0x7FFFFFFF  }
0xc5: {  	_ =	shalt  }
tec
execute0_lowered:
.L_overlay_start_1:
0x0: {  	(tag) =	ssettag $0x1  }
0x1: {  	s0 =	rddreg [dreg:$0x0]  }
0x2: {  	s2 =	rddreg [dreg:$0x1]  }
0x3: {  	s3 =	rddreg [dreg:$0x2]  }
0x4: {  	s1 =	srdreg.scid;
	s5 =	stileid.u32  }
0x5: {  	s4 =	simm.s32 $0x0;
	s21 =	simm.s32 $0x2000;
	s28 =	simm.s32 $0x5000  }
0x6: {  	s29 =	simm.s32 $0x5800;
	s30 =	simm.s32 $0x6000;
	s19 =	simm.s32 $0xA000  }
0x7: {  	s18 =	simm.s32 $0x1;
	s20 =	simm.s32 $0x4;
	s31 =	simm.s32 $0x2  }
0x8: {  	s17 =	simm.s32 $0x0;
	s1 =	sand.u32 $0x1, s1;
	s5 =	sshll.u32 s5, $0x1  }
0x9: {  	[smem:$0x7FF] =	sst s4;
	s8 =	sadd.s32 $0x300, s2;
	s9 =	sadd.s32 $0x400, s2  }
0xa: {  	s10 =	sadd.s32 $0x500, s2;
	s11 =	sadd.s32 $0x600, s2;
	s12 =	sadd.s32 $0x700, s2  }
0xb: {  	s5 =	sor.u32 s1, s5;
	s1 =	ssub.s32 $0x2, s1;
	_ =	strace $0x80000047  }
0xc: {  	s6 =	sshll.u32 s5, $0xA;
	s7 =	sshrl.u32 s1, $0x1;
	s15 =	sshll.u32 s5, $0x9  }
0xd: {  	s23 =	sshll.u32 s5, $0x11;
	s5 =	simm.s32 $0x6;
	s0 =	sadd.s32 s6, s0  }
0xe: {  	s1 =	ssub.s32 s1, s7;
	s13 =	sadd.s32 s3, s23;
	s0 =	sadd.s32 $0x400, s0  }
0xf: {  	s6 =	sadd.s32 $0x100, s2;
	s24 =	sadd.s32 $0x1F000, s13;
	[dreg:$0x4] =	wrdreg s0  }
0x10: {  	s7 =	sadd.s32 $0x200, s2;
	s25 =	sadd.s32 $0x1F800, s13;
	[dreg:$0x6] =	wrdreg s24  }
0x11: {  	v0 =	vlaneseq.u32;
	s14 =	sor.u32 $0x8, s15;
	s26 =	smax.u32 s1, $0x1;
	[dreg:$0x7] =	wrdreg s25  }
0x12: {  	v1 =	vshrl.u32 v0, $0x3;
	s15 =	sor.u32 $0x10, s15;
	s0 =	sadd.s32 $0x1E800, s13;
	[dreg:$0x8] =	wrdreg s26  }
0x13: {  	vm0 =	vmmov $0xffff;
	v0 =	vand.u32 $0x7, v0;
	v1 =	vmul.u32 $0x8, v1;
	s1 =	simm.s32 $0x3;
	[dreg:$0x5] =	wrdreg s0;
	s0 =	simm.s32 $0x5  }
.LBB2_1:
0x14: {  	[dreg:$0x9] =	wrdreg s17  }
0x15: {  	s16 =	rddreg [dreg:$0x4];
	s25 =	simm.s32 $0x7  }
0x16: {  	[tilespmem:s4], [sflag:$0x7] =	stream.linear.gather [hbm4b:s16+s4], $0x2000, $0x38;
	[tilespmem:$0xE000] =	vst v63  }
0x17: {  	_ =	swait.ge [sflag:s25], $0x2000  }
0x18: {  	[sflag:s25] =	ssyncset.done $0x0  }
0x19: {  	[sflag:s25] =	ssyncadd.s32 $0xFFFFE000  }
0x1a: {  	v2 =	vld.msk [tilespmem:$0x0], $0xff;
	_ =	sdelay $0x4  }
0x1b: {  	v3 =	vshll.u32 v2, $0x4  }
0x1c: {  	v2 =	vand.u32 $0x7, v2;
	v3 =	vand.u32 $0xFFFFFF80, v3  }
0x1d: {  	v2 =	vor.u32 v2, v3  }
0x1e: {  	v2 =	vperm.xlane v2, v0;
	_ =	sdelay $0x1  }
0x1f: {  	v2 =	vadd.s32 v1, v2;
	_ =	sdelay $0x4  }
0x20: {  	[tilespmem:s21], [sflag:$0x1] =	stream.indirect_vreg.gather [hbm4b:s2+s4], $0x80, v2, vm0, $0xb8;
	[tilespmem:$0xE000] =	vst v63  }
0x21: {  	s26 =	simm.s32 $0x2800  }
0x22: {  	[tilespmem:s26], [sflag:$0x1] =	stream.indirect_vreg.gather [hbm4b:s6+s4], $0x80, v2, vm0, $0xb8;
	[tilespmem:$0xE000] =	vst v63  }
0x23: {  	s17 =	simm.s32 $0x3000  }
0x24: {  	[tilespmem:s17], [sflag:$0x1] =	stream.indirect_vreg.gather [hbm4b:s7+s4], $0x80, v2, vm0, $0xb8;
	[tilespmem:$0xE000] =	vst v63  }
0x25: {  	s22 =	simm.s32 $0x3800  }
0x26: {  	[tilespmem:s22], [sflag:$0x1] =	stream.indirect_vreg.gather [hbm4b:s8+s4], $0x80, v2, vm0, $0xb8;
	[tilespmem:$0xE000] =	vst v63  }
0x27: {  	s23 =	simm.s32 $0x4000  }
0x28: {  	[tilespmem:s23], [sflag:$0x1] =	stream.indirect_vreg.gather [hbm4b:s9+s4], $0x80, v2, vm0, $0xb8;
	[tilespmem:$0xE000] =	vst v63  }
0x29: {  	s24 =	simm.s32 $0x4800  }
0x2a: {  	[tilespmem:s24], [sflag:$0x1] =	stream.indirect_vreg.gather [hbm4b:s10+s4], $0x80, v2, vm0, $0xb8;
	[tilespmem:$0xE000] =	vst v63  }
0x2b: {  	_ = 	snop  }
0x2c: {  	[tilespmem:s28], [sflag:$0x1] =	stream.indirect_vreg.gather [hbm4b:s11+s4], $0x80, v2, vm0, $0xb8;
	[tilespmem:$0xE000] =	vst v63  }
0x2d: {  	_ = 	snop  }
0x2e: {  	[tilespmem:s29], [sflag:$0x1] =	stream.indirect_vreg.gather [hbm4b:s12+s4], $0x80, v2, vm0, $0xb8;
	[tilespmem:$0xE000] =	vst v63  }
0x2f: {  	v2 =	vld.msk [tilespmem:$0x80], $0xff;
	_ =	sdelay $0x4  }
0x30: {  	v3 =	vshll.u32 v2, $0x4  }
0x31: {  	v2 =	vand.u32 $0x7, v2;
	v3 =	vand.u32 $0xFFFFFF80, v3  }
0x32: {  	v2 =	vor.u32 v2, v3  }
0x33: {  	v2 =	vperm.xlane v2, v0;
	_ =	sdelay $0x1  }
0x34: {  	v2 =	vadd.s32 v1, v2;
	_ =	sdelay $0x4  }
0x35: {  	[tilespmem:s30], [sflag:$0x2] =	stream.indirect_vreg.gather [hbm4b:s2+s4], $0x80, v2, vm0, $0xb8;
	[tilespmem:$0xE000] =	vst v63  }
0x36: {  	s25 =	simm.s32 $0x6800  }
0x37: {  	[tilespmem:s25], [sflag:$0x2] =	stream.indirect_vreg.gather [hbm4b:s6+s4], $0x80, v2, vm0, $0xb8;
	[tilespmem:$0xE000] =	vst v63  }
0x38: {  	s26 =	simm.s32 $0x7000  }
0x39: {  	[tilespmem:s26], [sflag:$0x2] =	stream.indirect_vreg.gather [hbm4b:s7+s4], $0x80, v2, vm0, $0xb8;
	[tilespmem:$0xE000] =	vst v63  }
0x3a: {  	s17 =	simm.s32 $0x7800  }
0x3b: {  	[tilespmem:s17], [sflag:$0x2] =	stream.indirect_vreg.gather [hbm4b:s8+s4], $0x80, v2, vm0, $0xb8;
	[tilespmem:$0xE000] =	vst v63  }
0x3c: {  	s22 =	simm.s32 $0x8000  }
0x3d: {  	[tilespmem:s22], [sflag:$0x2] =	stream.indirect_vreg.gather [hbm4b:s9+s4], $0x80, v2, vm0, $0xb8;
	[tilespmem:$0xE000] =	vst v63  }
0x3e: {  	s23 =	simm.s32 $0x8800  }
0x3f: {  	[tilespmem:s23], [sflag:$0x2] =	stream.indirect_vreg.gather [hbm4b:s10+s4], $0x80, v2, vm0, $0xb8;
	[tilespmem:$0xE000] =	vst v63  }
0x40: {  	s24 =	simm.s32 $0x9000  }
0x41: {  	[tilespmem:s24], [sflag:$0x2] =	stream.indirect_vreg.gather [hbm4b:s11+s4], $0x80, v2, vm0, $0xb8;
	[tilespmem:$0xE000] =	vst v63  }
0x42: {  	s25 =	simm.s32 $0x9800  }
0x43: {  	[tilespmem:s25], [sflag:$0x2] =	stream.indirect_vreg.gather [hbm4b:s12+s4], $0x80, v2, vm0, $0xb8;
	[tilespmem:$0xE000] =	vst v63  }
0x44: {  	v2 =	vld.msk [tilespmem:$0x100], $0xff;
	_ =	sdelay $0x4  }
0x45: {  	v3 =	vshll.u32 v2, $0x4  }
0x46: {  	v2 =	vand.u32 $0x7, v2;
	v3 =	vand.u32 $0xFFFFFF80, v3  }
0x47: {  	v2 =	vor.u32 v2, v3  }
0x48: {  	v2 =	vperm.xlane v2, v0;
	_ =	sdelay $0x1  }
0x49: {  	v2 =	vadd.s32 v1, v2;
	_ =	sdelay $0x4  }
0x4a: {  	[tilespmem:s19], [sflag:$0x3] =	stream.indirect_vreg.gather [hbm4b:s2+s4], $0x80, v2, vm0, $0xb8;
	[tilespmem:$0xE000] =	vst v63  }
0x4b: {  	s26 =	simm.s32 $0xA800  }
0x4c: {  	[tilespmem:s26], [sflag:$0x3] =	stream.indirect_vreg.gather [hbm4b:s6+s4], $0x80, v2, vm0, $0xb8;
	[tilespmem:$0xE000] =	vst v63  }
0x4d: {  	s17 =	simm.s32 $0xB000  }
0x4e: {  	[tilespmem:s17], [sflag:$0x3] =	stream.indirect_vreg.gather [hbm4b:s7+s4], $0x80, v2, vm0, $0xb8;
	[tilespmem:$0xE000] =	vst v63  }
0x4f: {  	s22 =	simm.s32 $0xB800  }
0x50: {  	[tilespmem:s22], [sflag:$0x3] =	stream.indirect_vreg.gather [hbm4b:s8+s4], $0x80, v2, vm0, $0xb8;
	[tilespmem:$0xE000] =	vst v63  }
0x51: {  	s23 =	simm.s32 $0xC000  }
0x52: {  	[tilespmem:s23], [sflag:$0x3] =	stream.indirect_vreg.gather [hbm4b:s9+s4], $0x80, v2, vm0, $0xb8;
	[tilespmem:$0xE000] =	vst v63  }
0x53: {  	s24 =	simm.s32 $0xC800  }
0x54: {  	[tilespmem:s24], [sflag:$0x3] =	stream.indirect_vreg.gather [hbm4b:s10+s4], $0x80, v2, vm0, $0xb8;
	[tilespmem:$0xE000] =	vst v63  }
0x55: {  	s25 =	simm.s32 $0xD000  }
0x56: {  	[tilespmem:s25], [sflag:$0x3] =	stream.indirect_vreg.gather [hbm4b:s11+s4], $0x80, v2, vm0, $0xb8;
	[tilespmem:$0xE000] =	vst v63  }
0x57: {  	s26 =	simm.s32 $0xD800  }
0x58: {  	[tilespmem:s26], [sflag:$0x3] =	stream.indirect_vreg.gather [hbm4b:s12+s4], $0x80, v2, vm0, $0xb8;
	[tilespmem:$0xE000] =	vst v63  }
0x59: {  	_ =	swait.ge [sflag:s18], $0x4000  }
0x5a: {  	[sflag:s18] =	ssyncset.done $0x0  }
0x5b: {  	s16 =	simm.s32 $0x2200;
	[sflag:s18] =	ssyncadd.s32 $0xFFFFC000  }
0x5c: {  	v2 =	vld [tilespmem:s16+$0x1F0]  }
0x5d: {  	v3 =	vld [tilespmem:s16+$0xFFFFFE80]  }
0x5e: {  	v4 =	vld [tilespmem:s16+$0xFFFFFF00]  }
0x5f: {  	v13 =	vld [tilespmem:s16+$0xFFFFFF90]  }
0x60: {  	v10 =	vld [tilespmem:s16+$0xFFFFFE10]  }
0x61: {  	v6 =	vld [tilespmem:s16+$0x0];
	v2 =	vmul.f32 $4.525483320e+01, v2  }
0x62: {  	v5 =	vld [tilespmem:s16+$0xFFFFFF80];
	v3 =	vmul.f32 $4.525483320e+01, v3  }
0x63: {  	v8 =	vld [tilespmem:s16+$0x100];
	v4 =	vmul.f32 $4.525483320e+01, v4;
	[tilespmem:s16+$0x1F0] =	vst v2  }
0x64: {  	v7 =	vld [tilespmem:s16+$0x80];
	v62 =	vmul.f32 $4.525483320e+01, v13;
	[tilespmem:s16+$0xFFFFFE80] =	vst v3  }
0x65: {  	v11 =	vld [tilespmem:s16+$0xFFFFFE90];
	v2 =	vmul.f32 $4.525483320e+01, v10;
	[tilespmem:s16+$0xFFFFFF00] =	vst v4  }
0x66: {  	v3 =	vld [tilespmem:s16+$0x110];
	v4 =	vmul.f32 $4.525483320e+01, v6;
	[tilespmem:s16+$0xFFFFFF90] =	vst v62  }
0x67: {  	v9 =	vld [tilespmem:s16+$0x180];
	[tilespmem:s16+$0xFFFFFE10] =	vst v2;
	v2 =	vmul.f32 $4.525483320e+01, v5  }
0x68: {  	v6 =	vld [tilespmem:s16+$0xFFFFFE20];
	[tilespmem:s16+$0x0] =	vst v4;
	v4 =	vmul.f32 $4.525483320e+01, v8  }
0x69: {  	v5 =	vld [tilespmem:s16+$0x190];
	[tilespmem:s16+$0xFFFFFF80] =	vst v2;
	v2 =	vmul.f32 $4.525483320e+01, v7  }
0x6a: {  	v14 =	vld [tilespmem:s16+$0x10];
	[tilespmem:s16+$0x100] =	vst v4;
	v4 =	vmul.f32 $4.525483320e+01, v11  }
0x6b: {  	v12 =	vld [tilespmem:s16+$0xFFFFFF10];
	v3 =	vmul.f32 $4.525483320e+01, v3;
	[tilespmem:s16+$0x80] =	vst v2  }
0x6c: {  	v8 =	vld [tilespmem:s16+$0xFFFFFF20];
	v2 =	vmul.f32 $4.525483320e+01, v9;
	[tilespmem:s16+$0xFFFFFE90] =	vst v4  }
0x6d: {  	v10 =	vld [tilespmem:s16+$0x90];
	v4 =	vmul.f32 $4.525483320e+01, v6;
	[tilespmem:s16+$0x110] =	vst v3  }
0x6e: {  	v7 =	vld [tilespmem:s16+$0xFFFFFEA0];
	v5 =	vmul.f32 $4.525483320e+01, v5;
	[tilespmem:s16+$0x180] =	vst v2  }
0x6f: {  	v11 =	vld [tilespmem:s16+$0x20];
	[tilespmem:s16+$0xFFFFFE20] =	vst v4;
	v4 =	vmul.f32 $4.525483320e+01, v14  }
0x70: {  	v9 =	vld [tilespmem:s16+$0xFFFFFFA0];
	v2 =	vmul.f32 $4.525483320e+01, v12;
	[tilespmem:s16+$0x190] =	vst v5  }
0x71: {  	v5 =	vmul.f32 $4.525483320e+01, v8;
	[tilespmem:s16+$0x10] =	vst v4;
	v4 =	vld [tilespmem:s16+$0xFFFFFE30]  }
0x72: {  	v10 =	vmul.f32 $4.525483320e+01, v10;
	[tilespmem:s16+$0xFFFFFF10] =	vst v2;
	v2 =	vld [tilespmem:s16+$0x120]  }
0x73: {  	v3 =	vmul.f32 $4.525483320e+01, v7;
	[tilespmem:s16+$0xFFFFFF20] =	vst v5;
	v5 =	vld [tilespmem:s16+$0xB0]  }
0x74: {  	v6 =	vld [tilespmem:s16+$0xA0];
	[tilespmem:s16+$0x90] =	vst v10;
	v11 =	vmul.f32 $4.525483320e+01, v11  }
0x75: {  	v10 =	vld [tilespmem:s16+$0xFFFFFEB0];
	[tilespmem:s16+$0xFFFFFEA0] =	vst v3;
	v3 =	vmul.f32 $4.525483320e+01, v9  }
0x76: {  	v63 =	vld [tilespmem:s16+$0x1A0];
	[tilespmem:s16+$0x20] =	vst v11;
	v4 =	vmul.f32 $4.525483320e+01, v4  }
0x77: {  	v8 =	vld [tilespmem:s16+$0xFFFFFFB0];
	[tilespmem:s16+$0xFFFFFFA0] =	vst v3;
	v2 =	vmul.f32 $4.525483320e+01, v2  }
0x78: {  	v7 =	vld [tilespmem:s16+$0xFFFFFF30];
	v5 =	vmul.f32 $4.525483320e+01, v5;
	[tilespmem:s16+$0xFFFFFE30] =	vst v4  }
0x79: {  	v11 =	vld [tilespmem:s16+$0xFFFFFE40];
	v4 =	vmul.f32 $4.525483320e+01, v6;
	[tilespmem:s16+$0x120] =	vst v2  }
0x7a: {  	v9 =	vld [tilespmem:s16+$0x30];
	v2 =	vmul.f32 $4.525483320e+01, v10;
	[tilespmem:s16+$0xB0] =	vst v5  }
0x7b: {  	v3 =	vld [tilespmem:s16+$0x130];
	[tilespmem:s16+$0xA0] =	vst v4;
	v4 =	vmul.f32 $4.525483320e+01, v63  }
0x7c: {  	v6 =	vld [tilespmem:s16+$0x1B0];
	[tilespmem:s16+$0xFFFFFEB0] =	vst v2;
	v2 =	vmul.f32 $4.525483320e+01, v8  }
0x7d: {  	v10 =	vld [tilespmem:s16+$0xFFFFFEC0];
	[tilespmem:s16+$0x1A0] =	vst v4;
	v4 =	vmul.f32 $4.525483320e+01, v7  }
0x7e: {  	v7 =	vld [tilespmem:s16+$0xFFFFFF40];
	[tilespmem:s16+$0xFFFFFFB0] =	vst v2;
	v2 =	vmul.f32 $4.525483320e+01, v11  }
0x7f: {  	v8 =	vld [tilespmem:s16+$0xFFFFFFC0];
	[tilespmem:s16+$0xFFFFFF30] =	vst v4;
	v4 =	vmul.f32 $4.525483320e+01, v9  }
0x80: {  	v9 =	vld [tilespmem:s16+$0x40];
	[tilespmem:s16+$0xFFFFFE40] =	vst v2;
	v2 =	vmul.f32 $4.525483320e+01, v3  }
0x81: {  	v11 =	vld [tilespmem:s16+$0xC0];
	v3 =	vmul.f32 $4.525483320e+01, v6;
	[tilespmem:s16+$0x30] =	vst v4  }
0x82: {  	v6 =	vld [tilespmem:s16+$0xFFFFFE50];
	[tilespmem:s16+$0x130] =	vst v2;
	v2 =	vmul.f32 $4.525483320e+01, v10  }
0x83: {  	v4 =	vld [tilespmem:s16+$0x140];
	[tilespmem:s16+$0x1B0] =	vst v3;
	v3 =	vmul.f32 $4.525483320e+01, v7  }
0x84: {  	v5 =	vld [tilespmem:s16+$0x1C0];
	[tilespmem:s16+$0xFFFFFEC0] =	vst v2;
	v2 =	vmul.f32 $4.525483320e+01, v8  }
0x85: {  	v7 =	vld [tilespmem:s16+$0xFFFFFED0];
	[tilespmem:s16+$0xFFFFFF40] =	vst v3;
	v3 =	vmul.f32 $4.525483320e+01, v9  }
0x86: {  	v8 =	vld [tilespmem:s16+$0xFFFFFF50];
	[tilespmem:s16+$0xFFFFFFC0] =	vst v2;
	v2 =	vmul.f32 $4.525483320e+01, v11  }
0x87: {  	v9 =	vld [tilespmem:s16+$0xFFFFFFD0];
	[tilespmem:s16+$0x40] =	vst v3;
	v3 =	vmul.f32 $4.525483320e+01, v6  }
0x88: {  	v10 =	vld [tilespmem:s16+$0x50];
	v4 =	vmul.f32 $4.525483320e+01, v4;
	[tilespmem:s16+$0xC0] =	vst v2  }
0x89: {  	v6 =	vld [tilespmem:s16+$0xD0];
	[tilespmem:s16+$0xFFFFFE50] =	vst v3;
	v3 =	vmul.f32 $4.525483320e+01, v5  }
0x8a: {  	v2 =	vld [tilespmem:s16+$0x150];
	[tilespmem:s16+$0x140] =	vst v4;
	v4 =	vmul.f32 $4.525483320e+01, v7  }
0x8b: {  	v5 =	vld [tilespmem:s16+$0x1D0];
	[tilespmem:s16+$0x1C0] =	vst v3;
	v3 =	vmul.f32 $4.525483320e+01, v8  }
0x8c: {  	v7 =	vld [tilespmem:s16+$0xFFFFFE60];
	[tilespmem:s16+$0xFFFFFED0] =	vst v4;
	v4 =	vmul.f32 $4.525483320e+01, v9  }
0x8d: {  	v8 =	vld [tilespmem:s16+$0xFFFFFEE0];
	[tilespmem:s16+$0xFFFFFF50] =	vst v3;
	v3 =	vmul.f32 $4.525483320e+01, v10  }
0x8e: {  	v9 =	vld [tilespmem:s16+$0xFFFFFF60];
	[tilespmem:s16+$0xFFFFFFD0] =	vst v4;
	v4 =	vmul.f32 $4.525483320e+01, v6  }
0x8f: {  	v6 =	vld [tilespmem:s16+$0xFFFFFFE0];
	v2 =	vmul.f32 $4.525483320e+01, v2;
	[tilespmem:s16+$0x50] =	vst v3  }
0x90: {  	v5 =	vmul.f32 $4.525483320e+01, v5;
	v3 =	vld [tilespmem:s16+$0x60];
	[tilespmem:s16+$0xD0] =	vst v4  }
0x91: {  	v4 =	vmul.f32 $4.525483320e+01, v7;
	v7 =	vld [tilespmem:s16+$0xE0];
	[tilespmem:s16+$0x150] =	vst v2  }
0x92: {  	v2 =	vld [tilespmem:s16+$0x160];
	v8 =	vmul.f32 $4.525483320e+01, v8;
	[tilespmem:s16+$0x1D0] =	vst v5  }
0x93: {  	v5 =	vld [tilespmem:s16+$0x1E0];
	[tilespmem:s16+$0xFFFFFE60] =	vst v4;
	v4 =	vmul.f32 $4.525483320e+01, v9  }
0x94: {  	[tilespmem:s16+$0xFFFFFEE0] =	vst v8;
	v6 =	vmul.f32 $4.525483320e+01, v6;
	v8 =	vld [tilespmem:s16+$0xFFFFFE70]  }
0x95: {  	v9 =	vld [tilespmem:s16+$0xFFFFFEF0];
	[tilespmem:s16+$0xFFFFFF60] =	vst v4;
	v3 =	vmul.f32 $4.525483320e+01, v3  }
0x96: {  	v10 =	vld [tilespmem:s16+$0xFFFFFF70];
	[tilespmem:s16+$0xFFFFFFE0] =	vst v6;
	v4 =	vmul.f32 $4.525483320e+01, v7  }
0x97: {  	v6 =	vmul.f32 $4.525483320e+01, v2;
	v2 =	vld [tilespmem:s16+$0xFFFFFFF0];
	[tilespmem:s16+$0x60] =	vst v3  }
0x98: {  	v5 =	vmul.f32 $4.525483320e+01, v5;
	[tilespmem:s16+$0xE0] =	vst v4;
	v3 =	vld [tilespmem:s16+$0x70]  }
0x99: {  	[tilespmem:s16+$0x160] =	vst v6;
	v4 =	vld [tilespmem:s16+$0xF0];
	v8 =	vmul.f32 $4.525483320e+01, v8  }
0x9a: {  	v7 =	vmul.f32 $4.525483320e+01, v9;
	[tilespmem:s16+$0x1E0] =	vst v5;
	v5 =	vld [tilespmem:s16+$0x170]  }
0x9b: {  	s17 =	simm.s32 $0x0;
	s22 =	simm.s32 $0x2600;
	v6 =	vld [tilespmem:s16+$0xFFFFFE00];
	[tilespmem:s16+$0xFFFFFE70] =	vst v8;
	v8 =	vmul.f32 $4.525483320e+01, v10  }
.LBB2_2:
0x9c: {  	v9 =	vld [tilespmem:s22+$0x1F0];
	s17 =	sadd.s32 $0x8, s17;
	[tilespmem:s16+$0xFFFFFEF0] =	vst v7;
	v2 =	vmul.f32 $4.525483320e+01, v2  }
0x9d: {  	v7 =	vld [tilespmem:s22+$0xFFFFFE80];
	p0 =	slt.u32 s17, $0x78;
	[tilespmem:s16+$0xFFFFFF70] =	vst v8;
	v3 =	vmul.f32 $4.525483320e+01, v3  }
0x9e: {  	v8 =	vld [tilespmem:s22+$0xFFFFFF00];
	[tilespmem:s16+$0xFFFFFFF0] =	vst v2;
	v2 =	vmul.f32 $4.525483320e+01, v4  }
0x9f: {  	v4 =	vld [tilespmem:s22+$0xFFFFFF80];
	[tilespmem:s16+$0x70] =	vst v3;
	v3 =	vmul.f32 $4.525483320e+01, v5  }
0xa0: {  	v5 =	vld [tilespmem:s22+$0x0];
	v6 =	vmul.f32 $4.525483320e+01, v6;
	[tilespmem:s16+$0xF0] =	vst v2  }
0xa1: {  	v2 =	vld [tilespmem:s22+$0x80];
	v9 =	vmul.f32 $4.525483320e+01, v9;
	[tilespmem:s16+$0x170] =	vst v3  }
0xa2: {  	v3 =	vmul.f32 $4.525483320e+01, v7;
	v7 =	vld [tilespmem:s22+$0x100];
	[tilespmem:s16+$0xFFFFFE00] =	vst v6;
	s16 =	smov.u32 s22  }
0xa3: {  	v6 =	vmul.f32 $4.525483320e+01, v8;
	v8 =	vld [tilespmem:s22+$0x180];
	[tilespmem:s22+$0x1F0] =	vst v9  }
0xa4: {  	[tilespmem:s22+$0xFFFFFE80] =	vst v3;
	v3 =	vmul.f32 $4.525483320e+01, v4;
	v4 =	vld [tilespmem:s22+$0xFFFFFE10]  }
0xa5: {  	[tilespmem:s22+$0xFFFFFF00] =	vst v6;
	v5 =	vmul.f32 $4.525483320e+01, v5;
	v6 =	vld [tilespmem:s22+$0xFFFFFE90]  }
0xa6: {  	[tilespmem:s22+$0xFFFFFF80] =	vst v3;
	v2 =	vmul.f32 $4.525483320e+01, v2;
	v3 =	vld [tilespmem:s22+$0xFFFFFF10]  }
0xa7: {  	[tilespmem:s22+$0x0] =	vst v5;
	v5 =	vmul.f32 $4.525483320e+01, v7;
	v7 =	vld [tilespmem:s22+$0xFFFFFF90]  }
0xa8: {  	[tilespmem:s22+$0x80] =	vst v2;
	v2 =	vmul.f32 $4.525483320e+01, v8;
	v8 =	vld [tilespmem:s22+$0x10]  }
0xa9: {  	[tilespmem:s22+$0x100] =	vst v5;
	v4 =	vmul.f32 $4.525483320e+01, v4;
	v5 =	vld [tilespmem:s22+$0x90]  }
0xaa: {  	[tilespmem:s22+$0x180] =	vst v2;
	v2 =	vmul.f32 $4.525483320e+01, v6;
	v6 =	vld [tilespmem:s22+$0x110]  }
0xab: {  	[tilespmem:s22+$0xFFFFFE10] =	vst v4;
	v3 =	vmul.f32 $4.525483320e+01, v3;
	v4 =	vld [tilespmem:s22+$0x190]  }
0xac: {  	[tilespmem:s22+$0xFFFFFE90] =	vst v2;
	v2 =	vmul.f32 $4.525483320e+01, v7;
	v7 =	vld [tilespmem:s22+$0xFFFFFE20]  }
0xad: {  	[tilespmem:s22+$0xFFFFFF10] =	vst v3;
	v3 =	vmul.f32 $4.525483320e+01, v8;
	v8 =	vld [tilespmem:s22+$0xFFFFFEA0]  }
0xae: {  	[tilespmem:s22+$0xFFFFFF90] =	vst v2;
	v2 =	vmul.f32 $4.525483320e+01, v5;
	v5 =	vld [tilespmem:s22+$0xFFFFFF20]  }
0xaf: {  	[tilespmem:s22+$0x10] =	vst v3;
	v3 =	vmul.f32 $4.525483320e+01, v6;
	v6 =	vld [tilespmem:s22+$0xFFFFFFA0]  }
0xb0: {  	[tilespmem:s22+$0x90] =	vst v2;
	v2 =	vmul.f32 $4.525483320e+01, v4;
	v4 =	vld [tilespmem:s22+$0x20]  }
0xb1: {  	[tilespmem:s22+$0x110] =	vst v3;
	v3 =	vmul.f32 $4.525483320e+01, v7;
	v7 =	vld [tilespmem:s22+$0xA0]  }
0xb2: {  	[tilespmem:s22+$0x190] =	vst v2;
	v2 =	vmul.f32 $4.525483320e+01, v8;
	v8 =	vld [tilespmem:s22+$0x120]  }
0xb3: {  	[tilespmem:s22+$0xFFFFFE20] =	vst v3;
	v3 =	vmul.f32 $4.525483320e+01, v5;
	v5 =	vld [tilespmem:s22+$0x1A0]  }
0xb4: {  	[tilespmem:s22+$0xFFFFFEA0] =	vst v2;
	v2 =	vmul.f32 $4.525483320e+01, v6;
	v6 =	vld [tilespmem:s22+$0xFFFFFE30]  }
0xb5: {  	[tilespmem:s22+$0xFFFFFF20] =	vst v3;
	v3 =	vmul.f32 $4.525483320e+01, v4;
	v4 =	vld [tilespmem:s22+$0xFFFFFEB0]  }
0xb6: {  	[tilespmem:s22+$0xFFFFFFA0] =	vst v2;
	v2 =	vmul.f32 $4.525483320e+01, v7;
	v7 =	vld [tilespmem:s22+$0xFFFFFF30]  }
0xb7: {  	[tilespmem:s22+$0x20] =	vst v3;
	v3 =	vmul.f32 $4.525483320e+01, v8;
	v8 =	vld [tilespmem:s22+$0xFFFFFFB0]  }
0xb8: {  	[tilespmem:s22+$0xA0] =	vst v2;
	v2 =	vmul.f32 $4.525483320e+01, v5;
	v5 =	vld [tilespmem:s22+$0x30]  }
0xb9: {  	[tilespmem:s22+$0x120] =	vst v3;
	v3 =	vmul.f32 $4.525483320e+01, v6;
	v6 =	vld [tilespmem:s22+$0xB0]  }
0xba: {  	[tilespmem:s22+$0x1A0] =	vst v2;
	v2 =	vmul.f32 $4.525483320e+01, v4;
	v4 =	vld [tilespmem:s22+$0x130]  }
0xbb: {  	[tilespmem:s22+$0xFFFFFE30] =	vst v3;
	v3 =	vmul.f32 $4.525483320e+01, v7;
	v7 =	vld [tilespmem:s22+$0x1B0]  }
0xbc: {  	[tilespmem:s22+$0xFFFFFEB0] =	vst v2;
	v2 =	vmul.f32 $4.525483320e+01, v8;
	v8 =	vld [tilespmem:s22+$0xFFFFFE40]  }
0xbd: {  	[tilespmem:s22+$0xFFFFFF30] =	vst v3;
	v3 =	vmul.f32 $4.525483320e+01, v5;
	v5 =	vld [tilespmem:s22+$0xFFFFFEC0]  }
0xbe: {  	[tilespmem:s22+$0xFFFFFFB0] =	vst v2;
	v2 =	vmul.f32 $4.525483320e+01, v6;
	v6 =	vld [tilespmem:s22+$0xFFFFFF40]  }
0xbf: {  	[tilespmem:s22+$0x30] =	vst v3;
	v3 =	vmul.f32 $4.525483320e+01, v4;
	v4 =	vld [tilespmem:s22+$0xFFFFFFC0]  }
0xc0: {  	[tilespmem:s22+$0xB0] =	vst v2;
	v2 =	vmul.f32 $4.525483320e+01, v7;
	v7 =	vld [tilespmem:s22+$0x40]  }
0xc1: {  	[tilespmem:s22+$0x130] =	vst v3;
	v3 =	vmul.f32 $4.525483320e+01, v8;
	v8 =	vld [tilespmem:s22+$0xC0]  }
0xc2: {  	[tilespmem:s22+$0x1B0] =	vst v2;
	v2 =	vmul.f32 $4.525483320e+01, v5;
	v5 =	vld [tilespmem:s22+$0x140]  }
0xc3: {  	[tilespmem:s22+$0xFFFFFE40] =	vst v3;
	v3 =	vmul.f32 $4.525483320e+01, v6;
	v6 =	vld [tilespmem:s22+$0x1C0]  }
0xc4: {  	[tilespmem:s22+$0xFFFFFEC0] =	vst v2;
	v2 =	vmul.f32 $4.525483320e+01, v4;
	v4 =	vld [tilespmem:s22+$0xFFFFFE50]  }
0xc5: {  	[tilespmem:s22+$0xFFFFFF40] =	vst v3;
	v3 =	vmul.f32 $4.525483320e+01, v7;
	v7 =	vld [tilespmem:s22+$0xFFFFFED0]  }
0xc6: {  	[tilespmem:s22+$0xFFFFFFC0] =	vst v2;
	v2 =	vmul.f32 $4.525483320e+01, v8;
	v8 =	vld [tilespmem:s22+$0xFFFFFF50]  }
0xc7: {  	[tilespmem:s22+$0x40] =	vst v3;
	v3 =	vmul.f32 $4.525483320e+01, v5;
	v5 =	vld [tilespmem:s22+$0xFFFFFFD0]  }
0xc8: {  	[tilespmem:s22+$0xC0] =	vst v2;
	v2 =	vmul.f32 $4.525483320e+01, v6;
	v6 =	vld [tilespmem:s22+$0x50]  }
0xc9: {  	[tilespmem:s22+$0x140] =	vst v3;
	v3 =	vmul.f32 $4.525483320e+01, v4;
	v4 =	vld [tilespmem:s22+$0xD0]  }
0xca: {  	[tilespmem:s22+$0x1C0] =	vst v2;
	v2 =	vmul.f32 $4.525483320e+01, v7;
	v7 =	vld [tilespmem:s22+$0x150]  }
0xcb: {  	[tilespmem:s22+$0xFFFFFE50] =	vst v3;
	v3 =	vmul.f32 $4.525483320e+01, v8;
	v8 =	vld [tilespmem:s22+$0x1D0]  }
0xcc: {  	[tilespmem:s22+$0xFFFFFED0] =	vst v2;
	v2 =	vmul.f32 $4.525483320e+01, v5;
	v5 =	vld [tilespmem:s22+$0xFFFFFE60]  }
0xcd: {  	[tilespmem:s22+$0xFFFFFF50] =	vst v3;
	v3 =	vmul.f32 $4.525483320e+01, v6;
	v6 =	vld [tilespmem:s22+$0xFFFFFEE0]  }
0xce: {  	[tilespmem:s22+$0xFFFFFFD0] =	vst v2;
	v2 =	vmul.f32 $4.525483320e+01, v4;
	v4 =	vld [tilespmem:s22+$0xFFFFFF60]  }
0xcf: {  	[tilespmem:s22+$0x50] =	vst v3;
	v3 =	vmul.f32 $4.525483320e+01, v7;
	v7 =	vld [tilespmem:s22+$0xFFFFFFE0]  }
0xd0: {  	[tilespmem:s22+$0xD0] =	vst v2;
	v2 =	vmul.f32 $4.525483320e+01, v8;
	v8 =	vld [tilespmem:s22+$0x60]  }
0xd1: {  	[tilespmem:s22+$0x150] =	vst v3;
	v3 =	vmul.f32 $4.525483320e+01, v5;
	v5 =	vld [tilespmem:s22+$0xE0]  }
0xd2: {  	[tilespmem:s22+$0x1D0] =	vst v2;
	v2 =	vmul.f32 $4.525483320e+01, v6;
	v6 =	vld [tilespmem:s22+$0x160]  }
0xd3: {  	[tilespmem:s22+$0xFFFFFE60] =	vst v3;
	v3 =	vmul.f32 $4.525483320e+01, v4;
	v4 =	vld [tilespmem:s22+$0x1E0]  }
0xd4: {  	[tilespmem:s22+$0xFFFFFEE0] =	vst v2;
	v2 =	vmul.f32 $4.525483320e+01, v7;
	v7 =	vld [tilespmem:s22+$0xFFFFFE70]  }
0xd5: {  	[tilespmem:s22+$0xFFFFFF60] =	vst v3;
	v3 =	vmul.f32 $4.525483320e+01, v8;
	v8 =	vld [tilespmem:s22+$0xFFFFFEF0]  }
0xd6: {  	[tilespmem:s22+$0xFFFFFFE0] =	vst v2;
	v5 =	vmul.f32 $4.525483320e+01, v5;
	v9 =	vld [tilespmem:s22+$0xFFFFFF70]  }
.Ltmp0:
0xd7: {  	[tilespmem:s22+$0x60] =	vst v3;
	v6 =	vmul.f32 $4.525483320e+01, v6;
	v2 =	vld [tilespmem:s22+$0xFFFFFFF0];
	(pc) =	sbr.rel @p0 .LBB2_2-.Ltmp0, $4  }
0xd8: {  	[tilespmem:s22+$0xE0] =	vst v5;
	v5 =	vmul.f32 $4.525483320e+01, v4;
	v3 =	vld [tilespmem:s22+$0x70]  }
0xd9: {  	[tilespmem:s22+$0x160] =	vst v6;
	v10 =	vmul.f32 $4.525483320e+01, v7;
	v4 =	vld [tilespmem:s22+$0xF0]  }
0xda: {  	[tilespmem:s22+$0x1E0] =	vst v5;
	v7 =	vmul.f32 $4.525483320e+01, v8;
	v5 =	vld [tilespmem:s22+$0x170]  }
0xdb: {  	s22 =	sadd.s32 $0x400, s22;
	v6 =	vld [tilespmem:s16+$0xFFFFFE00];
	[tilespmem:s16+$0xFFFFFE70] =	vst v10;
	v8 =	vmul.f32 $4.525483320e+01, v9  }
0xdc: {  	[tilespmem:s16+$0xFFFFFEF0] =	vst v7;
	v2 =	vmul.f32 $4.525483320e+01, v2  }
0xdd: {  	[tilespmem:s16+$0xFFFFFF70] =	vst v8;
	v3 =	vmul.f32 $4.525483320e+01, v3  }
0xde: {  	[tilespmem:s16+$0xFFFFFFF0] =	vst v2;
	v2 =	vmul.f32 $4.525483320e+01, v4  }
0xdf: {  	[tilespmem:s16+$0x70] =	vst v3;
	v3 =	vmul.f32 $4.525483320e+01, v5  }
0xe0: {  	v63 =	vmul.f32 $4.525483320e+01, v6;
	[tilespmem:s16+$0xF0] =	vst v2  }
0xe1: {  	[tilespmem:s16+$0x170] =	vst v3  }
0xe2: {  	[tilespmem:s16+$0xFFFFFE00] =	vst v63;
	s16 =	simm.s32 $0x0  }
0xe3: {  	[hbm4b:s13+s16] =	stream.linear.scatter [tilespmem:s21], [sflag:$0x4], $0x4000, $0x38;
	[tilespmem:$0xE000] =	vst v63  }
.LBB2_4:
0xe4: {  	s17 =	smul.u32 $0x3, s16;
	_ =	sdelay $0x1  }
0xe5: {  	_ =	swait.ge [sflag:s20], $0x4000;
	s17 =	sadd.s32 $0x3, s17  }
0xe6: {  	[sflag:s20] =	ssyncset.done $0x0;
	s22 =	sshll.u32 s17, $0x7  }
0xe7: {  	[sflag:s20] =	ssyncadd.s32 $0xFFFFC000;
	s22 =	sand.u32 $0x3FFFFF80, s22  }
0xe8: {  	v2 =	vld.msk [tilespmem:s22+$0x0], $0xff;
	_ =	sdelay $0x4  }
0xe9: {  	v3 =	vshll.u32 v2, $0x4  }
0xea: {  	v2 =	vand.u32 $0x7, v2;
	v3 =	vand.u32 $0xFFFFFF80, v3  }
0xeb: {  	v2 =	vor.u32 v2, v3  }
0xec: {  	v2 =	vperm.xlane v2, v0;
	_ =	sdelay $0x1  }
0xed: {  	v2 =	vadd.s32 v1, v2;
	_ =	sdelay $0x4  }
0xee: {  	[tilespmem:s21], [sflag:$0x1] =	stream.indirect_vreg.gather [hbm4b:s2+s4], $0x80, v2, vm0, $0xb8;
	[tilespmem:$0xE000] =	vst v63  }
0xef: {  	s26 =	simm.s32 $0x2800  }
0xf0: {  	[tilespmem:s26], [sflag:$0x1] =	stream.indirect_vreg.gather [hbm4b:s6+s4], $0x80, v2, vm0, $0xb8;
	[tilespmem:$0xE000] =	vst v63  }
0xf1: {  	s23 =	simm.s32 $0x3000  }
0xf2: {  	[tilespmem:s23], [sflag:$0x1] =	stream.indirect_vreg.gather [hbm4b:s7+s4], $0x80, v2, vm0, $0xb8;
	[tilespmem:$0xE000] =	vst v63  }
0xf3: {  	s24 =	simm.s32 $0x3800  }
0xf4: {  	[tilespmem:s24], [sflag:$0x1] =	stream.indirect_vreg.gather [hbm4b:s8+s4], $0x80, v2, vm0, $0xb8;
	[tilespmem:$0xE000] =	vst v63  }
0xf5: {  	s25 =	simm.s32 $0x4000  }
0xf6: {  	[tilespmem:s25], [sflag:$0x1] =	stream.indirect_vreg.gather [hbm4b:s9+s4], $0x80, v2, vm0, $0xb8;
	[tilespmem:$0xE000] =	vst v63  }
0xf7: {  	s26 =	simm.s32 $0x4800  }
0xf8: {  	[tilespmem:s26], [sflag:$0x1] =	stream.indirect_vreg.gather [hbm4b:s10+s4], $0x80, v2, vm0, $0xb8;
	[tilespmem:$0xE000] =	vst v63  }
0xf9: {  	_ = 	snop  }
0xfa: {  	[tilespmem:s28], [sflag:$0x1] =	stream.indirect_vreg.gather [hbm4b:s11+s4], $0x80, v2, vm0, $0xb8;
	[tilespmem:$0xE000] =	vst v63  }
0xfb: {  	_ = 	snop  }
0xfc: {  	[tilespmem:s29], [sflag:$0x1] =	stream.indirect_vreg.gather [hbm4b:s12+s4], $0x80, v2, vm0, $0xb8;
	[tilespmem:$0xE000] =	vst v63  }
0xfd: {  	_ =	swait.ge [sflag:s31], $0x4000  }
0xfe: {  	[sflag:s31] =	ssyncset.done $0x0  }
0xff: {  	s23 =	simm.s32 $0x6200;
	[sflag:s31] =	ssyncadd.s32 $0xFFFFC000  }
0x100: {  	v2 =	vld [tilespmem:s23+$0x1F0]  }
0x101: {  	v3 =	vld [tilespmem:s23+$0xFFFFFE80]  }
0x102: {  	v4 =	vld [tilespmem:s23+$0xFFFFFF00]  }
0x103: {  	v13 =	vld [tilespmem:s23+$0xFFFFFF90]  }
0x104: {  	v10 =	vld [tilespmem:s23+$0xFFFFFE10]  }
0x105: {  	v6 =	vld [tilespmem:s23+$0x0];
	v2 =	vmul.f32 $4.525483320e+01, v2  }
0x106: {  	v5 =	vld [tilespmem:s23+$0xFFFFFF80];
	v3 =	vmul.f32 $4.525483320e+01, v3  }
0x107: {  	v8 =	vld [tilespmem:s23+$0x100];
	v4 =	vmul.f32 $4.525483320e+01, v4;
	[tilespmem:s23+$0x1F0] =	vst v2  }
0x108: {  	v7 =	vld [tilespmem:s23+$0x80];
	v62 =	vmul.f32 $4.525483320e+01, v13;
	[tilespmem:s23+$0xFFFFFE80] =	vst v3  }
0x109: {  	v11 =	vld [tilespmem:s23+$0xFFFFFE90];
	v2 =	vmul.f32 $4.525483320e+01, v10;
	[tilespmem:s23+$0xFFFFFF00] =	vst v4  }
0x10a: {  	v3 =	vld [tilespmem:s23+$0x110];
	v4 =	vmul.f32 $4.525483320e+01, v6;
	[tilespmem:s23+$0xFFFFFF90] =	vst v62  }
0x10b: {  	v9 =	vld [tilespmem:s23+$0x180];
	[tilespmem:s23+$0xFFFFFE10] =	vst v2;
	v2 =	vmul.f32 $4.525483320e+01, v5  }
0x10c: {  	v6 =	vld [tilespmem:s23+$0xFFFFFE20];
	[tilespmem:s23+$0x0] =	vst v4;
	v4 =	vmul.f32 $4.525483320e+01, v8  }
0x10d: {  	v5 =	vld [tilespmem:s23+$0x190];
	[tilespmem:s23+$0xFFFFFF80] =	vst v2;
	v2 =	vmul.f32 $4.525483320e+01, v7  }
0x10e: {  	v14 =	vld [tilespmem:s23+$0x10];
	[tilespmem:s23+$0x100] =	vst v4;
	v4 =	vmul.f32 $4.525483320e+01, v11  }
0x10f: {  	v12 =	vld [tilespmem:s23+$0xFFFFFF10];
	v3 =	vmul.f32 $4.525483320e+01, v3;
	[tilespmem:s23+$0x80] =	vst v2  }
0x110: {  	v8 =	vld [tilespmem:s23+$0xFFFFFF20];
	v2 =	vmul.f32 $4.525483320e+01, v9;
	[tilespmem:s23+$0xFFFFFE90] =	vst v4  }
0x111: {  	v10 =	vld [tilespmem:s23+$0x90];
	v4 =	vmul.f32 $4.525483320e+01, v6;
	[tilespmem:s23+$0x110] =	vst v3  }
0x112: {  	v7 =	vld [tilespmem:s23+$0xFFFFFEA0];
	v5 =	vmul.f32 $4.525483320e+01, v5;
	[tilespmem:s23+$0x180] =	vst v2  }
0x113: {  	v11 =	vld [tilespmem:s23+$0x20];
	[tilespmem:s23+$0xFFFFFE20] =	vst v4;
	v4 =	vmul.f32 $4.525483320e+01, v14  }
0x114: {  	v9 =	vld [tilespmem:s23+$0xFFFFFFA0];
	v2 =	vmul.f32 $4.525483320e+01, v12;
	[tilespmem:s23+$0x190] =	vst v5  }
0x115: {  	v5 =	vmul.f32 $4.525483320e+01, v8;
	[tilespmem:s23+$0x10] =	vst v4;
	v4 =	vld [tilespmem:s23+$0xFFFFFE30]  }
0x116: {  	v10 =	vmul.f32 $4.525483320e+01, v10;
	[tilespmem:s23+$0xFFFFFF10] =	vst v2;
	v2 =	vld [tilespmem:s23+$0x120]  }
0x117: {  	v3 =	vmul.f32 $4.525483320e+01, v7;
	[tilespmem:s23+$0xFFFFFF20] =	vst v5;
	v5 =	vld [tilespmem:s23+$0xB0]  }
0x118: {  	v6 =	vld [tilespmem:s23+$0xA0];
	[tilespmem:s23+$0x90] =	vst v10;
	v11 =	vmul.f32 $4.525483320e+01, v11  }
0x119: {  	v10 =	vld [tilespmem:s23+$0xFFFFFEB0];
	[tilespmem:s23+$0xFFFFFEA0] =	vst v3;
	v3 =	vmul.f32 $4.525483320e+01, v9  }
0x11a: {  	v63 =	vld [tilespmem:s23+$0x1A0];
	[tilespmem:s23+$0x20] =	vst v11;
	v4 =	vmul.f32 $4.525483320e+01, v4  }
0x11b: {  	v8 =	vld [tilespmem:s23+$0xFFFFFFB0];
	[tilespmem:s23+$0xFFFFFFA0] =	vst v3;
	v2 =	vmul.f32 $4.525483320e+01, v2  }
0x11c: {  	v7 =	vld [tilespmem:s23+$0xFFFFFF30];
	v5 =	vmul.f32 $4.525483320e+01, v5;
	[tilespmem:s23+$0xFFFFFE30] =	vst v4  }
0x11d: {  	v11 =	vld [tilespmem:s23+$0xFFFFFE40];
	v4 =	vmul.f32 $4.525483320e+01, v6;
	[tilespmem:s23+$0x120] =	vst v2  }
0x11e: {  	v9 =	vld [tilespmem:s23+$0x30];
	v2 =	vmul.f32 $4.525483320e+01, v10;
	[tilespmem:s23+$0xB0] =	vst v5  }
0x11f: {  	v3 =	vld [tilespmem:s23+$0x130];
	[tilespmem:s23+$0xA0] =	vst v4;
	v4 =	vmul.f32 $4.525483320e+01, v63  }
0x120: {  	v6 =	vld [tilespmem:s23+$0x1B0];
	[tilespmem:s23+$0xFFFFFEB0] =	vst v2;
	v2 =	vmul.f32 $4.525483320e+01, v8  }
0x121: {  	v10 =	vld [tilespmem:s23+$0xFFFFFEC0];
	[tilespmem:s23+$0x1A0] =	vst v4;
	v4 =	vmul.f32 $4.525483320e+01, v7  }
0x122: {  	v7 =	vld [tilespmem:s23+$0xFFFFFF40];
	[tilespmem:s23+$0xFFFFFFB0] =	vst v2;
	v2 =	vmul.f32 $4.525483320e+01, v11  }
0x123: {  	v8 =	vld [tilespmem:s23+$0xFFFFFFC0];
	[tilespmem:s23+$0xFFFFFF30] =	vst v4;
	v4 =	vmul.f32 $4.525483320e+01, v9  }
0x124: {  	v9 =	vld [tilespmem:s23+$0x40];
	[tilespmem:s23+$0xFFFFFE40] =	vst v2;
	v2 =	vmul.f32 $4.525483320e+01, v3  }
0x125: {  	v11 =	vld [tilespmem:s23+$0xC0];
	v3 =	vmul.f32 $4.525483320e+01, v6;
	[tilespmem:s23+$0x30] =	vst v4  }
0x126: {  	v6 =	vld [tilespmem:s23+$0xFFFFFE50];
	[tilespmem:s23+$0x130] =	vst v2;
	v2 =	vmul.f32 $4.525483320e+01, v10  }
0x127: {  	v4 =	vld [tilespmem:s23+$0x140];
	[tilespmem:s23+$0x1B0] =	vst v3;
	v3 =	vmul.f32 $4.525483320e+01, v7  }
0x128: {  	v5 =	vld [tilespmem:s23+$0x1C0];
	[tilespmem:s23+$0xFFFFFEC0] =	vst v2;
	v2 =	vmul.f32 $4.525483320e+01, v8  }
0x129: {  	v7 =	vld [tilespmem:s23+$0xFFFFFED0];
	[tilespmem:s23+$0xFFFFFF40] =	vst v3;
	v3 =	vmul.f32 $4.525483320e+01, v9  }
0x12a: {  	v8 =	vld [tilespmem:s23+$0xFFFFFF50];
	[tilespmem:s23+$0xFFFFFFC0] =	vst v2;
	v2 =	vmul.f32 $4.525483320e+01, v11  }
0x12b: {  	v9 =	vld [tilespmem:s23+$0xFFFFFFD0];
	[tilespmem:s23+$0x40] =	vst v3;
	v3 =	vmul.f32 $4.525483320e+01, v6  }
0x12c: {  	v10 =	vld [tilespmem:s23+$0x50];
	v4 =	vmul.f32 $4.525483320e+01, v4;
	[tilespmem:s23+$0xC0] =	vst v2  }
0x12d: {  	v6 =	vld [tilespmem:s23+$0xD0];
	[tilespmem:s23+$0xFFFFFE50] =	vst v3;
	v3 =	vmul.f32 $4.525483320e+01, v5  }
0x12e: {  	v2 =	vld [tilespmem:s23+$0x150];
	[tilespmem:s23+$0x140] =	vst v4;
	v4 =	vmul.f32 $4.525483320e+01, v7  }
0x12f: {  	v5 =	vld [tilespmem:s23+$0x1D0];
	[tilespmem:s23+$0x1C0] =	vst v3;
	v3 =	vmul.f32 $4.525483320e+01, v8  }
0x130: {  	v7 =	vld [tilespmem:s23+$0xFFFFFE60];
	[tilespmem:s23+$0xFFFFFED0] =	vst v4;
	v4 =	vmul.f32 $4.525483320e+01, v9  }
0x131: {  	v8 =	vld [tilespmem:s23+$0xFFFFFEE0];
	[tilespmem:s23+$0xFFFFFF50] =	vst v3;
	v3 =	vmul.f32 $4.525483320e+01, v10  }
0x132: {  	v9 =	vld [tilespmem:s23+$0xFFFFFF60];
	[tilespmem:s23+$0xFFFFFFD0] =	vst v4;
	v4 =	vmul.f32 $4.525483320e+01, v6  }
0x133: {  	v6 =	vld [tilespmem:s23+$0xFFFFFFE0];
	v2 =	vmul.f32 $4.525483320e+01, v2;
	[tilespmem:s23+$0x50] =	vst v3  }
0x134: {  	v5 =	vmul.f32 $4.525483320e+01, v5;
	v3 =	vld [tilespmem:s23+$0x60];
	[tilespmem:s23+$0xD0] =	vst v4  }
0x135: {  	v4 =	vmul.f32 $4.525483320e+01, v7;
	v7 =	vld [tilespmem:s23+$0xE0];
	[tilespmem:s23+$0x150] =	vst v2  }
0x136: {  	v2 =	vld [tilespmem:s23+$0x160];
	v8 =	vmul.f32 $4.525483320e+01, v8;
	[tilespmem:s23+$0x1D0] =	vst v5  }
0x137: {  	v5 =	vld [tilespmem:s23+$0x1E0];
	[tilespmem:s23+$0xFFFFFE60] =	vst v4;
	v4 =	vmul.f32 $4.525483320e+01, v9  }
0x138: {  	[tilespmem:s23+$0xFFFFFEE0] =	vst v8;
	v6 =	vmul.f32 $4.525483320e+01, v6;
	v8 =	vld [tilespmem:s23+$0xFFFFFE70]  }
0x139: {  	v9 =	vld [tilespmem:s23+$0xFFFFFEF0];
	[tilespmem:s23+$0xFFFFFF60] =	vst v4;
	v3 =	vmul.f32 $4.525483320e+01, v3  }
0x13a: {  	v10 =	vld [tilespmem:s23+$0xFFFFFF70];
	[tilespmem:s23+$0xFFFFFFE0] =	vst v6;
	v4 =	vmul.f32 $4.525483320e+01, v7  }
0x13b: {  	v6 =	vmul.f32 $4.525483320e+01, v2;
	v2 =	vld [tilespmem:s23+$0xFFFFFFF0];
	[tilespmem:s23+$0x60] =	vst v3  }
0x13c: {  	[tilespmem:s23+$0xE0] =	vst v4;
	v4 =	vmul.f32 $4.525483320e+01, v5;
	v3 =	vld [tilespmem:s23+$0x70]  }
0x13d: {  	[tilespmem:s23+$0x160] =	vst v6;
	v5 =	vld [tilespmem:s23+$0xF0];
	v8 =	vmul.f32 $4.525483320e+01, v8  }
0x13e: {  	v7 =	vmul.f32 $4.525483320e+01, v9;
	[tilespmem:s23+$0x1E0] =	vst v4;
	v4 =	vld [tilespmem:s23+$0x170]  }
0x13f: {  	s22 =	simm.s32 $0x0;
	s24 =	simm.s32 $0x6600;
	v6 =	vld [tilespmem:s23+$0xFFFFFE00];
	[tilespmem:s23+$0xFFFFFE70] =	vst v8;
	v8 =	vmul.f32 $4.525483320e+01, v10  }
.LBB2_5:
0x140: {  	v9 =	vld [tilespmem:s24+$0x1F0];
	s22 =	sadd.s32 $0x8, s22;
	[tilespmem:s23+$0xFFFFFEF0] =	vst v7;
	v2 =	vmul.f32 $4.525483320e+01, v2  }
0x141: {  	v7 =	vld [tilespmem:s24+$0xFFFFFE80];
	p0 =	slt.u32 s22, $0x78;
	[tilespmem:s23+$0xFFFFFF70] =	vst v8;
	v3 =	vmul.f32 $4.525483320e+01, v3  }
0x142: {  	v8 =	vld [tilespmem:s24+$0xFFFFFF00];
	[tilespmem:s23+$0xFFFFFFF0] =	vst v2;
	v2 =	vmul.f32 $4.525483320e+01, v5  }
0x143: {  	v5 =	vld [tilespmem:s24+$0xFFFFFF80];
	[tilespmem:s23+$0x70] =	vst v3;
	v3 =	vmul.f32 $4.525483320e+01, v4  }
0x144: {  	v4 =	vld [tilespmem:s24+$0x0];
	v6 =	vmul.f32 $4.525483320e+01, v6;
	[tilespmem:s23+$0xF0] =	vst v2  }
0x145: {  	v2 =	vld [tilespmem:s24+$0x80];
	v9 =	vmul.f32 $4.525483320e+01, v9;
	[tilespmem:s23+$0x170] =	vst v3  }
0x146: {  	v3 =	vmul.f32 $4.525483320e+01, v7;
	v7 =	vld [tilespmem:s24+$0x100];
	[tilespmem:s23+$0xFFFFFE00] =	vst v6;
	s23 =	smov.u32 s24  }
0x147: {  	v6 =	vmul.f32 $4.525483320e+01, v8;
	v8 =	vld [tilespmem:s24+$0x180];
	[tilespmem:s24+$0x1F0] =	vst v9  }
0x148: {  	[tilespmem:s24+$0xFFFFFE80] =	vst v3;
	v3 =	vmul.f32 $4.525483320e+01, v5;
	v5 =	vld [tilespmem:s24+$0xFFFFFE10]  }
0x149: {  	[tilespmem:s24+$0xFFFFFF00] =	vst v6;
	v4 =	vmul.f32 $4.525483320e+01, v4;
	v6 =	vld [tilespmem:s24+$0xFFFFFE90]  }
0x14a: {  	[tilespmem:s24+$0xFFFFFF80] =	vst v3;
	v2 =	vmul.f32 $4.525483320e+01, v2;
	v3 =	vld [tilespmem:s24+$0xFFFFFF10]  }
0x14b: {  	[tilespmem:s24+$0x0] =	vst v4;
	v4 =	vmul.f32 $4.525483320e+01, v7;
	v7 =	vld [tilespmem:s24+$0xFFFFFF90]  }
0x14c: {  	[tilespmem:s24+$0x80] =	vst v2;
	v2 =	vmul.f32 $4.525483320e+01, v8;
	v8 =	vld [tilespmem:s24+$0x10]  }
0x14d: {  	[tilespmem:s24+$0x100] =	vst v4;
	v4 =	vmul.f32 $4.525483320e+01, v5;
	v5 =	vld [tilespmem:s24+$0x90]  }
0x14e: {  	[tilespmem:s24+$0x180] =	vst v2;
	v2 =	vmul.f32 $4.525483320e+01, v6;
	v6 =	vld [tilespmem:s24+$0x110]  }
0x14f: {  	[tilespmem:s24+$0xFFFFFE10] =	vst v4;
	v3 =	vmul.f32 $4.525483320e+01, v3;
	v4 =	vld [tilespmem:s24+$0x190]  }
0x150: {  	[tilespmem:s24+$0xFFFFFE90] =	vst v2;
	v2 =	vmul.f32 $4.525483320e+01, v7;
	v7 =	vld [tilespmem:s24+$0xFFFFFE20]  }
0x151: {  	[tilespmem:s24+$0xFFFFFF10] =	vst v3;
	v3 =	vmul.f32 $4.525483320e+01, v8;
	v8 =	vld [tilespmem:s24+$0xFFFFFEA0]  }
0x152: {  	[tilespmem:s24+$0xFFFFFF90] =	vst v2;
	v2 =	vmul.f32 $4.525483320e+01, v5;
	v5 =	vld [tilespmem:s24+$0xFFFFFF20]  }
0x153: {  	[tilespmem:s24+$0x10] =	vst v3;
	v3 =	vmul.f32 $4.525483320e+01, v6;
	v6 =	vld [tilespmem:s24+$0xFFFFFFA0]  }
0x154: {  	[tilespmem:s24+$0x90] =	vst v2;
	v2 =	vmul.f32 $4.525483320e+01, v4;
	v4 =	vld [tilespmem:s24+$0x20]  }
0x155: {  	[tilespmem:s24+$0x110] =	vst v3;
	v3 =	vmul.f32 $4.525483320e+01, v7;
	v7 =	vld [tilespmem:s24+$0xA0]  }
0x156: {  	[tilespmem:s24+$0x190] =	vst v2;
	v2 =	vmul.f32 $4.525483320e+01, v8;
	v8 =	vld [tilespmem:s24+$0x120]  }
0x157: {  	[tilespmem:s24+$0xFFFFFE20] =	vst v3;
	v3 =	vmul.f32 $4.525483320e+01, v5;
	v5 =	vld [tilespmem:s24+$0x1A0]  }
0x158: {  	[tilespmem:s24+$0xFFFFFEA0] =	vst v2;
	v2 =	vmul.f32 $4.525483320e+01, v6;
	v6 =	vld [tilespmem:s24+$0xFFFFFE30]  }
0x159: {  	[tilespmem:s24+$0xFFFFFF20] =	vst v3;
	v3 =	vmul.f32 $4.525483320e+01, v4;
	v4 =	vld [tilespmem:s24+$0xFFFFFEB0]  }
0x15a: {  	[tilespmem:s24+$0xFFFFFFA0] =	vst v2;
	v2 =	vmul.f32 $4.525483320e+01, v7;
	v7 =	vld [tilespmem:s24+$0xFFFFFF30]  }
0x15b: {  	[tilespmem:s24+$0x20] =	vst v3;
	v3 =	vmul.f32 $4.525483320e+01, v8;
	v8 =	vld [tilespmem:s24+$0xFFFFFFB0]  }
0x15c: {  	[tilespmem:s24+$0xA0] =	vst v2;
	v2 =	vmul.f32 $4.525483320e+01, v5;
	v5 =	vld [tilespmem:s24+$0x30]  }
0x15d: {  	[tilespmem:s24+$0x120] =	vst v3;
	v3 =	vmul.f32 $4.525483320e+01, v6;
	v6 =	vld [tilespmem:s24+$0xB0]  }
0x15e: {  	[tilespmem:s24+$0x1A0] =	vst v2;
	v2 =	vmul.f32 $4.525483320e+01, v4;
	v4 =	vld [tilespmem:s24+$0x130]  }
0x15f: {  	[tilespmem:s24+$0xFFFFFE30] =	vst v3;
	v3 =	vmul.f32 $4.525483320e+01, v7;
	v7 =	vld [tilespmem:s24+$0x1B0]  }
0x160: {  	[tilespmem:s24+$0xFFFFFEB0] =	vst v2;
	v2 =	vmul.f32 $4.525483320e+01, v8;
	v8 =	vld [tilespmem:s24+$0xFFFFFE40]  }
0x161: {  	[tilespmem:s24+$0xFFFFFF30] =	vst v3;
	v3 =	vmul.f32 $4.525483320e+01, v5;
	v5 =	vld [tilespmem:s24+$0xFFFFFEC0]  }
0x162: {  	[tilespmem:s24+$0xFFFFFFB0] =	vst v2;
	v2 =	vmul.f32 $4.525483320e+01, v6;
	v6 =	vld [tilespmem:s24+$0xFFFFFF40]  }
0x163: {  	[tilespmem:s24+$0x30] =	vst v3;
	v3 =	vmul.f32 $4.525483320e+01, v4;
	v4 =	vld [tilespmem:s24+$0xFFFFFFC0]  }
0x164: {  	[tilespmem:s24+$0xB0] =	vst v2;
	v2 =	vmul.f32 $4.525483320e+01, v7;
	v7 =	vld [tilespmem:s24+$0x40]  }
0x165: {  	[tilespmem:s24+$0x130] =	vst v3;
	v3 =	vmul.f32 $4.525483320e+01, v8;
	v8 =	vld [tilespmem:s24+$0xC0]  }
0x166: {  	[tilespmem:s24+$0x1B0] =	vst v2;
	v2 =	vmul.f32 $4.525483320e+01, v5;
	v5 =	vld [tilespmem:s24+$0x140]  }
0x167: {  	[tilespmem:s24+$0xFFFFFE40] =	vst v3;
	v3 =	vmul.f32 $4.525483320e+01, v6;
	v6 =	vld [tilespmem:s24+$0x1C0]  }
0x168: {  	[tilespmem:s24+$0xFFFFFEC0] =	vst v2;
	v2 =	vmul.f32 $4.525483320e+01, v4;
	v4 =	vld [tilespmem:s24+$0xFFFFFE50]  }
0x169: {  	[tilespmem:s24+$0xFFFFFF40] =	vst v3;
	v3 =	vmul.f32 $4.525483320e+01, v7;
	v7 =	vld [tilespmem:s24+$0xFFFFFED0]  }
0x16a: {  	[tilespmem:s24+$0xFFFFFFC0] =	vst v2;
	v2 =	vmul.f32 $4.525483320e+01, v8;
	v8 =	vld [tilespmem:s24+$0xFFFFFF50]  }
0x16b: {  	[tilespmem:s24+$0x40] =	vst v3;
	v3 =	vmul.f32 $4.525483320e+01, v5;
	v5 =	vld [tilespmem:s24+$0xFFFFFFD0]  }
0x16c: {  	[tilespmem:s24+$0xC0] =	vst v2;
	v2 =	vmul.f32 $4.525483320e+01, v6;
	v6 =	vld [tilespmem:s24+$0x50]  }
0x16d: {  	[tilespmem:s24+$0x140] =	vst v3;
	v3 =	vmul.f32 $4.525483320e+01, v4;
	v4 =	vld [tilespmem:s24+$0xD0]  }
0x16e: {  	[tilespmem:s24+$0x1C0] =	vst v2;
	v2 =	vmul.f32 $4.525483320e+01, v7;
	v7 =	vld [tilespmem:s24+$0x150]  }
0x16f: {  	[tilespmem:s24+$0xFFFFFE50] =	vst v3;
	v3 =	vmul.f32 $4.525483320e+01, v8;
	v8 =	vld [tilespmem:s24+$0x1D0]  }
0x170: {  	[tilespmem:s24+$0xFFFFFED0] =	vst v2;
	v2 =	vmul.f32 $4.525483320e+01, v5;
	v5 =	vld [tilespmem:s24+$0xFFFFFE60]  }
0x171: {  	[tilespmem:s24+$0xFFFFFF50] =	vst v3;
	v3 =	vmul.f32 $4.525483320e+01, v6;
	v6 =	vld [tilespmem:s24+$0xFFFFFEE0]  }
0x172: {  	[tilespmem:s24+$0xFFFFFFD0] =	vst v2;
	v2 =	vmul.f32 $4.525483320e+01, v4;
	v4 =	vld [tilespmem:s24+$0xFFFFFF60]  }
0x173: {  	[tilespmem:s24+$0x50] =	vst v3;
	v3 =	vmul.f32 $4.525483320e+01, v7;
	v7 =	vld [tilespmem:s24+$0xFFFFFFE0]  }
0x174: {  	[tilespmem:s24+$0xD0] =	vst v2;
	v2 =	vmul.f32 $4.525483320e+01, v8;
	v8 =	vld [tilespmem:s24+$0x60]  }
0x175: {  	[tilespmem:s24+$0x150] =	vst v3;
	v3 =	vmul.f32 $4.525483320e+01, v5;
	v5 =	vld [tilespmem:s24+$0xE0]  }
0x176: {  	[tilespmem:s24+$0x1D0] =	vst v2;
	v2 =	vmul.f32 $4.525483320e+01, v6;
	v6 =	vld [tilespmem:s24+$0x160]  }
0x177: {  	[tilespmem:s24+$0xFFFFFE60] =	vst v3;
	v3 =	vmul.f32 $4.525483320e+01, v4;
	v4 =	vld [tilespmem:s24+$0x1E0]  }
0x178: {  	[tilespmem:s24+$0xFFFFFEE0] =	vst v2;
	v2 =	vmul.f32 $4.525483320e+01, v7;
	v7 =	vld [tilespmem:s24+$0xFFFFFE70]  }
0x179: {  	[tilespmem:s24+$0xFFFFFF60] =	vst v3;
	v3 =	vmul.f32 $4.525483320e+01, v8;
	v8 =	vld [tilespmem:s24+$0xFFFFFEF0]  }
0x17a: {  	[tilespmem:s24+$0xFFFFFFE0] =	vst v2;
	v5 =	vmul.f32 $4.525483320e+01, v5;
	v9 =	vld [tilespmem:s24+$0xFFFFFF70]  }
.Ltmp1:
0x17b: {  	[tilespmem:s24+$0x60] =	vst v3;
	v6 =	vmul.f32 $4.525483320e+01, v6;
	v2 =	vld [tilespmem:s24+$0xFFFFFFF0];
	(pc) =	sbr.rel @p0 .LBB2_5-.Ltmp1, $4  }
0x17c: {  	[tilespmem:s24+$0xE0] =	vst v5;
	v4 =	vmul.f32 $4.525483320e+01, v4;
	v3 =	vld [tilespmem:s24+$0x70]  }
0x17d: {  	[tilespmem:s24+$0x160] =	vst v6;
	v10 =	vmul.f32 $4.525483320e+01, v7;
	v5 =	vld [tilespmem:s24+$0xF0]  }
0x17e: {  	[tilespmem:s24+$0x1E0] =	vst v4;
	v7 =	vmul.f32 $4.525483320e+01, v8;
	v4 =	vld [tilespmem:s24+$0x170]  }
0x17f: {  	s24 =	sadd.s32 $0x400, s24;
	v6 =	vld [tilespmem:s23+$0xFFFFFE00];
	[tilespmem:s23+$0xFFFFFE70] =	vst v10;
	v8 =	vmul.f32 $4.525483320e+01, v9  }
0x180: {  	[tilespmem:s23+$0xFFFFFEF0] =	vst v7;
	v2 =	vmul.f32 $4.525483320e+01, v2  }
0x181: {  	[tilespmem:s23+$0xFFFFFF70] =	vst v8;
	v3 =	vmul.f32 $4.525483320e+01, v3  }
0x182: {  	s22 =	smul.u32 $0x18, s16;
	[tilespmem:s23+$0xFFFFFFF0] =	vst v2;
	v2 =	vmul.f32 $4.525483320e+01, v5  }
0x183: {  	[tilespmem:s23+$0x70] =	vst v3;
	v3 =	vmul.f32 $4.525483320e+01, v4  }
0x184: {  	s24 =	sadd.s32 s22, s14;
	v4 =	vmul.f32 $4.525483320e+01, v6;
	[tilespmem:s23+$0xF0] =	vst v2  }
0x185: {  	s24 =	sshll.u32 s24, $0x8;
	[tilespmem:s23+$0x170] =	vst v3  }
0x186: {  	s24 =	sadd.s32 s3, s24;
	[tilespmem:s23+$0xFFFFFE00] =	vst v4  }
0x187: {  	[hbm4b:s24+s4] =	stream.linear.scatter [tilespmem:s30], [sflag:$0x5], $0x4000, $0x38;
	[tilespmem:$0xE000] =	vst v63  }
0x188: {  	s25 =	smul.u32 $0x600, s16;
	_ =	swait.ge [sflag:s0], $0x4000  }
0x189: {  	[sflag:s0] =	ssyncset.done $0x0  }
0x18a: {  	s23 =	sshra.s32 s25, $0x2;
	[sflag:s0] =	ssyncadd.s32 $0xFFFFC000  }
0x18b: {  	v2 =	vld.msk [tilespmem:s23+$0x200], $0xff;
	_ =	sdelay $0x4  }
0x18c: {  	v3 =	vshll.u32 v2, $0x4  }
0x18d: {  	v2 =	vand.u32 $0x7, v2;
	v3 =	vand.u32 $0xFFFFFF80, v3  }
0x18e: {  	v2 =	vor.u32 v2, v3  }
0x18f: {  	v2 =	vperm.xlane v2, v0;
	_ =	sdelay $0x1  }
0x190: {  	v2 =	vadd.s32 v1, v2;
	_ =	sdelay $0x4  }
0x191: {  	[tilespmem:s30], [sflag:$0x2] =	stream.indirect_vreg.gather [hbm4b:s2+s4], $0x80, v2, vm0, $0xb8;
	[tilespmem:$0xE000] =	vst v63  }
0x192: {  	s26 =	simm.s32 $0x6800  }
0x193: {  	[tilespmem:s26], [sflag:$0x2] =	stream.indirect_vreg.gather [hbm4b:s6+s4], $0x80, v2, vm0, $0xb8;
	[tilespmem:$0xE000] =	vst v63  }
0x194: {  	s25 =	simm.s32 $0x7000  }
0x195: {  	[tilespmem:s25], [sflag:$0x2] =	stream.indirect_vreg.gather [hbm4b:s7+s4], $0x80, v2, vm0, $0xb8;
	[tilespmem:$0xE000] =	vst v63  }
0x196: {  	s26 =	simm.s32 $0x7800  }
0x197: {  	[tilespmem:s26], [sflag:$0x2] =	stream.indirect_vreg.gather [hbm4b:s8+s4], $0x80, v2, vm0, $0xb8;
	[tilespmem:$0xE000] =	vst v63  }
0x198: {  	s25 =	simm.s32 $0x8000  }
0x199: {  	[tilespmem:s25], [sflag:$0x2] =	stream.indirect_vreg.gather [hbm4b:s9+s4], $0x80, v2, vm0, $0xb8;
	[tilespmem:$0xE000] =	vst v63  }
0x19a: {  	s26 =	simm.s32 $0x8800  }
0x19b: {  	[tilespmem:s26], [sflag:$0x2] =	stream.indirect_vreg.gather [hbm4b:s10+s4], $0x80, v2, vm0, $0xb8;
	[tilespmem:$0xE000] =	vst v63  }
0x19c: {  	s25 =	simm.s32 $0x9000  }
0x19d: {  	[tilespmem:s25], [sflag:$0x2] =	stream.indirect_vreg.gather [hbm4b:s11+s4], $0x80, v2, vm0, $0xb8;
	[tilespmem:$0xE000] =	vst v63  }
0x19e: {  	s26 =	simm.s32 $0x9800  }
0x19f: {  	[tilespmem:s26], [sflag:$0x2] =	stream.indirect_vreg.gather [hbm4b:s12+s4], $0x80, v2, vm0, $0xb8;
	[tilespmem:$0xE000] =	vst v63  }
0x1a0: {  	_ =	swait.ge [sflag:s1], $0x4000  }
0x1a1: {  	[sflag:s1] =	ssyncset.done $0x0  }
0x1a2: {  	s24 =	simm.s32 $0xA200;
	[sflag:s1] =	ssyncadd.s32 $0xFFFFC000  }
0x1a3: {  	v2 =	vld [tilespmem:s24+$0x1F0]  }
0x1a4: {  	v3 =	vld [tilespmem:s24+$0xFFFFFE80]  }
0x1a5: {  	v4 =	vld [tilespmem:s24+$0xFFFFFF00]  }
0x1a6: {  	v13 =	vld [tilespmem:s24+$0xFFFFFF90]  }
0x1a7: {  	v10 =	vld [tilespmem:s24+$0xFFFFFE10]  }
0x1a8: {  	v6 =	vld [tilespmem:s24+$0x0];
	v2 =	vmul.f32 $4.525483320e+01, v2  }
0x1a9: {  	v5 =	vld [tilespmem:s24+$0xFFFFFF80];
	v3 =	vmul.f32 $4.525483320e+01, v3  }
0x1aa: {  	v8 =	vld [tilespmem:s24+$0x100];
	v4 =	vmul.f32 $4.525483320e+01, v4;
	[tilespmem:s24+$0x1F0] =	vst v2  }
0x1ab: {  	v7 =	vld [tilespmem:s24+$0x80];
	v62 =	vmul.f32 $4.525483320e+01, v13;
	[tilespmem:s24+$0xFFFFFE80] =	vst v3  }
0x1ac: {  	v11 =	vld [tilespmem:s24+$0xFFFFFE90];
	v2 =	vmul.f32 $4.525483320e+01, v10;
	[tilespmem:s24+$0xFFFFFF00] =	vst v4  }
0x1ad: {  	v3 =	vld [tilespmem:s24+$0x110];
	v4 =	vmul.f32 $4.525483320e+01, v6;
	[tilespmem:s24+$0xFFFFFF90] =	vst v62  }
0x1ae: {  	v9 =	vld [tilespmem:s24+$0x180];
	[tilespmem:s24+$0xFFFFFE10] =	vst v2;
	v2 =	vmul.f32 $4.525483320e+01, v5  }
0x1af: {  	v6 =	vld [tilespmem:s24+$0xFFFFFE20];
	[tilespmem:s24+$0x0] =	vst v4;
	v4 =	vmul.f32 $4.525483320e+01, v8  }
0x1b0: {  	v5 =	vld [tilespmem:s24+$0x190];
	[tilespmem:s24+$0xFFFFFF80] =	vst v2;
	v2 =	vmul.f32 $4.525483320e+01, v7  }
0x1b1: {  	v14 =	vld [tilespmem:s24+$0x10];
	[tilespmem:s24+$0x100] =	vst v4;
	v4 =	vmul.f32 $4.525483320e+01, v11  }
0x1b2: {  	v12 =	vld [tilespmem:s24+$0xFFFFFF10];
	v3 =	vmul.f32 $4.525483320e+01, v3;
	[tilespmem:s24+$0x80] =	vst v2  }
0x1b3: {  	v8 =	vld [tilespmem:s24+$0xFFFFFF20];
	v2 =	vmul.f32 $4.525483320e+01, v9;
	[tilespmem:s24+$0xFFFFFE90] =	vst v4  }
0x1b4: {  	v10 =	vld [tilespmem:s24+$0x90];
	v4 =	vmul.f32 $4.525483320e+01, v6;
	[tilespmem:s24+$0x110] =	vst v3  }
0x1b5: {  	v7 =	vld [tilespmem:s24+$0xFFFFFEA0];
	v5 =	vmul.f32 $4.525483320e+01, v5;
	[tilespmem:s24+$0x180] =	vst v2  }
0x1b6: {  	v11 =	vld [tilespmem:s24+$0x20];
	[tilespmem:s24+$0xFFFFFE20] =	vst v4;
	v4 =	vmul.f32 $4.525483320e+01, v14  }
0x1b7: {  	v9 =	vld [tilespmem:s24+$0xFFFFFFA0];
	v2 =	vmul.f32 $4.525483320e+01, v12;
	[tilespmem:s24+$0x190] =	vst v5  }
0x1b8: {  	v5 =	vmul.f32 $4.525483320e+01, v8;
	[tilespmem:s24+$0x10] =	vst v4;
	v4 =	vld [tilespmem:s24+$0xFFFFFE30]  }
0x1b9: {  	v10 =	vmul.f32 $4.525483320e+01, v10;
	[tilespmem:s24+$0xFFFFFF10] =	vst v2;
	v2 =	vld [tilespmem:s24+$0x120]  }
0x1ba: {  	v3 =	vmul.f32 $4.525483320e+01, v7;
	[tilespmem:s24+$0xFFFFFF20] =	vst v5;
	v5 =	vld [tilespmem:s24+$0xB0]  }
0x1bb: {  	v6 =	vld [tilespmem:s24+$0xA0];
	[tilespmem:s24+$0x90] =	vst v10;
	v11 =	vmul.f32 $4.525483320e+01, v11  }
0x1bc: {  	v10 =	vld [tilespmem:s24+$0xFFFFFEB0];
	[tilespmem:s24+$0xFFFFFEA0] =	vst v3;
	v3 =	vmul.f32 $4.525483320e+01, v9  }
0x1bd: {  	v63 =	vld [tilespmem:s24+$0x1A0];
	[tilespmem:s24+$0x20] =	vst v11;
	v4 =	vmul.f32 $4.525483320e+01, v4  }
0x1be: {  	v8 =	vld [tilespmem:s24+$0xFFFFFFB0];
	[tilespmem:s24+$0xFFFFFFA0] =	vst v3;
	v2 =	vmul.f32 $4.525483320e+01, v2  }
0x1bf: {  	v7 =	vld [tilespmem:s24+$0xFFFFFF30];
	v5 =	vmul.f32 $4.525483320e+01, v5;
	[tilespmem:s24+$0xFFFFFE30] =	vst v4  }
0x1c0: {  	v11 =	vld [tilespmem:s24+$0xFFFFFE40];
	v4 =	vmul.f32 $4.525483320e+01, v6;
	[tilespmem:s24+$0x120] =	vst v2  }
0x1c1: {  	v9 =	vld [tilespmem:s24+$0x30];
	v2 =	vmul.f32 $4.525483320e+01, v10;
	[tilespmem:s24+$0xB0] =	vst v5  }
0x1c2: {  	v3 =	vld [tilespmem:s24+$0x130];
	[tilespmem:s24+$0xA0] =	vst v4;
	v4 =	vmul.f32 $4.525483320e+01, v63  }
0x1c3: {  	v6 =	vld [tilespmem:s24+$0x1B0];
	[tilespmem:s24+$0xFFFFFEB0] =	vst v2;
	v2 =	vmul.f32 $4.525483320e+01, v8  }
0x1c4: {  	v10 =	vld [tilespmem:s24+$0xFFFFFEC0];
	[tilespmem:s24+$0x1A0] =	vst v4;
	v4 =	vmul.f32 $4.525483320e+01, v7  }
0x1c5: {  	v7 =	vld [tilespmem:s24+$0xFFFFFF40];
	[tilespmem:s24+$0xFFFFFFB0] =	vst v2;
	v2 =	vmul.f32 $4.525483320e+01, v11  }
0x1c6: {  	v8 =	vld [tilespmem:s24+$0xFFFFFFC0];
	[tilespmem:s24+$0xFFFFFF30] =	vst v4;
	v4 =	vmul.f32 $4.525483320e+01, v9  }
0x1c7: {  	v9 =	vld [tilespmem:s24+$0x40];
	[tilespmem:s24+$0xFFFFFE40] =	vst v2;
	v2 =	vmul.f32 $4.525483320e+01, v3  }
0x1c8: {  	v11 =	vld [tilespmem:s24+$0xC0];
	v3 =	vmul.f32 $4.525483320e+01, v6;
	[tilespmem:s24+$0x30] =	vst v4  }
0x1c9: {  	v6 =	vld [tilespmem:s24+$0xFFFFFE50];
	[tilespmem:s24+$0x130] =	vst v2;
	v2 =	vmul.f32 $4.525483320e+01, v10  }
0x1ca: {  	v4 =	vld [tilespmem:s24+$0x140];
	[tilespmem:s24+$0x1B0] =	vst v3;
	v3 =	vmul.f32 $4.525483320e+01, v7  }
0x1cb: {  	v5 =	vld [tilespmem:s24+$0x1C0];
	[tilespmem:s24+$0xFFFFFEC0] =	vst v2;
	v2 =	vmul.f32 $4.525483320e+01, v8  }
0x1cc: {  	v7 =	vld [tilespmem:s24+$0xFFFFFED0];
	[tilespmem:s24+$0xFFFFFF40] =	vst v3;
	v3 =	vmul.f32 $4.525483320e+01, v9  }
0x1cd: {  	v8 =	vld [tilespmem:s24+$0xFFFFFF50];
	[tilespmem:s24+$0xFFFFFFC0] =	vst v2;
	v2 =	vmul.f32 $4.525483320e+01, v11  }
0x1ce: {  	v9 =	vld [tilespmem:s24+$0xFFFFFFD0];
	[tilespmem:s24+$0x40] =	vst v3;
	v3 =	vmul.f32 $4.525483320e+01, v6  }
0x1cf: {  	v10 =	vld [tilespmem:s24+$0x50];
	v4 =	vmul.f32 $4.525483320e+01, v4;
	[tilespmem:s24+$0xC0] =	vst v2  }
0x1d0: {  	v6 =	vld [tilespmem:s24+$0xD0];
	[tilespmem:s24+$0xFFFFFE50] =	vst v3;
	v3 =	vmul.f32 $4.525483320e+01, v5  }
0x1d1: {  	v2 =	vld [tilespmem:s24+$0x150];
	[tilespmem:s24+$0x140] =	vst v4;
	v4 =	vmul.f32 $4.525483320e+01, v7  }
0x1d2: {  	v5 =	vld [tilespmem:s24+$0x1D0];
	[tilespmem:s24+$0x1C0] =	vst v3;
	v3 =	vmul.f32 $4.525483320e+01, v8  }
0x1d3: {  	v7 =	vld [tilespmem:s24+$0xFFFFFE60];
	[tilespmem:s24+$0xFFFFFED0] =	vst v4;
	v4 =	vmul.f32 $4.525483320e+01, v9  }
0x1d4: {  	v8 =	vld [tilespmem:s24+$0xFFFFFEE0];
	[tilespmem:s24+$0xFFFFFF50] =	vst v3;
	v3 =	vmul.f32 $4.525483320e+01, v10  }
0x1d5: {  	v9 =	vld [tilespmem:s24+$0xFFFFFF60];
	[tilespmem:s24+$0xFFFFFFD0] =	vst v4;
	v4 =	vmul.f32 $4.525483320e+01, v6  }
0x1d6: {  	v6 =	vld [tilespmem:s24+$0xFFFFFFE0];
	v2 =	vmul.f32 $4.525483320e+01, v2;
	[tilespmem:s24+$0x50] =	vst v3  }
0x1d7: {  	v5 =	vmul.f32 $4.525483320e+01, v5;
	v3 =	vld [tilespmem:s24+$0x60];
	[tilespmem:s24+$0xD0] =	vst v4  }
0x1d8: {  	v4 =	vmul.f32 $4.525483320e+01, v7;
	v7 =	vld [tilespmem:s24+$0xE0];
	[tilespmem:s24+$0x150] =	vst v2  }
0x1d9: {  	v2 =	vld [tilespmem:s24+$0x160];
	v8 =	vmul.f32 $4.525483320e+01, v8;
	[tilespmem:s24+$0x1D0] =	vst v5  }
0x1da: {  	v5 =	vld [tilespmem:s24+$0x1E0];
	[tilespmem:s24+$0xFFFFFE60] =	vst v4;
	v4 =	vmul.f32 $4.525483320e+01, v9  }
0x1db: {  	[tilespmem:s24+$0xFFFFFEE0] =	vst v8;
	v6 =	vmul.f32 $4.525483320e+01, v6;
	v8 =	vld [tilespmem:s24+$0xFFFFFE70]  }
0x1dc: {  	v9 =	vld [tilespmem:s24+$0xFFFFFEF0];
	[tilespmem:s24+$0xFFFFFF60] =	vst v4;
	v3 =	vmul.f32 $4.525483320e+01, v3  }
0x1dd: {  	v10 =	vld [tilespmem:s24+$0xFFFFFF70];
	[tilespmem:s24+$0xFFFFFFE0] =	vst v6;
	v4 =	vmul.f32 $4.525483320e+01, v7  }
0x1de: {  	v6 =	vmul.f32 $4.525483320e+01, v2;
	v2 =	vld [tilespmem:s24+$0xFFFFFFF0];
	[tilespmem:s24+$0x60] =	vst v3  }
0x1df: {  	v5 =	vmul.f32 $4.525483320e+01, v5;
	[tilespmem:s24+$0xE0] =	vst v4;
	v3 =	vld [tilespmem:s24+$0x70]  }
0x1e0: {  	[tilespmem:s24+$0x160] =	vst v6;
	v4 =	vld [tilespmem:s24+$0xF0];
	v8 =	vmul.f32 $4.525483320e+01, v8  }
0x1e1: {  	v7 =	vmul.f32 $4.525483320e+01, v9;
	[tilespmem:s24+$0x1E0] =	vst v5;
	v5 =	vld [tilespmem:s24+$0x170]  }
0x1e2: {  	s25 =	simm.s32 $0x0;
	s26 =	simm.s32 $0xA600;
	v6 =	vld [tilespmem:s24+$0xFFFFFE00];
	[tilespmem:s24+$0xFFFFFE70] =	vst v8;
	v8 =	vmul.f32 $4.525483320e+01, v10  }
.LBB2_7:
0x1e3: {  	v9 =	vld [tilespmem:s26+$0x1F0];
	s25 =	sadd.s32 $0x8, s25;
	[tilespmem:s24+$0xFFFFFEF0] =	vst v7;
	v2 =	vmul.f32 $4.525483320e+01, v2  }
0x1e4: {  	v7 =	vld [tilespmem:s26+$0xFFFFFE80];
	p0 =	slt.u32 s25, $0x78;
	[tilespmem:s24+$0xFFFFFF70] =	vst v8;
	v3 =	vmul.f32 $4.525483320e+01, v3  }
0x1e5: {  	v8 =	vld [tilespmem:s26+$0xFFFFFF00];
	[tilespmem:s24+$0xFFFFFFF0] =	vst v2;
	v2 =	vmul.f32 $4.525483320e+01, v4  }
0x1e6: {  	v4 =	vld [tilespmem:s26+$0xFFFFFF80];
	[tilespmem:s24+$0x70] =	vst v3;
	v3 =	vmul.f32 $4.525483320e+01, v5  }
0x1e7: {  	v5 =	vld [tilespmem:s26+$0x0];
	v6 =	vmul.f32 $4.525483320e+01, v6;
	[tilespmem:s24+$0xF0] =	vst v2  }
0x1e8: {  	v2 =	vld [tilespmem:s26+$0x80];
	v9 =	vmul.f32 $4.525483320e+01, v9;
	[tilespmem:s24+$0x170] =	vst v3  }
0x1e9: {  	v3 =	vmul.f32 $4.525483320e+01, v7;
	v7 =	vld [tilespmem:s26+$0x100];
	[tilespmem:s24+$0xFFFFFE00] =	vst v6;
	s24 =	smov.u32 s26  }
0x1ea: {  	v6 =	vmul.f32 $4.525483320e+01, v8;
	v8 =	vld [tilespmem:s26+$0x180];
	[tilespmem:s26+$0x1F0] =	vst v9  }
0x1eb: {  	[tilespmem:s26+$0xFFFFFE80] =	vst v3;
	v3 =	vmul.f32 $4.525483320e+01, v4;
	v4 =	vld [tilespmem:s26+$0xFFFFFE10]  }
0x1ec: {  	[tilespmem:s26+$0xFFFFFF00] =	vst v6;
	v5 =	vmul.f32 $4.525483320e+01, v5;
	v6 =	vld [tilespmem:s26+$0xFFFFFE90]  }
0x1ed: {  	[tilespmem:s26+$0xFFFFFF80] =	vst v3;
	v2 =	vmul.f32 $4.525483320e+01, v2;
	v3 =	vld [tilespmem:s26+$0xFFFFFF10]  }
0x1ee: {  	[tilespmem:s26+$0x0] =	vst v5;
	v5 =	vmul.f32 $4.525483320e+01, v7;
	v7 =	vld [tilespmem:s26+$0xFFFFFF90]  }
0x1ef: {  	[tilespmem:s26+$0x80] =	vst v2;
	v2 =	vmul.f32 $4.525483320e+01, v8;
	v8 =	vld [tilespmem:s26+$0x10]  }
0x1f0: {  	[tilespmem:s26+$0x100] =	vst v5;
	v4 =	vmul.f32 $4.525483320e+01, v4;
	v5 =	vld [tilespmem:s26+$0x90]  }
0x1f1: {  	[tilespmem:s26+$0x180] =	vst v2;
	v2 =	vmul.f32 $4.525483320e+01, v6;
	v6 =	vld [tilespmem:s26+$0x110]  }
0x1f2: {  	[tilespmem:s26+$0xFFFFFE10] =	vst v4;
	v3 =	vmul.f32 $4.525483320e+01, v3;
	v4 =	vld [tilespmem:s26+$0x190]  }
0x1f3: {  	[tilespmem:s26+$0xFFFFFE90] =	vst v2;
	v2 =	vmul.f32 $4.525483320e+01, v7;
	v7 =	vld [tilespmem:s26+$0xFFFFFE20]  }
0x1f4: {  	[tilespmem:s26+$0xFFFFFF10] =	vst v3;
	v3 =	vmul.f32 $4.525483320e+01, v8;
	v8 =	vld [tilespmem:s26+$0xFFFFFEA0]  }
0x1f5: {  	[tilespmem:s26+$0xFFFFFF90] =	vst v2;
	v2 =	vmul.f32 $4.525483320e+01, v5;
	v5 =	vld [tilespmem:s26+$0xFFFFFF20]  }
0x1f6: {  	[tilespmem:s26+$0x10] =	vst v3;
	v3 =	vmul.f32 $4.525483320e+01, v6;
	v6 =	vld [tilespmem:s26+$0xFFFFFFA0]  }
0x1f7: {  	[tilespmem:s26+$0x90] =	vst v2;
	v2 =	vmul.f32 $4.525483320e+01, v4;
	v4 =	vld [tilespmem:s26+$0x20]  }
0x1f8: {  	[tilespmem:s26+$0x110] =	vst v3;
	v3 =	vmul.f32 $4.525483320e+01, v7;
	v7 =	vld [tilespmem:s26+$0xA0]  }
0x1f9: {  	[tilespmem:s26+$0x190] =	vst v2;
	v2 =	vmul.f32 $4.525483320e+01, v8;
	v8 =	vld [tilespmem:s26+$0x120]  }
0x1fa: {  	[tilespmem:s26+$0xFFFFFE20] =	vst v3;
	v3 =	vmul.f32 $4.525483320e+01, v5;
	v5 =	vld [tilespmem:s26+$0x1A0]  }
0x1fb: {  	[tilespmem:s26+$0xFFFFFEA0] =	vst v2;
	v2 =	vmul.f32 $4.525483320e+01, v6;
	v6 =	vld [tilespmem:s26+$0xFFFFFE30]  }
0x1fc: {  	[tilespmem:s26+$0xFFFFFF20] =	vst v3;
	v3 =	vmul.f32 $4.525483320e+01, v4;
	v4 =	vld [tilespmem:s26+$0xFFFFFEB0]  }
0x1fd: {  	[tilespmem:s26+$0xFFFFFFA0] =	vst v2;
	v2 =	vmul.f32 $4.525483320e+01, v7;
	v7 =	vld [tilespmem:s26+$0xFFFFFF30]  }
0x1fe: {  	[tilespmem:s26+$0x20] =	vst v3;
	v3 =	vmul.f32 $4.525483320e+01, v8;
	v8 =	vld [tilespmem:s26+$0xFFFFFFB0]  }
0x1ff: {  	[tilespmem:s26+$0xA0] =	vst v2;
	v2 =	vmul.f32 $4.525483320e+01, v5;
	v5 =	vld [tilespmem:s26+$0x30]  }
0x200: {  	[tilespmem:s26+$0x120] =	vst v3;
	v3 =	vmul.f32 $4.525483320e+01, v6;
	v6 =	vld [tilespmem:s26+$0xB0]  }
0x201: {  	[tilespmem:s26+$0x1A0] =	vst v2;
	v2 =	vmul.f32 $4.525483320e+01, v4;
	v4 =	vld [tilespmem:s26+$0x130]  }
0x202: {  	[tilespmem:s26+$0xFFFFFE30] =	vst v3;
	v3 =	vmul.f32 $4.525483320e+01, v7;
	v7 =	vld [tilespmem:s26+$0x1B0]  }
0x203: {  	[tilespmem:s26+$0xFFFFFEB0] =	vst v2;
	v2 =	vmul.f32 $4.525483320e+01, v8;
	v8 =	vld [tilespmem:s26+$0xFFFFFE40]  }
0x204: {  	[tilespmem:s26+$0xFFFFFF30] =	vst v3;
	v3 =	vmul.f32 $4.525483320e+01, v5;
	v5 =	vld [tilespmem:s26+$0xFFFFFEC0]  }
0x205: {  	[tilespmem:s26+$0xFFFFFFB0] =	vst v2;
	v2 =	vmul.f32 $4.525483320e+01, v6;
	v6 =	vld [tilespmem:s26+$0xFFFFFF40]  }
0x206: {  	[tilespmem:s26+$0x30] =	vst v3;
	v3 =	vmul.f32 $4.525483320e+01, v4;
	v4 =	vld [tilespmem:s26+$0xFFFFFFC0]  }
0x207: {  	[tilespmem:s26+$0xB0] =	vst v2;
	v2 =	vmul.f32 $4.525483320e+01, v7;
	v7 =	vld [tilespmem:s26+$0x40]  }
0x208: {  	[tilespmem:s26+$0x130] =	vst v3;
	v3 =	vmul.f32 $4.525483320e+01, v8;
	v8 =	vld [tilespmem:s26+$0xC0]  }
0x209: {  	[tilespmem:s26+$0x1B0] =	vst v2;
	v2 =	vmul.f32 $4.525483320e+01, v5;
	v5 =	vld [tilespmem:s26+$0x140]  }
0x20a: {  	[tilespmem:s26+$0xFFFFFE40] =	vst v3;
	v3 =	vmul.f32 $4.525483320e+01, v6;
	v6 =	vld [tilespmem:s26+$0x1C0]  }
0x20b: {  	[tilespmem:s26+$0xFFFFFEC0] =	vst v2;
	v2 =	vmul.f32 $4.525483320e+01, v4;
	v4 =	vld [tilespmem:s26+$0xFFFFFE50]  }
0x20c: {  	[tilespmem:s26+$0xFFFFFF40] =	vst v3;
	v3 =	vmul.f32 $4.525483320e+01, v7;
	v7 =	vld [tilespmem:s26+$0xFFFFFED0]  }
0x20d: {  	[tilespmem:s26+$0xFFFFFFC0] =	vst v2;
	v2 =	vmul.f32 $4.525483320e+01, v8;
	v8 =	vld [tilespmem:s26+$0xFFFFFF50]  }
0x20e: {  	[tilespmem:s26+$0x40] =	vst v3;
	v3 =	vmul.f32 $4.525483320e+01, v5;
	v5 =	vld [tilespmem:s26+$0xFFFFFFD0]  }
0x20f: {  	[tilespmem:s26+$0xC0] =	vst v2;
	v2 =	vmul.f32 $4.525483320e+01, v6;
	v6 =	vld [tilespmem:s26+$0x50]  }
0x210: {  	[tilespmem:s26+$0x140] =	vst v3;
	v3 =	vmul.f32 $4.525483320e+01, v4;
	v4 =	vld [tilespmem:s26+$0xD0]  }
0x211: {  	[tilespmem:s26+$0x1C0] =	vst v2;
	v2 =	vmul.f32 $4.525483320e+01, v7;
	v7 =	vld [tilespmem:s26+$0x150]  }
0x212: {  	[tilespmem:s26+$0xFFFFFE50] =	vst v3;
	v3 =	vmul.f32 $4.525483320e+01, v8;
	v8 =	vld [tilespmem:s26+$0x1D0]  }
0x213: {  	[tilespmem:s26+$0xFFFFFED0] =	vst v2;
	v2 =	vmul.f32 $4.525483320e+01, v5;
	v5 =	vld [tilespmem:s26+$0xFFFFFE60]  }
0x214: {  	[tilespmem:s26+$0xFFFFFF50] =	vst v3;
	v3 =	vmul.f32 $4.525483320e+01, v6;
	v6 =	vld [tilespmem:s26+$0xFFFFFEE0]  }
0x215: {  	[tilespmem:s26+$0xFFFFFFD0] =	vst v2;
	v2 =	vmul.f32 $4.525483320e+01, v4;
	v4 =	vld [tilespmem:s26+$0xFFFFFF60]  }
0x216: {  	[tilespmem:s26+$0x50] =	vst v3;
	v3 =	vmul.f32 $4.525483320e+01, v7;
	v7 =	vld [tilespmem:s26+$0xFFFFFFE0]  }
0x217: {  	[tilespmem:s26+$0xD0] =	vst v2;
	v2 =	vmul.f32 $4.525483320e+01, v8;
	v8 =	vld [tilespmem:s26+$0x60]  }
0x218: {  	[tilespmem:s26+$0x150] =	vst v3;
	v3 =	vmul.f32 $4.525483320e+01, v5;
	v5 =	vld [tilespmem:s26+$0xE0]  }
0x219: {  	[tilespmem:s26+$0x1D0] =	vst v2;
	v2 =	vmul.f32 $4.525483320e+01, v6;
	v6 =	vld [tilespmem:s26+$0x160]  }
0x21a: {  	[tilespmem:s26+$0xFFFFFE60] =	vst v3;
	v3 =	vmul.f32 $4.525483320e+01, v4;
	v4 =	vld [tilespmem:s26+$0x1E0]  }
0x21b: {  	[tilespmem:s26+$0xFFFFFEE0] =	vst v2;
	v2 =	vmul.f32 $4.525483320e+01, v7;
	v7 =	vld [tilespmem:s26+$0xFFFFFE70]  }
0x21c: {  	[tilespmem:s26+$0xFFFFFF60] =	vst v3;
	v3 =	vmul.f32 $4.525483320e+01, v8;
	v8 =	vld [tilespmem:s26+$0xFFFFFEF0]  }
0x21d: {  	[tilespmem:s26+$0xFFFFFFE0] =	vst v2;
	v5 =	vmul.f32 $4.525483320e+01, v5;
	v9 =	vld [tilespmem:s26+$0xFFFFFF70]  }
.Ltmp2:
0x21e: {  	[tilespmem:s26+$0x60] =	vst v3;
	v6 =	vmul.f32 $4.525483320e+01, v6;
	v2 =	vld [tilespmem:s26+$0xFFFFFFF0];
	(pc) =	sbr.rel @p0 .LBB2_7-.Ltmp2, $4  }
0x21f: {  	[tilespmem:s26+$0xE0] =	vst v5;
	v5 =	vmul.f32 $4.525483320e+01, v4;
	v3 =	vld [tilespmem:s26+$0x70]  }
0x220: {  	[tilespmem:s26+$0x160] =	vst v6;
	v10 =	vmul.f32 $4.525483320e+01, v7;
	v4 =	vld [tilespmem:s26+$0xF0]  }
0x221: {  	[tilespmem:s26+$0x1E0] =	vst v5;
	v7 =	vmul.f32 $4.525483320e+01, v8;
	v5 =	vld [tilespmem:s26+$0x170]  }
0x222: {  	s26 =	sadd.s32 $0x400, s26;
	v6 =	vld [tilespmem:s24+$0xFFFFFE00];
	[tilespmem:s24+$0xFFFFFE70] =	vst v10;
	v8 =	vmul.f32 $4.525483320e+01, v9  }
0x223: {  	[tilespmem:s24+$0xFFFFFEF0] =	vst v7;
	v2 =	vmul.f32 $4.525483320e+01, v2  }
0x224: {  	[tilespmem:s24+$0xFFFFFF70] =	vst v8;
	v3 =	vmul.f32 $4.525483320e+01, v3  }
0x225: {  	[tilespmem:s24+$0xFFFFFFF0] =	vst v2;
	v2 =	vmul.f32 $4.525483320e+01, v4  }
0x226: {  	[tilespmem:s24+$0x70] =	vst v3;
	v3 =	vmul.f32 $4.525483320e+01, v5  }
0x227: {  	s22 =	sadd.s32 s22, s15;
	v4 =	vmul.f32 $4.525483320e+01, v6;
	[tilespmem:s24+$0xF0] =	vst v2  }
0x228: {  	s22 =	sshll.u32 s22, $0x8;
	[tilespmem:s24+$0x170] =	vst v3  }
0x229: {  	s22 =	sadd.s32 s3, s22;
	[tilespmem:s24+$0xFFFFFE00] =	vst v4  }
0x22a: {  	[hbm4b:s22+s4] =	stream.linear.scatter [tilespmem:s19], [sflag:$0x6], $0x4000, $0x38;
	[tilespmem:$0xE000] =	vst v63  }
0x22b: {  	_ =	swait.ge [sflag:s5], $0x4000  }
0x22c: {  	[sflag:s5] =	ssyncset.done $0x0  }
0x22d: {  	[sflag:s5] =	ssyncadd.s32 $0xFFFFC000  }
0x22e: {  	v2 =	vld.msk [tilespmem:s23+$0x280], $0xff;
	_ =	sdelay $0x4  }
0x22f: {  	v3 =	vshll.u32 v2, $0x4  }
0x230: {  	v2 =	vand.u32 $0x7, v2;
	v3 =	vand.u32 $0xFFFFFF80, v3  }
0x231: {  	v2 =	vor.u32 v2, v3  }
0x232: {  	v2 =	vperm.xlane v2, v0;
	_ =	sdelay $0x1  }
0x233: {  	v2 =	vadd.s32 v1, v2;
	_ =	sdelay $0x4  }
0x234: {  	[tilespmem:s19], [sflag:$0x3] =	stream.indirect_vreg.gather [hbm4b:s2+s4], $0x80, v2, vm0, $0xb8;
	[tilespmem:$0xE000] =	vst v63  }
0x235: {  	s24 =	simm.s32 $0xA800  }
0x236: {  	[tilespmem:s24], [sflag:$0x3] =	stream.indirect_vreg.gather [hbm4b:s6+s4], $0x80, v2, vm0, $0xb8;
	[tilespmem:$0xE000] =	vst v63  }
0x237: {  	s25 =	simm.s32 $0xB000  }
0x238: {  	[tilespmem:s25], [sflag:$0x3] =	stream.indirect_vreg.gather [hbm4b:s7+s4], $0x80, v2, vm0, $0xb8;
	[tilespmem:$0xE000] =	vst v63  }
0x239: {  	s26 =	simm.s32 $0xB800  }
0x23a: {  	[tilespmem:s26], [sflag:$0x3] =	stream.indirect_vreg.gather [hbm4b:s8+s4], $0x80, v2, vm0, $0xb8;
	[tilespmem:$0xE000] =	vst v63  }
0x23b: {  	s23 =	simm.s32 $0xC000  }
0x23c: {  	[tilespmem:s23], [sflag:$0x3] =	stream.indirect_vreg.gather [hbm4b:s9+s4], $0x80, v2, vm0, $0xb8;
	[tilespmem:$0xE000] =	vst v63  }
0x23d: {  	s24 =	simm.s32 $0xC800  }
0x23e: {  	[tilespmem:s24], [sflag:$0x3] =	stream.indirect_vreg.gather [hbm4b:s10+s4], $0x80, v2, vm0, $0xb8;
	[tilespmem:$0xE000] =	vst v63  }
0x23f: {  	s25 =	simm.s32 $0xD000  }
0x240: {  	[tilespmem:s25], [sflag:$0x3] =	stream.indirect_vreg.gather [hbm4b:s11+s4], $0x80, v2, vm0, $0xb8;
	[tilespmem:$0xE000] =	vst v63  }
0x241: {  	s26 =	simm.s32 $0xD800  }
0x242: {  	[tilespmem:s26], [sflag:$0x3] =	stream.indirect_vreg.gather [hbm4b:s12+s4], $0x80, v2, vm0, $0xb8;
	[tilespmem:$0xE000] =	vst v63  }
0x243: {  	_ =	swait.ge [sflag:s18], $0x4000  }
0x244: {  	[sflag:s18] =	ssyncset.done $0x0  }
0x245: {  	s22 =	simm.s32 $0x2200;
	[sflag:s18] =	ssyncadd.s32 $0xFFFFC000  }
0x246: {  	v2 =	vld [tilespmem:s22+$0x1F0]  }
0x247: {  	v3 =	vld [tilespmem:s22+$0xFFFFFE80]  }
0x248: {  	v4 =	vld [tilespmem:s22+$0xFFFFFF00]  }
0x249: {  	v13 =	vld [tilespmem:s22+$0xFFFFFF90]  }
0x24a: {  	v10 =	vld [tilespmem:s22+$0xFFFFFE10]  }
0x24b: {  	v6 =	vld [tilespmem:s22+$0x0];
	v2 =	vmul.f32 $4.525483320e+01, v2  }
0x24c: {  	v5 =	vld [tilespmem:s22+$0xFFFFFF80];
	v3 =	vmul.f32 $4.525483320e+01, v3  }
0x24d: {  	v8 =	vld [tilespmem:s22+$0x100];
	v4 =	vmul.f32 $4.525483320e+01, v4;
	[tilespmem:s22+$0x1F0] =	vst v2  }
0x24e: {  	v7 =	vld [tilespmem:s22+$0x80];
	v62 =	vmul.f32 $4.525483320e+01, v13;
	[tilespmem:s22+$0xFFFFFE80] =	vst v3  }
0x24f: {  	v11 =	vld [tilespmem:s22+$0xFFFFFE90];
	v2 =	vmul.f32 $4.525483320e+01, v10;
	[tilespmem:s22+$0xFFFFFF00] =	vst v4  }
0x250: {  	v3 =	vld [tilespmem:s22+$0x110];
	v4 =	vmul.f32 $4.525483320e+01, v6;
	[tilespmem:s22+$0xFFFFFF90] =	vst v62  }
0x251: {  	v9 =	vld [tilespmem:s22+$0x180];
	[tilespmem:s22+$0xFFFFFE10] =	vst v2;
	v2 =	vmul.f32 $4.525483320e+01, v5  }
0x252: {  	v6 =	vld [tilespmem:s22+$0xFFFFFE20];
	[tilespmem:s22+$0x0] =	vst v4;
	v4 =	vmul.f32 $4.525483320e+01, v8  }
0x253: {  	v5 =	vld [tilespmem:s22+$0x190];
	[tilespmem:s22+$0xFFFFFF80] =	vst v2;
	v2 =	vmul.f32 $4.525483320e+01, v7  }
0x254: {  	v14 =	vld [tilespmem:s22+$0x10];
	[tilespmem:s22+$0x100] =	vst v4;
	v4 =	vmul.f32 $4.525483320e+01, v11  }
0x255: {  	v12 =	vld [tilespmem:s22+$0xFFFFFF10];
	v3 =	vmul.f32 $4.525483320e+01, v3;
	[tilespmem:s22+$0x80] =	vst v2  }
0x256: {  	v8 =	vld [tilespmem:s22+$0xFFFFFF20];
	v2 =	vmul.f32 $4.525483320e+01, v9;
	[tilespmem:s22+$0xFFFFFE90] =	vst v4  }
0x257: {  	v10 =	vld [tilespmem:s22+$0x90];
	v4 =	vmul.f32 $4.525483320e+01, v6;
	[tilespmem:s22+$0x110] =	vst v3  }
0x258: {  	v7 =	vld [tilespmem:s22+$0xFFFFFEA0];
	v5 =	vmul.f32 $4.525483320e+01, v5;
	[tilespmem:s22+$0x180] =	vst v2  }
0x259: {  	v11 =	vld [tilespmem:s22+$0x20];
	[tilespmem:s22+$0xFFFFFE20] =	vst v4;
	v4 =	vmul.f32 $4.525483320e+01, v14  }
0x25a: {  	v9 =	vld [tilespmem:s22+$0xFFFFFFA0];
	v2 =	vmul.f32 $4.525483320e+01, v12;
	[tilespmem:s22+$0x190] =	vst v5  }
0x25b: {  	v5 =	vmul.f32 $4.525483320e+01, v8;
	[tilespmem:s22+$0x10] =	vst v4;
	v4 =	vld [tilespmem:s22+$0xFFFFFE30]  }
0x25c: {  	v10 =	vmul.f32 $4.525483320e+01, v10;
	[tilespmem:s22+$0xFFFFFF10] =	vst v2;
	v2 =	vld [tilespmem:s22+$0x120]  }
0x25d: {  	v3 =	vmul.f32 $4.525483320e+01, v7;
	[tilespmem:s22+$0xFFFFFF20] =	vst v5;
	v5 =	vld [tilespmem:s22+$0xB0]  }
0x25e: {  	v6 =	vld [tilespmem:s22+$0xA0];
	[tilespmem:s22+$0x90] =	vst v10;
	v11 =	vmul.f32 $4.525483320e+01, v11  }
0x25f: {  	v10 =	vld [tilespmem:s22+$0xFFFFFEB0];
	[tilespmem:s22+$0xFFFFFEA0] =	vst v3;
	v3 =	vmul.f32 $4.525483320e+01, v9  }
0x260: {  	v63 =	vld [tilespmem:s22+$0x1A0];
	[tilespmem:s22+$0x20] =	vst v11;
	v4 =	vmul.f32 $4.525483320e+01, v4  }
0x261: {  	v8 =	vld [tilespmem:s22+$0xFFFFFFB0];
	[tilespmem:s22+$0xFFFFFFA0] =	vst v3;
	v2 =	vmul.f32 $4.525483320e+01, v2  }
0x262: {  	v7 =	vld [tilespmem:s22+$0xFFFFFF30];
	v5 =	vmul.f32 $4.525483320e+01, v5;
	[tilespmem:s22+$0xFFFFFE30] =	vst v4  }
0x263: {  	v11 =	vld [tilespmem:s22+$0xFFFFFE40];
	v4 =	vmul.f32 $4.525483320e+01, v6;
	[tilespmem:s22+$0x120] =	vst v2  }
0x264: {  	v9 =	vld [tilespmem:s22+$0x30];
	v2 =	vmul.f32 $4.525483320e+01, v10;
	[tilespmem:s22+$0xB0] =	vst v5  }
0x265: {  	v3 =	vld [tilespmem:s22+$0x130];
	[tilespmem:s22+$0xA0] =	vst v4;
	v4 =	vmul.f32 $4.525483320e+01, v63  }
0x266: {  	v6 =	vld [tilespmem:s22+$0x1B0];
	[tilespmem:s22+$0xFFFFFEB0] =	vst v2;
	v2 =	vmul.f32 $4.525483320e+01, v8  }
0x267: {  	v10 =	vld [tilespmem:s22+$0xFFFFFEC0];
	[tilespmem:s22+$0x1A0] =	vst v4;
	v4 =	vmul.f32 $4.525483320e+01, v7  }
0x268: {  	v7 =	vld [tilespmem:s22+$0xFFFFFF40];
	[tilespmem:s22+$0xFFFFFFB0] =	vst v2;
	v2 =	vmul.f32 $4.525483320e+01, v11  }
0x269: {  	v8 =	vld [tilespmem:s22+$0xFFFFFFC0];
	[tilespmem:s22+$0xFFFFFF30] =	vst v4;
	v4 =	vmul.f32 $4.525483320e+01, v9  }
0x26a: {  	v9 =	vld [tilespmem:s22+$0x40];
	[tilespmem:s22+$0xFFFFFE40] =	vst v2;
	v2 =	vmul.f32 $4.525483320e+01, v3  }
0x26b: {  	v11 =	vld [tilespmem:s22+$0xC0];
	v3 =	vmul.f32 $4.525483320e+01, v6;
	[tilespmem:s22+$0x30] =	vst v4  }
0x26c: {  	v6 =	vld [tilespmem:s22+$0xFFFFFE50];
	[tilespmem:s22+$0x130] =	vst v2;
	v2 =	vmul.f32 $4.525483320e+01, v10  }
0x26d: {  	v4 =	vld [tilespmem:s22+$0x140];
	[tilespmem:s22+$0x1B0] =	vst v3;
	v3 =	vmul.f32 $4.525483320e+01, v7  }
0x26e: {  	v5 =	vld [tilespmem:s22+$0x1C0];
	[tilespmem:s22+$0xFFFFFEC0] =	vst v2;
	v2 =	vmul.f32 $4.525483320e+01, v8  }
0x26f: {  	v7 =	vld [tilespmem:s22+$0xFFFFFED0];
	[tilespmem:s22+$0xFFFFFF40] =	vst v3;
	v3 =	vmul.f32 $4.525483320e+01, v9  }
0x270: {  	v8 =	vld [tilespmem:s22+$0xFFFFFF50];
	[tilespmem:s22+$0xFFFFFFC0] =	vst v2;
	v2 =	vmul.f32 $4.525483320e+01, v11  }
0x271: {  	v9 =	vld [tilespmem:s22+$0xFFFFFFD0];
	[tilespmem:s22+$0x40] =	vst v3;
	v3 =	vmul.f32 $4.525483320e+01, v6  }
0x272: {  	v10 =	vld [tilespmem:s22+$0x50];
	v4 =	vmul.f32 $4.525483320e+01, v4;
	[tilespmem:s22+$0xC0] =	vst v2  }
0x273: {  	v6 =	vld [tilespmem:s22+$0xD0];
	[tilespmem:s22+$0xFFFFFE50] =	vst v3;
	v3 =	vmul.f32 $4.525483320e+01, v5  }
0x274: {  	v2 =	vld [tilespmem:s22+$0x150];
	[tilespmem:s22+$0x140] =	vst v4;
	v4 =	vmul.f32 $4.525483320e+01, v7  }
0x275: {  	v5 =	vld [tilespmem:s22+$0x1D0];
	[tilespmem:s22+$0x1C0] =	vst v3;
	v3 =	vmul.f32 $4.525483320e+01, v8  }
0x276: {  	v7 =	vld [tilespmem:s22+$0xFFFFFE60];
	[tilespmem:s22+$0xFFFFFED0] =	vst v4;
	v4 =	vmul.f32 $4.525483320e+01, v9  }
0x277: {  	v8 =	vld [tilespmem:s22+$0xFFFFFEE0];
	[tilespmem:s22+$0xFFFFFF50] =	vst v3;
	v3 =	vmul.f32 $4.525483320e+01, v10  }
0x278: {  	v9 =	vld [tilespmem:s22+$0xFFFFFF60];
	[tilespmem:s22+$0xFFFFFFD0] =	vst v4;
	v4 =	vmul.f32 $4.525483320e+01, v6  }
0x279: {  	v6 =	vld [tilespmem:s22+$0xFFFFFFE0];
	v2 =	vmul.f32 $4.525483320e+01, v2;
	[tilespmem:s22+$0x50] =	vst v3  }
0x27a: {  	v5 =	vmul.f32 $4.525483320e+01, v5;
	v3 =	vld [tilespmem:s22+$0x60];
	[tilespmem:s22+$0xD0] =	vst v4  }
0x27b: {  	v4 =	vmul.f32 $4.525483320e+01, v7;
	v7 =	vld [tilespmem:s22+$0xE0];
	[tilespmem:s22+$0x150] =	vst v2  }
0x27c: {  	v2 =	vld [tilespmem:s22+$0x160];
	v8 =	vmul.f32 $4.525483320e+01, v8;
	[tilespmem:s22+$0x1D0] =	vst v5  }
0x27d: {  	v5 =	vld [tilespmem:s22+$0x1E0];
	[tilespmem:s22+$0xFFFFFE60] =	vst v4;
	v4 =	vmul.f32 $4.525483320e+01, v9  }
0x27e: {  	[tilespmem:s22+$0xFFFFFEE0] =	vst v8;
	v6 =	vmul.f32 $4.525483320e+01, v6;
	v8 =	vld [tilespmem:s22+$0xFFFFFE70]  }
0x27f: {  	v9 =	vld [tilespmem:s22+$0xFFFFFEF0];
	[tilespmem:s22+$0xFFFFFF60] =	vst v4;
	v3 =	vmul.f32 $4.525483320e+01, v3  }
0x280: {  	v10 =	vld [tilespmem:s22+$0xFFFFFF70];
	[tilespmem:s22+$0xFFFFFFE0] =	vst v6;
	v4 =	vmul.f32 $4.525483320e+01, v7  }
0x281: {  	v6 =	vmul.f32 $4.525483320e+01, v2;
	v2 =	vld [tilespmem:s22+$0xFFFFFFF0];
	[tilespmem:s22+$0x60] =	vst v3  }
0x282: {  	v5 =	vmul.f32 $4.525483320e+01, v5;
	[tilespmem:s22+$0xE0] =	vst v4;
	v3 =	vld [tilespmem:s22+$0x70]  }
0x283: {  	[tilespmem:s22+$0x160] =	vst v6;
	v4 =	vld [tilespmem:s22+$0xF0];
	v8 =	vmul.f32 $4.525483320e+01, v8  }
0x284: {  	v7 =	vmul.f32 $4.525483320e+01, v9;
	[tilespmem:s22+$0x1E0] =	vst v5;
	v5 =	vld [tilespmem:s22+$0x170]  }
0x285: {  	s23 =	simm.s32 $0x0;
	s24 =	simm.s32 $0x2600;
	v6 =	vld [tilespmem:s22+$0xFFFFFE00];
	[tilespmem:s22+$0xFFFFFE70] =	vst v8;
	v8 =	vmul.f32 $4.525483320e+01, v10  }
.LBB2_9:
0x286: {  	v9 =	vld [tilespmem:s24+$0x1F0];
	s23 =	sadd.s32 $0x8, s23;
	[tilespmem:s22+$0xFFFFFEF0] =	vst v7;
	v2 =	vmul.f32 $4.525483320e+01, v2  }
0x287: {  	v7 =	vld [tilespmem:s24+$0xFFFFFE80];
	p0 =	slt.u32 s23, $0x78;
	[tilespmem:s22+$0xFFFFFF70] =	vst v8;
	v3 =	vmul.f32 $4.525483320e+01, v3  }
0x288: {  	v8 =	vld [tilespmem:s24+$0xFFFFFF00];
	[tilespmem:s22+$0xFFFFFFF0] =	vst v2;
	v2 =	vmul.f32 $4.525483320e+01, v4  }
0x289: {  	v4 =	vld [tilespmem:s24+$0xFFFFFF80];
	[tilespmem:s22+$0x70] =	vst v3;
	v3 =	vmul.f32 $4.525483320e+01, v5  }
0x28a: {  	v5 =	vld [tilespmem:s24+$0x0];
	v6 =	vmul.f32 $4.525483320e+01, v6;
	[tilespmem:s22+$0xF0] =	vst v2  }
0x28b: {  	v2 =	vld [tilespmem:s24+$0x80];
	v9 =	vmul.f32 $4.525483320e+01, v9;
	[tilespmem:s22+$0x170] =	vst v3  }
0x28c: {  	v3 =	vmul.f32 $4.525483320e+01, v7;
	v7 =	vld [tilespmem:s24+$0x100];
	[tilespmem:s22+$0xFFFFFE00] =	vst v6;
	s22 =	smov.u32 s24  }
0x28d: {  	v6 =	vmul.f32 $4.525483320e+01, v8;
	v8 =	vld [tilespmem:s24+$0x180];
	[tilespmem:s24+$0x1F0] =	vst v9  }
0x28e: {  	[tilespmem:s24+$0xFFFFFE80] =	vst v3;
	v3 =	vmul.f32 $4.525483320e+01, v4;
	v4 =	vld [tilespmem:s24+$0xFFFFFE10]  }
0x28f: {  	[tilespmem:s24+$0xFFFFFF00] =	vst v6;
	v5 =	vmul.f32 $4.525483320e+01, v5;
	v6 =	vld [tilespmem:s24+$0xFFFFFE90]  }
0x290: {  	[tilespmem:s24+$0xFFFFFF80] =	vst v3;
	v2 =	vmul.f32 $4.525483320e+01, v2;
	v3 =	vld [tilespmem:s24+$0xFFFFFF10]  }
0x291: {  	[tilespmem:s24+$0x0] =	vst v5;
	v5 =	vmul.f32 $4.525483320e+01, v7;
	v7 =	vld [tilespmem:s24+$0xFFFFFF90]  }
0x292: {  	[tilespmem:s24+$0x80] =	vst v2;
	v2 =	vmul.f32 $4.525483320e+01, v8;
	v8 =	vld [tilespmem:s24+$0x10]  }
0x293: {  	[tilespmem:s24+$0x100] =	vst v5;
	v4 =	vmul.f32 $4.525483320e+01, v4;
	v5 =	vld [tilespmem:s24+$0x90]  }
0x294: {  	[tilespmem:s24+$0x180] =	vst v2;
	v2 =	vmul.f32 $4.525483320e+01, v6;
	v6 =	vld [tilespmem:s24+$0x110]  }
0x295: {  	[tilespmem:s24+$0xFFFFFE10] =	vst v4;
	v3 =	vmul.f32 $4.525483320e+01, v3;
	v4 =	vld [tilespmem:s24+$0x190]  }
0x296: {  	[tilespmem:s24+$0xFFFFFE90] =	vst v2;
	v2 =	vmul.f32 $4.525483320e+01, v7;
	v7 =	vld [tilespmem:s24+$0xFFFFFE20]  }
0x297: {  	[tilespmem:s24+$0xFFFFFF10] =	vst v3;
	v3 =	vmul.f32 $4.525483320e+01, v8;
	v8 =	vld [tilespmem:s24+$0xFFFFFEA0]  }
0x298: {  	[tilespmem:s24+$0xFFFFFF90] =	vst v2;
	v2 =	vmul.f32 $4.525483320e+01, v5;
	v5 =	vld [tilespmem:s24+$0xFFFFFF20]  }
0x299: {  	[tilespmem:s24+$0x10] =	vst v3;
	v3 =	vmul.f32 $4.525483320e+01, v6;
	v6 =	vld [tilespmem:s24+$0xFFFFFFA0]  }
0x29a: {  	[tilespmem:s24+$0x90] =	vst v2;
	v2 =	vmul.f32 $4.525483320e+01, v4;
	v4 =	vld [tilespmem:s24+$0x20]  }
0x29b: {  	[tilespmem:s24+$0x110] =	vst v3;
	v3 =	vmul.f32 $4.525483320e+01, v7;
	v7 =	vld [tilespmem:s24+$0xA0]  }
0x29c: {  	[tilespmem:s24+$0x190] =	vst v2;
	v2 =	vmul.f32 $4.525483320e+01, v8;
	v8 =	vld [tilespmem:s24+$0x120]  }
0x29d: {  	[tilespmem:s24+$0xFFFFFE20] =	vst v3;
	v3 =	vmul.f32 $4.525483320e+01, v5;
	v5 =	vld [tilespmem:s24+$0x1A0]  }
0x29e: {  	[tilespmem:s24+$0xFFFFFEA0] =	vst v2;
	v2 =	vmul.f32 $4.525483320e+01, v6;
	v6 =	vld [tilespmem:s24+$0xFFFFFE30]  }
0x29f: {  	[tilespmem:s24+$0xFFFFFF20] =	vst v3;
	v3 =	vmul.f32 $4.525483320e+01, v4;
	v4 =	vld [tilespmem:s24+$0xFFFFFEB0]  }
0x2a0: {  	[tilespmem:s24+$0xFFFFFFA0] =	vst v2;
	v2 =	vmul.f32 $4.525483320e+01, v7;
	v7 =	vld [tilespmem:s24+$0xFFFFFF30]  }
0x2a1: {  	[tilespmem:s24+$0x20] =	vst v3;
	v3 =	vmul.f32 $4.525483320e+01, v8;
	v8 =	vld [tilespmem:s24+$0xFFFFFFB0]  }
0x2a2: {  	[tilespmem:s24+$0xA0] =	vst v2;
	v2 =	vmul.f32 $4.525483320e+01, v5;
	v5 =	vld [tilespmem:s24+$0x30]  }
0x2a3: {  	[tilespmem:s24+$0x120] =	vst v3;
	v3 =	vmul.f32 $4.525483320e+01, v6;
	v6 =	vld [tilespmem:s24+$0xB0]  }
0x2a4: {  	[tilespmem:s24+$0x1A0] =	vst v2;
	v2 =	vmul.f32 $4.525483320e+01, v4;
	v4 =	vld [tilespmem:s24+$0x130]  }
0x2a5: {  	[tilespmem:s24+$0xFFFFFE30] =	vst v3;
	v3 =	vmul.f32 $4.525483320e+01, v7;
	v7 =	vld [tilespmem:s24+$0x1B0]  }
0x2a6: {  	[tilespmem:s24+$0xFFFFFEB0] =	vst v2;
	v2 =	vmul.f32 $4.525483320e+01, v8;
	v8 =	vld [tilespmem:s24+$0xFFFFFE40]  }
0x2a7: {  	[tilespmem:s24+$0xFFFFFF30] =	vst v3;
	v3 =	vmul.f32 $4.525483320e+01, v5;
	v5 =	vld [tilespmem:s24+$0xFFFFFEC0]  }
0x2a8: {  	[tilespmem:s24+$0xFFFFFFB0] =	vst v2;
	v2 =	vmul.f32 $4.525483320e+01, v6;
	v6 =	vld [tilespmem:s24+$0xFFFFFF40]  }
0x2a9: {  	[tilespmem:s24+$0x30] =	vst v3;
	v3 =	vmul.f32 $4.525483320e+01, v4;
	v4 =	vld [tilespmem:s24+$0xFFFFFFC0]  }
0x2aa: {  	[tilespmem:s24+$0xB0] =	vst v2;
	v2 =	vmul.f32 $4.525483320e+01, v7;
	v7 =	vld [tilespmem:s24+$0x40]  }
0x2ab: {  	[tilespmem:s24+$0x130] =	vst v3;
	v3 =	vmul.f32 $4.525483320e+01, v8;
	v8 =	vld [tilespmem:s24+$0xC0]  }
0x2ac: {  	[tilespmem:s24+$0x1B0] =	vst v2;
	v2 =	vmul.f32 $4.525483320e+01, v5;
	v5 =	vld [tilespmem:s24+$0x140]  }
0x2ad: {  	[tilespmem:s24+$0xFFFFFE40] =	vst v3;
	v3 =	vmul.f32 $4.525483320e+01, v6;
	v6 =	vld [tilespmem:s24+$0x1C0]  }
0x2ae: {  	[tilespmem:s24+$0xFFFFFEC0] =	vst v2;
	v2 =	vmul.f32 $4.525483320e+01, v4;
	v4 =	vld [tilespmem:s24+$0xFFFFFE50]  }
0x2af: {  	[tilespmem:s24+$0xFFFFFF40] =	vst v3;
	v3 =	vmul.f32 $4.525483320e+01, v7;
	v7 =	vld [tilespmem:s24+$0xFFFFFED0]  }
0x2b0: {  	[tilespmem:s24+$0xFFFFFFC0] =	vst v2;
	v2 =	vmul.f32 $4.525483320e+01, v8;
	v8 =	vld [tilespmem:s24+$0xFFFFFF50]  }
0x2b1: {  	[tilespmem:s24+$0x40] =	vst v3;
	v3 =	vmul.f32 $4.525483320e+01, v5;
	v5 =	vld [tilespmem:s24+$0xFFFFFFD0]  }
0x2b2: {  	[tilespmem:s24+$0xC0] =	vst v2;
	v2 =	vmul.f32 $4.525483320e+01, v6;
	v6 =	vld [tilespmem:s24+$0x50]  }
0x2b3: {  	[tilespmem:s24+$0x140] =	vst v3;
	v3 =	vmul.f32 $4.525483320e+01, v4;
	v4 =	vld [tilespmem:s24+$0xD0]  }
0x2b4: {  	[tilespmem:s24+$0x1C0] =	vst v2;
	v2 =	vmul.f32 $4.525483320e+01, v7;
	v7 =	vld [tilespmem:s24+$0x150]  }
0x2b5: {  	[tilespmem:s24+$0xFFFFFE50] =	vst v3;
	v3 =	vmul.f32 $4.525483320e+01, v8;
	v8 =	vld [tilespmem:s24+$0x1D0]  }
0x2b6: {  	[tilespmem:s24+$0xFFFFFED0] =	vst v2;
	v2 =	vmul.f32 $4.525483320e+01, v5;
	v5 =	vld [tilespmem:s24+$0xFFFFFE60]  }
0x2b7: {  	[tilespmem:s24+$0xFFFFFF50] =	vst v3;
	v3 =	vmul.f32 $4.525483320e+01, v6;
	v6 =	vld [tilespmem:s24+$0xFFFFFEE0]  }
0x2b8: {  	[tilespmem:s24+$0xFFFFFFD0] =	vst v2;
	v2 =	vmul.f32 $4.525483320e+01, v4;
	v4 =	vld [tilespmem:s24+$0xFFFFFF60]  }
0x2b9: {  	[tilespmem:s24+$0x50] =	vst v3;
	v3 =	vmul.f32 $4.525483320e+01, v7;
	v7 =	vld [tilespmem:s24+$0xFFFFFFE0]  }
0x2ba: {  	[tilespmem:s24+$0xD0] =	vst v2;
	v2 =	vmul.f32 $4.525483320e+01, v8;
	v8 =	vld [tilespmem:s24+$0x60]  }
0x2bb: {  	[tilespmem:s24+$0x150] =	vst v3;
	v3 =	vmul.f32 $4.525483320e+01, v5;
	v5 =	vld [tilespmem:s24+$0xE0]  }
0x2bc: {  	[tilespmem:s24+$0x1D0] =	vst v2;
	v2 =	vmul.f32 $4.525483320e+01, v6;
	v6 =	vld [tilespmem:s24+$0x160]  }
0x2bd: {  	[tilespmem:s24+$0xFFFFFE60] =	vst v3;
	v3 =	vmul.f32 $4.525483320e+01, v4;
	v4 =	vld [tilespmem:s24+$0x1E0]  }
0x2be: {  	[tilespmem:s24+$0xFFFFFEE0] =	vst v2;
	v2 =	vmul.f32 $4.525483320e+01, v7;
	v7 =	vld [tilespmem:s24+$0xFFFFFE70]  }
0x2bf: {  	[tilespmem:s24+$0xFFFFFF60] =	vst v3;
	v3 =	vmul.f32 $4.525483320e+01, v8;
	v8 =	vld [tilespmem:s24+$0xFFFFFEF0]  }
0x2c0: {  	[tilespmem:s24+$0xFFFFFFE0] =	vst v2;
	v5 =	vmul.f32 $4.525483320e+01, v5;
	v9 =	vld [tilespmem:s24+$0xFFFFFF70]  }
.Ltmp3:
0x2c1: {  	[tilespmem:s24+$0x60] =	vst v3;
	v6 =	vmul.f32 $4.525483320e+01, v6;
	v2 =	vld [tilespmem:s24+$0xFFFFFFF0];
	(pc) =	sbr.rel @p0 .LBB2_9-.Ltmp3, $4  }
0x2c2: {  	[tilespmem:s24+$0xE0] =	vst v5;
	v5 =	vmul.f32 $4.525483320e+01, v4;
	v3 =	vld [tilespmem:s24+$0x70]  }
0x2c3: {  	[tilespmem:s24+$0x160] =	vst v6;
	v10 =	vmul.f32 $4.525483320e+01, v7;
	v4 =	vld [tilespmem:s24+$0xF0]  }
0x2c4: {  	[tilespmem:s24+$0x1E0] =	vst v5;
	v7 =	vmul.f32 $4.525483320e+01, v8;
	v5 =	vld [tilespmem:s24+$0x170]  }
0x2c5: {  	s24 =	sadd.s32 $0x400, s24;
	v6 =	vld [tilespmem:s22+$0xFFFFFE00];
	[tilespmem:s22+$0xFFFFFE70] =	vst v10;
	v8 =	vmul.f32 $4.525483320e+01, v9  }
0x2c6: {  	[tilespmem:s22+$0xFFFFFEF0] =	vst v7;
	v2 =	vmul.f32 $4.525483320e+01, v2  }
0x2c7: {  	s16 =	sadd.s32 $0x1, s16;
	[tilespmem:s22+$0xFFFFFF70] =	vst v8;
	v3 =	vmul.f32 $4.525483320e+01, v3  }
0x2c8: {  	p0 =	sne.s32 s16, $0x14;
	[tilespmem:s22+$0xFFFFFFF0] =	vst v2;
	v2 =	vmul.f32 $4.525483320e+01, v4  }
.Ltmp4:
0x2c9: {  	[tilespmem:s22+$0x70] =	vst v3;
	v3 =	vmul.f32 $4.525483320e+01, v5;
	(pc) =	sbr.rel @p0 .LBB2_4-.Ltmp4, $4  }
0x2ca: {  	v63 =	vmul.f32 $4.525483320e+01, v6;
	[tilespmem:s22+$0xF0] =	vst v2  }
0x2cb: {  	s17 =	sshll.u32 s17, $0xB;
	[tilespmem:s22+$0x170] =	vst v3  }
0x2cc: {  	s17 =	sadd.s32 s17, s13;
	[tilespmem:s22+$0xFFFFFE00] =	vst v63  }
0x2cd: {  	[hbm4b:s17+s4] =	stream.linear.scatter [tilespmem:s21], [sflag:$0x4], $0x4000, $0x38;
	[tilespmem:$0xE000] =	vst v63  }
0x2ce: {  	_ =	swait.ge [sflag:s20], $0x4000  }
0x2cf: {  	[sflag:s20] =	ssyncset.done $0x0  }
0x2d0: {  	[sflag:s20] =	ssyncadd.s32 $0xFFFFC000  }
0x2d1: {  	v2 =	vld.msk [tilespmem:$0x1F80], $0xff;
	_ =	sdelay $0x4  }
0x2d2: {  	v3 =	vshll.u32 v2, $0x4  }
0x2d3: {  	v2 =	vand.u32 $0x7, v2;
	v3 =	vand.u32 $0xFFFFFF80, v3  }
0x2d4: {  	v2 =	vor.u32 v2, v3  }
0x2d5: {  	v2 =	vperm.xlane v2, v0;
	_ =	sdelay $0x1  }
0x2d6: {  	v2 =	vadd.s32 v1, v2;
	_ =	sdelay $0x4  }
0x2d7: {  	[tilespmem:s21], [sflag:$0x1] =	stream.indirect_vreg.gather [hbm4b:s2+s4], $0x80, v2, vm0, $0xb8;
	[tilespmem:$0xE000] =	vst v63  }
0x2d8: {  	s16 =	simm.s32 $0x2800  }
0x2d9: {  	[tilespmem:s16], [sflag:$0x1] =	stream.indirect_vreg.gather [hbm4b:s6+s4], $0x80, v2, vm0, $0xb8;
	[tilespmem:$0xE000] =	vst v63  }
0x2da: {  	s23 =	simm.s32 $0x3000  }
0x2db: {  	[tilespmem:s23], [sflag:$0x1] =	stream.indirect_vreg.gather [hbm4b:s7+s4], $0x80, v2, vm0, $0xb8;
	[tilespmem:$0xE000] =	vst v63  }
0x2dc: {  	s24 =	simm.s32 $0x3800  }
0x2dd: {  	[tilespmem:s24], [sflag:$0x1] =	stream.indirect_vreg.gather [hbm4b:s8+s4], $0x80, v2, vm0, $0xb8;
	[tilespmem:$0xE000] =	vst v63  }
0x2de: {  	s25 =	simm.s32 $0x4000  }
0x2df: {  	[tilespmem:s25], [sflag:$0x1] =	stream.indirect_vreg.gather [hbm4b:s9+s4], $0x80, v2, vm0, $0xb8;
	[tilespmem:$0xE000] =	vst v63  }
0x2e0: {  	s26 =	simm.s32 $0x4800  }
0x2e1: {  	[tilespmem:s26], [sflag:$0x1] =	stream.indirect_vreg.gather [hbm4b:s10+s4], $0x80, v2, vm0, $0xb8;
	[tilespmem:$0xE000] =	vst v63  }
0x2e2: {  	_ = 	snop  }
0x2e3: {  	[tilespmem:s28], [sflag:$0x1] =	stream.indirect_vreg.gather [hbm4b:s11+s4], $0x80, v2, vm0, $0xb8;
	[tilespmem:$0xE000] =	vst v63  }
0x2e4: {  	_ = 	snop  }
0x2e5: {  	[tilespmem:s29], [sflag:$0x1] =	stream.indirect_vreg.gather [hbm4b:s12+s4], $0x80, v2, vm0, $0xb8;
	[tilespmem:$0xE000] =	vst v63  }
0x2e6: {  	_ =	swait.ge [sflag:s31], $0x4000  }
0x2e7: {  	[sflag:s31] =	ssyncset.done $0x0  }
0x2e8: {  	s16 =	simm.s32 $0x6200;
	[sflag:s31] =	ssyncadd.s32 $0xFFFFC000  }
0x2e9: {  	v2 =	vld [tilespmem:s16+$0x1F0]  }
0x2ea: {  	v3 =	vld [tilespmem:s16+$0xFFFFFE80]  }
0x2eb: {  	v4 =	vld [tilespmem:s16+$0xFFFFFF00]  }
0x2ec: {  	v13 =	vld [tilespmem:s16+$0xFFFFFF90]  }
0x2ed: {  	v10 =	vld [tilespmem:s16+$0xFFFFFE10]  }
0x2ee: {  	v6 =	vld [tilespmem:s16+$0x0];
	v2 =	vmul.f32 $4.525483320e+01, v2  }
0x2ef: {  	v5 =	vld [tilespmem:s16+$0xFFFFFF80];
	v3 =	vmul.f32 $4.525483320e+01, v3  }
0x2f0: {  	v8 =	vld [tilespmem:s16+$0x100];
	v4 =	vmul.f32 $4.525483320e+01, v4;
	[tilespmem:s16+$0x1F0] =	vst v2  }
0x2f1: {  	v7 =	vld [tilespmem:s16+$0x80];
	v62 =	vmul.f32 $4.525483320e+01, v13;
	[tilespmem:s16+$0xFFFFFE80] =	vst v3  }
0x2f2: {  	v11 =	vld [tilespmem:s16+$0xFFFFFE90];
	v2 =	vmul.f32 $4.525483320e+01, v10;
	[tilespmem:s16+$0xFFFFFF00] =	vst v4  }
0x2f3: {  	v3 =	vld [tilespmem:s16+$0x110];
	v4 =	vmul.f32 $4.525483320e+01, v6;
	[tilespmem:s16+$0xFFFFFF90] =	vst v62  }
0x2f4: {  	v9 =	vld [tilespmem:s16+$0x180];
	[tilespmem:s16+$0xFFFFFE10] =	vst v2;
	v2 =	vmul.f32 $4.525483320e+01, v5  }
0x2f5: {  	v6 =	vld [tilespmem:s16+$0xFFFFFE20];
	[tilespmem:s16+$0x0] =	vst v4;
	v4 =	vmul.f32 $4.525483320e+01, v8  }
0x2f6: {  	v5 =	vld [tilespmem:s16+$0x190];
	[tilespmem:s16+$0xFFFFFF80] =	vst v2;
	v2 =	vmul.f32 $4.525483320e+01, v7  }
0x2f7: {  	v14 =	vld [tilespmem:s16+$0x10];
	[tilespmem:s16+$0x100] =	vst v4;
	v4 =	vmul.f32 $4.525483320e+01, v11  }
0x2f8: {  	v12 =	vld [tilespmem:s16+$0xFFFFFF10];
	v3 =	vmul.f32 $4.525483320e+01, v3;
	[tilespmem:s16+$0x80] =	vst v2  }
0x2f9: {  	v8 =	vld [tilespmem:s16+$0xFFFFFF20];
	v2 =	vmul.f32 $4.525483320e+01, v9;
	[tilespmem:s16+$0xFFFFFE90] =	vst v4  }
0x2fa: {  	v10 =	vld [tilespmem:s16+$0x90];
	v4 =	vmul.f32 $4.525483320e+01, v6;
	[tilespmem:s16+$0x110] =	vst v3  }
0x2fb: {  	v7 =	vld [tilespmem:s16+$0xFFFFFEA0];
	v5 =	vmul.f32 $4.525483320e+01, v5;
	[tilespmem:s16+$0x180] =	vst v2  }
0x2fc: {  	v11 =	vld [tilespmem:s16+$0x20];
	[tilespmem:s16+$0xFFFFFE20] =	vst v4;
	v4 =	vmul.f32 $4.525483320e+01, v14  }
0x2fd: {  	v9 =	vld [tilespmem:s16+$0xFFFFFFA0];
	v2 =	vmul.f32 $4.525483320e+01, v12;
	[tilespmem:s16+$0x190] =	vst v5  }
0x2fe: {  	v5 =	vmul.f32 $4.525483320e+01, v8;
	[tilespmem:s16+$0x10] =	vst v4;
	v4 =	vld [tilespmem:s16+$0xFFFFFE30]  }
0x2ff: {  	v10 =	vmul.f32 $4.525483320e+01, v10;
	[tilespmem:s16+$0xFFFFFF10] =	vst v2;
	v2 =	vld [tilespmem:s16+$0x120]  }
0x300: {  	v3 =	vmul.f32 $4.525483320e+01, v7;
	[tilespmem:s16+$0xFFFFFF20] =	vst v5;
	v5 =	vld [tilespmem:s16+$0xB0]  }
0x301: {  	v6 =	vld [tilespmem:s16+$0xA0];
	[tilespmem:s16+$0x90] =	vst v10;
	v11 =	vmul.f32 $4.525483320e+01, v11  }
0x302: {  	v10 =	vld [tilespmem:s16+$0xFFFFFEB0];
	[tilespmem:s16+$0xFFFFFEA0] =	vst v3;
	v3 =	vmul.f32 $4.525483320e+01, v9  }
0x303: {  	v63 =	vld [tilespmem:s16+$0x1A0];
	[tilespmem:s16+$0x20] =	vst v11;
	v4 =	vmul.f32 $4.525483320e+01, v4  }
0x304: {  	v8 =	vld [tilespmem:s16+$0xFFFFFFB0];
	[tilespmem:s16+$0xFFFFFFA0] =	vst v3;
	v2 =	vmul.f32 $4.525483320e+01, v2  }
0x305: {  	v7 =	vld [tilespmem:s16+$0xFFFFFF30];
	v5 =	vmul.f32 $4.525483320e+01, v5;
	[tilespmem:s16+$0xFFFFFE30] =	vst v4  }
0x306: {  	v11 =	vld [tilespmem:s16+$0xFFFFFE40];
	v4 =	vmul.f32 $4.525483320e+01, v6;
	[tilespmem:s16+$0x120] =	vst v2  }
0x307: {  	v9 =	vld [tilespmem:s16+$0x30];
	v2 =	vmul.f32 $4.525483320e+01, v10;
	[tilespmem:s16+$0xB0] =	vst v5  }
0x308: {  	v3 =	vld [tilespmem:s16+$0x130];
	[tilespmem:s16+$0xA0] =	vst v4;
	v4 =	vmul.f32 $4.525483320e+01, v63  }
0x309: {  	v6 =	vld [tilespmem:s16+$0x1B0];
	[tilespmem:s16+$0xFFFFFEB0] =	vst v2;
	v2 =	vmul.f32 $4.525483320e+01, v8  }
0x30a: {  	v10 =	vld [tilespmem:s16+$0xFFFFFEC0];
	[tilespmem:s16+$0x1A0] =	vst v4;
	v4 =	vmul.f32 $4.525483320e+01, v7  }
0x30b: {  	v7 =	vld [tilespmem:s16+$0xFFFFFF40];
	[tilespmem:s16+$0xFFFFFFB0] =	vst v2;
	v2 =	vmul.f32 $4.525483320e+01, v11  }
0x30c: {  	v8 =	vld [tilespmem:s16+$0xFFFFFFC0];
	[tilespmem:s16+$0xFFFFFF30] =	vst v4;
	v4 =	vmul.f32 $4.525483320e+01, v9  }
0x30d: {  	v9 =	vld [tilespmem:s16+$0x40];
	[tilespmem:s16+$0xFFFFFE40] =	vst v2;
	v2 =	vmul.f32 $4.525483320e+01, v3  }
0x30e: {  	v11 =	vld [tilespmem:s16+$0xC0];
	v3 =	vmul.f32 $4.525483320e+01, v6;
	[tilespmem:s16+$0x30] =	vst v4  }
0x30f: {  	v6 =	vld [tilespmem:s16+$0xFFFFFE50];
	[tilespmem:s16+$0x130] =	vst v2;
	v2 =	vmul.f32 $4.525483320e+01, v10  }
0x310: {  	v4 =	vld [tilespmem:s16+$0x140];
	[tilespmem:s16+$0x1B0] =	vst v3;
	v3 =	vmul.f32 $4.525483320e+01, v7  }
0x311: {  	v5 =	vld [tilespmem:s16+$0x1C0];
	[tilespmem:s16+$0xFFFFFEC0] =	vst v2;
	v2 =	vmul.f32 $4.525483320e+01, v8  }
0x312: {  	v7 =	vld [tilespmem:s16+$0xFFFFFED0];
	[tilespmem:s16+$0xFFFFFF40] =	vst v3;
	v3 =	vmul.f32 $4.525483320e+01, v9  }
0x313: {  	v8 =	vld [tilespmem:s16+$0xFFFFFF50];
	[tilespmem:s16+$0xFFFFFFC0] =	vst v2;
	v2 =	vmul.f32 $4.525483320e+01, v11  }
0x314: {  	v9 =	vld [tilespmem:s16+$0xFFFFFFD0];
	[tilespmem:s16+$0x40] =	vst v3;
	v3 =	vmul.f32 $4.525483320e+01, v6  }
0x315: {  	v10 =	vld [tilespmem:s16+$0x50];
	v4 =	vmul.f32 $4.525483320e+01, v4;
	[tilespmem:s16+$0xC0] =	vst v2  }
0x316: {  	v6 =	vld [tilespmem:s16+$0xD0];
	[tilespmem:s16+$0xFFFFFE50] =	vst v3;
	v3 =	vmul.f32 $4.525483320e+01, v5  }
0x317: {  	v2 =	vld [tilespmem:s16+$0x150];
	[tilespmem:s16+$0x140] =	vst v4;
	v4 =	vmul.f32 $4.525483320e+01, v7  }
0x318: {  	v5 =	vld [tilespmem:s16+$0x1D0];
	[tilespmem:s16+$0x1C0] =	vst v3;
	v3 =	vmul.f32 $4.525483320e+01, v8  }
0x319: {  	v7 =	vld [tilespmem:s16+$0xFFFFFE60];
	[tilespmem:s16+$0xFFFFFED0] =	vst v4;
	v4 =	vmul.f32 $4.525483320e+01, v9  }
0x31a: {  	v8 =	vld [tilespmem:s16+$0xFFFFFEE0];
	[tilespmem:s16+$0xFFFFFF50] =	vst v3;
	v3 =	vmul.f32 $4.525483320e+01, v10  }
0x31b: {  	v9 =	vld [tilespmem:s16+$0xFFFFFF60];
	[tilespmem:s16+$0xFFFFFFD0] =	vst v4;
	v4 =	vmul.f32 $4.525483320e+01, v6  }
0x31c: {  	v6 =	vld [tilespmem:s16+$0xFFFFFFE0];
	v2 =	vmul.f32 $4.525483320e+01, v2;
	[tilespmem:s16+$0x50] =	vst v3  }
0x31d: {  	v5 =	vmul.f32 $4.525483320e+01, v5;
	v3 =	vld [tilespmem:s16+$0x60];
	[tilespmem:s16+$0xD0] =	vst v4  }
0x31e: {  	v4 =	vmul.f32 $4.525483320e+01, v7;
	v7 =	vld [tilespmem:s16+$0xE0];
	[tilespmem:s16+$0x150] =	vst v2  }
0x31f: {  	v2 =	vld [tilespmem:s16+$0x160];
	v8 =	vmul.f32 $4.525483320e+01, v8;
	[tilespmem:s16+$0x1D0] =	vst v5  }
0x320: {  	v5 =	vld [tilespmem:s16+$0x1E0];
	[tilespmem:s16+$0xFFFFFE60] =	vst v4;
	v4 =	vmul.f32 $4.525483320e+01, v9  }
0x321: {  	[tilespmem:s16+$0xFFFFFEE0] =	vst v8;
	v6 =	vmul.f32 $4.525483320e+01, v6;
	v8 =	vld [tilespmem:s16+$0xFFFFFE70]  }
0x322: {  	v9 =	vld [tilespmem:s16+$0xFFFFFEF0];
	[tilespmem:s16+$0xFFFFFF60] =	vst v4;
	v3 =	vmul.f32 $4.525483320e+01, v3  }
0x323: {  	v10 =	vld [tilespmem:s16+$0xFFFFFF70];
	[tilespmem:s16+$0xFFFFFFE0] =	vst v6;
	v4 =	vmul.f32 $4.525483320e+01, v7  }
0x324: {  	v6 =	vmul.f32 $4.525483320e+01, v2;
	v2 =	vld [tilespmem:s16+$0xFFFFFFF0];
	[tilespmem:s16+$0x60] =	vst v3  }
0x325: {  	v5 =	vmul.f32 $4.525483320e+01, v5;
	[tilespmem:s16+$0xE0] =	vst v4;
	v3 =	vld [tilespmem:s16+$0x70]  }
0x326: {  	[tilespmem:s16+$0x160] =	vst v6;
	v4 =	vld [tilespmem:s16+$0xF0];
	v8 =	vmul.f32 $4.525483320e+01, v8  }
0x327: {  	v7 =	vmul.f32 $4.525483320e+01, v9;
	[tilespmem:s16+$0x1E0] =	vst v5;
	v5 =	vld [tilespmem:s16+$0x170]  }
0x328: {  	s17 =	simm.s32 $0x0;
	s22 =	simm.s32 $0x6600;
	v6 =	vld [tilespmem:s16+$0xFFFFFE00];
	[tilespmem:s16+$0xFFFFFE70] =	vst v8;
	v8 =	vmul.f32 $4.525483320e+01, v10  }
.LBB2_12:
0x329: {  	v9 =	vld [tilespmem:s22+$0x1F0];
	s17 =	sadd.s32 $0x8, s17;
	[tilespmem:s16+$0xFFFFFEF0] =	vst v7;
	v2 =	vmul.f32 $4.525483320e+01, v2  }
0x32a: {  	v7 =	vld [tilespmem:s22+$0xFFFFFE80];
	p0 =	slt.u32 s17, $0x78;
	[tilespmem:s16+$0xFFFFFF70] =	vst v8;
	v3 =	vmul.f32 $4.525483320e+01, v3  }
0x32b: {  	v8 =	vld [tilespmem:s22+$0xFFFFFF00];
	[tilespmem:s16+$0xFFFFFFF0] =	vst v2;
	v2 =	vmul.f32 $4.525483320e+01, v4  }
0x32c: {  	v4 =	vld [tilespmem:s22+$0xFFFFFF80];
	[tilespmem:s16+$0x70] =	vst v3;
	v3 =	vmul.f32 $4.525483320e+01, v5  }
0x32d: {  	v5 =	vld [tilespmem:s22+$0x0];
	v6 =	vmul.f32 $4.525483320e+01, v6;
	[tilespmem:s16+$0xF0] =	vst v2  }
0x32e: {  	v2 =	vld [tilespmem:s22+$0x80];
	v9 =	vmul.f32 $4.525483320e+01, v9;
	[tilespmem:s16+$0x170] =	vst v3  }
0x32f: {  	v3 =	vmul.f32 $4.525483320e+01, v7;
	v7 =	vld [tilespmem:s22+$0x100];
	[tilespmem:s16+$0xFFFFFE00] =	vst v6;
	s16 =	smov.u32 s22  }
0x330: {  	v6 =	vmul.f32 $4.525483320e+01, v8;
	v8 =	vld [tilespmem:s22+$0x180];
	[tilespmem:s22+$0x1F0] =	vst v9  }
0x331: {  	[tilespmem:s22+$0xFFFFFE80] =	vst v3;
	v3 =	vmul.f32 $4.525483320e+01, v4;
	v4 =	vld [tilespmem:s22+$0xFFFFFE10]  }
0x332: {  	[tilespmem:s22+$0xFFFFFF00] =	vst v6;
	v5 =	vmul.f32 $4.525483320e+01, v5;
	v6 =	vld [tilespmem:s22+$0xFFFFFE90]  }
0x333: {  	[tilespmem:s22+$0xFFFFFF80] =	vst v3;
	v2 =	vmul.f32 $4.525483320e+01, v2;
	v3 =	vld [tilespmem:s22+$0xFFFFFF10]  }
0x334: {  	[tilespmem:s22+$0x0] =	vst v5;
	v5 =	vmul.f32 $4.525483320e+01, v7;
	v7 =	vld [tilespmem:s22+$0xFFFFFF90]  }
0x335: {  	[tilespmem:s22+$0x80] =	vst v2;
	v2 =	vmul.f32 $4.525483320e+01, v8;
	v8 =	vld [tilespmem:s22+$0x10]  }
0x336: {  	[tilespmem:s22+$0x100] =	vst v5;
	v4 =	vmul.f32 $4.525483320e+01, v4;
	v5 =	vld [tilespmem:s22+$0x90]  }
0x337: {  	[tilespmem:s22+$0x180] =	vst v2;
	v2 =	vmul.f32 $4.525483320e+01, v6;
	v6 =	vld [tilespmem:s22+$0x110]  }
0x338: {  	[tilespmem:s22+$0xFFFFFE10] =	vst v4;
	v3 =	vmul.f32 $4.525483320e+01, v3;
	v4 =	vld [tilespmem:s22+$0x190]  }
0x339: {  	[tilespmem:s22+$0xFFFFFE90] =	vst v2;
	v2 =	vmul.f32 $4.525483320e+01, v7;
	v7 =	vld [tilespmem:s22+$0xFFFFFE20]  }
0x33a: {  	[tilespmem:s22+$0xFFFFFF10] =	vst v3;
	v3 =	vmul.f32 $4.525483320e+01, v8;
	v8 =	vld [tilespmem:s22+$0xFFFFFEA0]  }
0x33b: {  	[tilespmem:s22+$0xFFFFFF90] =	vst v2;
	v2 =	vmul.f32 $4.525483320e+01, v5;
	v5 =	vld [tilespmem:s22+$0xFFFFFF20]  }
0x33c: {  	[tilespmem:s22+$0x10] =	vst v3;
	v3 =	vmul.f32 $4.525483320e+01, v6;
	v6 =	vld [tilespmem:s22+$0xFFFFFFA0]  }
0x33d: {  	[tilespmem:s22+$0x90] =	vst v2;
	v2 =	vmul.f32 $4.525483320e+01, v4;
	v4 =	vld [tilespmem:s22+$0x20]  }
0x33e: {  	[tilespmem:s22+$0x110] =	vst v3;
	v3 =	vmul.f32 $4.525483320e+01, v7;
	v7 =	vld [tilespmem:s22+$0xA0]  }
0x33f: {  	[tilespmem:s22+$0x190] =	vst v2;
	v2 =	vmul.f32 $4.525483320e+01, v8;
	v8 =	vld [tilespmem:s22+$0x120]  }
0x340: {  	[tilespmem:s22+$0xFFFFFE20] =	vst v3;
	v3 =	vmul.f32 $4.525483320e+01, v5;
	v5 =	vld [tilespmem:s22+$0x1A0]  }
0x341: {  	[tilespmem:s22+$0xFFFFFEA0] =	vst v2;
	v2 =	vmul.f32 $4.525483320e+01, v6;
	v6 =	vld [tilespmem:s22+$0xFFFFFE30]  }
0x342: {  	[tilespmem:s22+$0xFFFFFF20] =	vst v3;
	v3 =	vmul.f32 $4.525483320e+01, v4;
	v4 =	vld [tilespmem:s22+$0xFFFFFEB0]  }
0x343: {  	[tilespmem:s22+$0xFFFFFFA0] =	vst v2;
	v2 =	vmul.f32 $4.525483320e+01, v7;
	v7 =	vld [tilespmem:s22+$0xFFFFFF30]  }
0x344: {  	[tilespmem:s22+$0x20] =	vst v3;
	v3 =	vmul.f32 $4.525483320e+01, v8;
	v8 =	vld [tilespmem:s22+$0xFFFFFFB0]  }
0x345: {  	[tilespmem:s22+$0xA0] =	vst v2;
	v2 =	vmul.f32 $4.525483320e+01, v5;
	v5 =	vld [tilespmem:s22+$0x30]  }
0x346: {  	[tilespmem:s22+$0x120] =	vst v3;
	v3 =	vmul.f32 $4.525483320e+01, v6;
	v6 =	vld [tilespmem:s22+$0xB0]  }
0x347: {  	[tilespmem:s22+$0x1A0] =	vst v2;
	v2 =	vmul.f32 $4.525483320e+01, v4;
	v4 =	vld [tilespmem:s22+$0x130]  }
0x348: {  	[tilespmem:s22+$0xFFFFFE30] =	vst v3;
	v3 =	vmul.f32 $4.525483320e+01, v7;
	v7 =	vld [tilespmem:s22+$0x1B0]  }
0x349: {  	[tilespmem:s22+$0xFFFFFEB0] =	vst v2;
	v2 =	vmul.f32 $4.525483320e+01, v8;
	v8 =	vld [tilespmem:s22+$0xFFFFFE40]  }
0x34a: {  	[tilespmem:s22+$0xFFFFFF30] =	vst v3;
	v3 =	vmul.f32 $4.525483320e+01, v5;
	v5 =	vld [tilespmem:s22+$0xFFFFFEC0]  }
0x34b: {  	[tilespmem:s22+$0xFFFFFFB0] =	vst v2;
	v2 =	vmul.f32 $4.525483320e+01, v6;
	v6 =	vld [tilespmem:s22+$0xFFFFFF40]  }
0x34c: {  	[tilespmem:s22+$0x30] =	vst v3;
	v3 =	vmul.f32 $4.525483320e+01, v4;
	v4 =	vld [tilespmem:s22+$0xFFFFFFC0]  }
0x34d: {  	[tilespmem:s22+$0xB0] =	vst v2;
	v2 =	vmul.f32 $4.525483320e+01, v7;
	v7 =	vld [tilespmem:s22+$0x40]  }
0x34e: {  	[tilespmem:s22+$0x130] =	vst v3;
	v3 =	vmul.f32 $4.525483320e+01, v8;
	v8 =	vld [tilespmem:s22+$0xC0]  }
0x34f: {  	[tilespmem:s22+$0x1B0] =	vst v2;
	v2 =	vmul.f32 $4.525483320e+01, v5;
	v5 =	vld [tilespmem:s22+$0x140]  }
0x350: {  	[tilespmem:s22+$0xFFFFFE40] =	vst v3;
	v3 =	vmul.f32 $4.525483320e+01, v6;
	v6 =	vld [tilespmem:s22+$0x1C0]  }
0x351: {  	[tilespmem:s22+$0xFFFFFEC0] =	vst v2;
	v2 =	vmul.f32 $4.525483320e+01, v4;
	v4 =	vld [tilespmem:s22+$0xFFFFFE50]  }
0x352: {  	[tilespmem:s22+$0xFFFFFF40] =	vst v3;
	v3 =	vmul.f32 $4.525483320e+01, v7;
	v7 =	vld [tilespmem:s22+$0xFFFFFED0]  }
0x353: {  	[tilespmem:s22+$0xFFFFFFC0] =	vst v2;
	v2 =	vmul.f32 $4.525483320e+01, v8;
	v8 =	vld [tilespmem:s22+$0xFFFFFF50]  }
0x354: {  	[tilespmem:s22+$0x40] =	vst v3;
	v3 =	vmul.f32 $4.525483320e+01, v5;
	v5 =	vld [tilespmem:s22+$0xFFFFFFD0]  }
0x355: {  	[tilespmem:s22+$0xC0] =	vst v2;
	v2 =	vmul.f32 $4.525483320e+01, v6;
	v6 =	vld [tilespmem:s22+$0x50]  }
0x356: {  	[tilespmem:s22+$0x140] =	vst v3;
	v3 =	vmul.f32 $4.525483320e+01, v4;
	v4 =	vld [tilespmem:s22+$0xD0]  }
0x357: {  	[tilespmem:s22+$0x1C0] =	vst v2;
	v2 =	vmul.f32 $4.525483320e+01, v7;
	v7 =	vld [tilespmem:s22+$0x150]  }
0x358: {  	[tilespmem:s22+$0xFFFFFE50] =	vst v3;
	v3 =	vmul.f32 $4.525483320e+01, v8;
	v8 =	vld [tilespmem:s22+$0x1D0]  }
0x359: {  	[tilespmem:s22+$0xFFFFFED0] =	vst v2;
	v2 =	vmul.f32 $4.525483320e+01, v5;
	v5 =	vld [tilespmem:s22+$0xFFFFFE60]  }
0x35a: {  	[tilespmem:s22+$0xFFFFFF50] =	vst v3;
	v3 =	vmul.f32 $4.525483320e+01, v6;
	v6 =	vld [tilespmem:s22+$0xFFFFFEE0]  }
0x35b: {  	[tilespmem:s22+$0xFFFFFFD0] =	vst v2;
	v2 =	vmul.f32 $4.525483320e+01, v4;
	v4 =	vld [tilespmem:s22+$0xFFFFFF60]  }
0x35c: {  	[tilespmem:s22+$0x50] =	vst v3;
	v3 =	vmul.f32 $4.525483320e+01, v7;
	v7 =	vld [tilespmem:s22+$0xFFFFFFE0]  }
0x35d: {  	[tilespmem:s22+$0xD0] =	vst v2;
	v2 =	vmul.f32 $4.525483320e+01, v8;
	v8 =	vld [tilespmem:s22+$0x60]  }
0x35e: {  	[tilespmem:s22+$0x150] =	vst v3;
	v3 =	vmul.f32 $4.525483320e+01, v5;
	v5 =	vld [tilespmem:s22+$0xE0]  }
0x35f: {  	[tilespmem:s22+$0x1D0] =	vst v2;
	v2 =	vmul.f32 $4.525483320e+01, v6;
	v6 =	vld [tilespmem:s22+$0x160]  }
0x360: {  	[tilespmem:s22+$0xFFFFFE60] =	vst v3;
	v3 =	vmul.f32 $4.525483320e+01, v4;
	v4 =	vld [tilespmem:s22+$0x1E0]  }
0x361: {  	[tilespmem:s22+$0xFFFFFEE0] =	vst v2;
	v2 =	vmul.f32 $4.525483320e+01, v7;
	v7 =	vld [tilespmem:s22+$0xFFFFFE70]  }
0x362: {  	[tilespmem:s22+$0xFFFFFF60] =	vst v3;
	v3 =	vmul.f32 $4.525483320e+01, v8;
	v8 =	vld [tilespmem:s22+$0xFFFFFEF0]  }
0x363: {  	[tilespmem:s22+$0xFFFFFFE0] =	vst v2;
	v5 =	vmul.f32 $4.525483320e+01, v5;
	v9 =	vld [tilespmem:s22+$0xFFFFFF70]  }
.Ltmp5:
0x364: {  	[tilespmem:s22+$0x60] =	vst v3;
	v6 =	vmul.f32 $4.525483320e+01, v6;
	v2 =	vld [tilespmem:s22+$0xFFFFFFF0];
	(pc) =	sbr.rel @p0 .LBB2_12-.Ltmp5, $4  }
0x365: {  	[tilespmem:s22+$0xE0] =	vst v5;
	v5 =	vmul.f32 $4.525483320e+01, v4;
	v3 =	vld [tilespmem:s22+$0x70]  }
0x366: {  	[tilespmem:s22+$0x160] =	vst v6;
	v10 =	vmul.f32 $4.525483320e+01, v7;
	v4 =	vld [tilespmem:s22+$0xF0]  }
0x367: {  	[tilespmem:s22+$0x1E0] =	vst v5;
	v7 =	vmul.f32 $4.525483320e+01, v8;
	v5 =	vld [tilespmem:s22+$0x170]  }
0x368: {  	s22 =	sadd.s32 $0x400, s22;
	v6 =	vld [tilespmem:s16+$0xFFFFFE00];
	[tilespmem:s16+$0xFFFFFE70] =	vst v10;
	v8 =	vmul.f32 $4.525483320e+01, v9  }
0x369: {  	[tilespmem:s16+$0xFFFFFEF0] =	vst v7;
	v2 =	vmul.f32 $4.525483320e+01, v2  }
0x36a: {  	[tilespmem:s16+$0xFFFFFF70] =	vst v8;
	v3 =	vmul.f32 $4.525483320e+01, v3  }
0x36b: {  	[tilespmem:s16+$0xFFFFFFF0] =	vst v2;
	v2 =	vmul.f32 $4.525483320e+01, v4  }
0x36c: {  	[tilespmem:s16+$0x70] =	vst v3;
	v3 =	vmul.f32 $4.525483320e+01, v5  }
0x36d: {  	v4 =	vmul.f32 $4.525483320e+01, v6;
	[tilespmem:s16+$0xF0] =	vst v2  }
0x36e: {  	[tilespmem:s16+$0x170] =	vst v3  }
0x36f: {  	[tilespmem:s16+$0xFFFFFE00] =	vst v4  }
0x370: {  	s16 =	rddreg [dreg:$0x5]  }
0x371: {  	[hbm4b:s16+s4] =	stream.linear.scatter [tilespmem:s30], [sflag:$0x5], $0x4000, $0x38;
	[tilespmem:$0xE000] =	vst v63  }
0x372: {  	_ =	swait.ge [sflag:s0], $0x4000  }
0x373: {  	[sflag:s0] =	ssyncset.done $0x0  }
0x374: {  	[sflag:s0] =	ssyncadd.s32 $0xFFFFC000  }
0x375: {  	_ =	swait.ge [sflag:s1], $0x4000  }
0x376: {  	[sflag:s1] =	ssyncset.done $0x0  }
0x377: {  	s16 =	simm.s32 $0xA200;
	[sflag:s1] =	ssyncadd.s32 $0xFFFFC000  }
0x378: {  	v2 =	vld [tilespmem:s16+$0x1F0]  }
0x379: {  	v3 =	vld [tilespmem:s16+$0xFFFFFE80]  }
0x37a: {  	v4 =	vld [tilespmem:s16+$0xFFFFFF00]  }
0x37b: {  	v13 =	vld [tilespmem:s16+$0xFFFFFF90]  }
0x37c: {  	v10 =	vld [tilespmem:s16+$0xFFFFFE10]  }
0x37d: {  	v6 =	vld [tilespmem:s16+$0x0];
	v2 =	vmul.f32 $4.525483320e+01, v2  }
0x37e: {  	v5 =	vld [tilespmem:s16+$0xFFFFFF80];
	v3 =	vmul.f32 $4.525483320e+01, v3  }
0x37f: {  	v8 =	vld [tilespmem:s16+$0x100];
	v4 =	vmul.f32 $4.525483320e+01, v4;
	[tilespmem:s16+$0x1F0] =	vst v2  }
0x380: {  	v7 =	vld [tilespmem:s16+$0x80];
	v62 =	vmul.f32 $4.525483320e+01, v13;
	[tilespmem:s16+$0xFFFFFE80] =	vst v3  }
0x381: {  	v11 =	vld [tilespmem:s16+$0xFFFFFE90];
	v2 =	vmul.f32 $4.525483320e+01, v10;
	[tilespmem:s16+$0xFFFFFF00] =	vst v4  }
0x382: {  	v3 =	vld [tilespmem:s16+$0x110];
	v4 =	vmul.f32 $4.525483320e+01, v6;
	[tilespmem:s16+$0xFFFFFF90] =	vst v62  }
0x383: {  	v9 =	vld [tilespmem:s16+$0x180];
	[tilespmem:s16+$0xFFFFFE10] =	vst v2;
	v2 =	vmul.f32 $4.525483320e+01, v5  }
0x384: {  	v6 =	vld [tilespmem:s16+$0xFFFFFE20];
	[tilespmem:s16+$0x0] =	vst v4;
	v4 =	vmul.f32 $4.525483320e+01, v8  }
0x385: {  	v5 =	vld [tilespmem:s16+$0x190];
	[tilespmem:s16+$0xFFFFFF80] =	vst v2;
	v2 =	vmul.f32 $4.525483320e+01, v7  }
0x386: {  	v14 =	vld [tilespmem:s16+$0x10];
	[tilespmem:s16+$0x100] =	vst v4;
	v4 =	vmul.f32 $4.525483320e+01, v11  }
0x387: {  	v12 =	vld [tilespmem:s16+$0xFFFFFF10];
	v3 =	vmul.f32 $4.525483320e+01, v3;
	[tilespmem:s16+$0x80] =	vst v2  }
0x388: {  	v8 =	vld [tilespmem:s16+$0xFFFFFF20];
	v2 =	vmul.f32 $4.525483320e+01, v9;
	[tilespmem:s16+$0xFFFFFE90] =	vst v4  }
0x389: {  	v10 =	vld [tilespmem:s16+$0x90];
	v4 =	vmul.f32 $4.525483320e+01, v6;
	[tilespmem:s16+$0x110] =	vst v3  }
0x38a: {  	v7 =	vld [tilespmem:s16+$0xFFFFFEA0];
	v5 =	vmul.f32 $4.525483320e+01, v5;
	[tilespmem:s16+$0x180] =	vst v2  }
0x38b: {  	v11 =	vld [tilespmem:s16+$0x20];
	[tilespmem:s16+$0xFFFFFE20] =	vst v4;
	v4 =	vmul.f32 $4.525483320e+01, v14  }
0x38c: {  	v9 =	vld [tilespmem:s16+$0xFFFFFFA0];
	v2 =	vmul.f32 $4.525483320e+01, v12;
	[tilespmem:s16+$0x190] =	vst v5  }
0x38d: {  	v5 =	vmul.f32 $4.525483320e+01, v8;
	[tilespmem:s16+$0x10] =	vst v4;
	v4 =	vld [tilespmem:s16+$0xFFFFFE30]  }
0x38e: {  	v10 =	vmul.f32 $4.525483320e+01, v10;
	[tilespmem:s16+$0xFFFFFF10] =	vst v2;
	v2 =	vld [tilespmem:s16+$0x120]  }
0x38f: {  	v3 =	vmul.f32 $4.525483320e+01, v7;
	[tilespmem:s16+$0xFFFFFF20] =	vst v5;
	v5 =	vld [tilespmem:s16+$0xB0]  }
0x390: {  	v6 =	vld [tilespmem:s16+$0xA0];
	[tilespmem:s16+$0x90] =	vst v10;
	v11 =	vmul.f32 $4.525483320e+01, v11  }
0x391: {  	v10 =	vld [tilespmem:s16+$0xFFFFFEB0];
	[tilespmem:s16+$0xFFFFFEA0] =	vst v3;
	v3 =	vmul.f32 $4.525483320e+01, v9  }
0x392: {  	v63 =	vld [tilespmem:s16+$0x1A0];
	[tilespmem:s16+$0x20] =	vst v11;
	v4 =	vmul.f32 $4.525483320e+01, v4  }
0x393: {  	v8 =	vld [tilespmem:s16+$0xFFFFFFB0];
	[tilespmem:s16+$0xFFFFFFA0] =	vst v3;
	v2 =	vmul.f32 $4.525483320e+01, v2  }
0x394: {  	v7 =	vld [tilespmem:s16+$0xFFFFFF30];
	v5 =	vmul.f32 $4.525483320e+01, v5;
	[tilespmem:s16+$0xFFFFFE30] =	vst v4  }
0x395: {  	v11 =	vld [tilespmem:s16+$0xFFFFFE40];
	v4 =	vmul.f32 $4.525483320e+01, v6;
	[tilespmem:s16+$0x120] =	vst v2  }
0x396: {  	v9 =	vld [tilespmem:s16+$0x30];
	v2 =	vmul.f32 $4.525483320e+01, v10;
	[tilespmem:s16+$0xB0] =	vst v5  }
0x397: {  	v3 =	vld [tilespmem:s16+$0x130];
	[tilespmem:s16+$0xA0] =	vst v4;
	v4 =	vmul.f32 $4.525483320e+01, v63  }
0x398: {  	v6 =	vld [tilespmem:s16+$0x1B0];
	[tilespmem:s16+$0xFFFFFEB0] =	vst v2;
	v2 =	vmul.f32 $4.525483320e+01, v8  }
0x399: {  	v10 =	vld [tilespmem:s16+$0xFFFFFEC0];
	[tilespmem:s16+$0x1A0] =	vst v4;
	v4 =	vmul.f32 $4.525483320e+01, v7  }
0x39a: {  	v7 =	vld [tilespmem:s16+$0xFFFFFF40];
	[tilespmem:s16+$0xFFFFFFB0] =	vst v2;
	v2 =	vmul.f32 $4.525483320e+01, v11  }
0x39b: {  	v8 =	vld [tilespmem:s16+$0xFFFFFFC0];
	[tilespmem:s16+$0xFFFFFF30] =	vst v4;
	v4 =	vmul.f32 $4.525483320e+01, v9  }
0x39c: {  	v9 =	vld [tilespmem:s16+$0x40];
	[tilespmem:s16+$0xFFFFFE40] =	vst v2;
	v2 =	vmul.f32 $4.525483320e+01, v3  }
0x39d: {  	v11 =	vld [tilespmem:s16+$0xC0];
	v3 =	vmul.f32 $4.525483320e+01, v6;
	[tilespmem:s16+$0x30] =	vst v4  }
0x39e: {  	v6 =	vld [tilespmem:s16+$0xFFFFFE50];
	[tilespmem:s16+$0x130] =	vst v2;
	v2 =	vmul.f32 $4.525483320e+01, v10  }
0x39f: {  	v4 =	vld [tilespmem:s16+$0x140];
	[tilespmem:s16+$0x1B0] =	vst v3;
	v3 =	vmul.f32 $4.525483320e+01, v7  }
0x3a0: {  	v5 =	vld [tilespmem:s16+$0x1C0];
	[tilespmem:s16+$0xFFFFFEC0] =	vst v2;
	v2 =	vmul.f32 $4.525483320e+01, v8  }
0x3a1: {  	v7 =	vld [tilespmem:s16+$0xFFFFFED0];
	[tilespmem:s16+$0xFFFFFF40] =	vst v3;
	v3 =	vmul.f32 $4.525483320e+01, v9  }
0x3a2: {  	v8 =	vld [tilespmem:s16+$0xFFFFFF50];
	[tilespmem:s16+$0xFFFFFFC0] =	vst v2;
	v2 =	vmul.f32 $4.525483320e+01, v11  }
0x3a3: {  	v9 =	vld [tilespmem:s16+$0xFFFFFFD0];
	[tilespmem:s16+$0x40] =	vst v3;
	v3 =	vmul.f32 $4.525483320e+01, v6  }
0x3a4: {  	v10 =	vld [tilespmem:s16+$0x50];
	v4 =	vmul.f32 $4.525483320e+01, v4;
	[tilespmem:s16+$0xC0] =	vst v2  }
0x3a5: {  	v6 =	vld [tilespmem:s16+$0xD0];
	[tilespmem:s16+$0xFFFFFE50] =	vst v3;
	v3 =	vmul.f32 $4.525483320e+01, v5  }
0x3a6: {  	v2 =	vld [tilespmem:s16+$0x150];
	[tilespmem:s16+$0x140] =	vst v4;
	v4 =	vmul.f32 $4.525483320e+01, v7  }
0x3a7: {  	v5 =	vld [tilespmem:s16+$0x1D0];
	[tilespmem:s16+$0x1C0] =	vst v3;
	v3 =	vmul.f32 $4.525483320e+01, v8  }
0x3a8: {  	v7 =	vld [tilespmem:s16+$0xFFFFFE60];
	[tilespmem:s16+$0xFFFFFED0] =	vst v4;
	v4 =	vmul.f32 $4.525483320e+01, v9  }
0x3a9: {  	v8 =	vld [tilespmem:s16+$0xFFFFFEE0];
	[tilespmem:s16+$0xFFFFFF50] =	vst v3;
	v3 =	vmul.f32 $4.525483320e+01, v10  }
0x3aa: {  	v9 =	vld [tilespmem:s16+$0xFFFFFF60];
	[tilespmem:s16+$0xFFFFFFD0] =	vst v4;
	v4 =	vmul.f32 $4.525483320e+01, v6  }
0x3ab: {  	v6 =	vld [tilespmem:s16+$0xFFFFFFE0];
	v2 =	vmul.f32 $4.525483320e+01, v2;
	[tilespmem:s16+$0x50] =	vst v3  }
0x3ac: {  	v5 =	vmul.f32 $4.525483320e+01, v5;
	v3 =	vld [tilespmem:s16+$0x60];
	[tilespmem:s16+$0xD0] =	vst v4  }
0x3ad: {  	v4 =	vmul.f32 $4.525483320e+01, v7;
	v7 =	vld [tilespmem:s16+$0xE0];
	[tilespmem:s16+$0x150] =	vst v2  }
0x3ae: {  	v2 =	vld [tilespmem:s16+$0x160];
	v8 =	vmul.f32 $4.525483320e+01, v8;
	[tilespmem:s16+$0x1D0] =	vst v5  }
0x3af: {  	v5 =	vld [tilespmem:s16+$0x1E0];
	[tilespmem:s16+$0xFFFFFE60] =	vst v4;
	v4 =	vmul.f32 $4.525483320e+01, v9  }
0x3b0: {  	[tilespmem:s16+$0xFFFFFEE0] =	vst v8;
	v6 =	vmul.f32 $4.525483320e+01, v6;
	v8 =	vld [tilespmem:s16+$0xFFFFFE70]  }
0x3b1: {  	v9 =	vld [tilespmem:s16+$0xFFFFFEF0];
	[tilespmem:s16+$0xFFFFFF60] =	vst v4;
	v3 =	vmul.f32 $4.525483320e+01, v3  }
0x3b2: {  	v10 =	vld [tilespmem:s16+$0xFFFFFF70];
	[tilespmem:s16+$0xFFFFFFE0] =	vst v6;
	v4 =	vmul.f32 $4.525483320e+01, v7  }
0x3b3: {  	v6 =	vmul.f32 $4.525483320e+01, v2;
	v2 =	vld [tilespmem:s16+$0xFFFFFFF0];
	[tilespmem:s16+$0x60] =	vst v3  }
0x3b4: {  	v5 =	vmul.f32 $4.525483320e+01, v5;
	[tilespmem:s16+$0xE0] =	vst v4;
	v3 =	vld [tilespmem:s16+$0x70]  }
0x3b5: {  	[tilespmem:s16+$0x160] =	vst v6;
	v4 =	vld [tilespmem:s16+$0xF0];
	v8 =	vmul.f32 $4.525483320e+01, v8  }
0x3b6: {  	v7 =	vmul.f32 $4.525483320e+01, v9;
	[tilespmem:s16+$0x1E0] =	vst v5;
	v5 =	vld [tilespmem:s16+$0x170]  }
0x3b7: {  	s17 =	simm.s32 $0x0;
	s22 =	simm.s32 $0xA600;
	v6 =	vld [tilespmem:s16+$0xFFFFFE00];
	[tilespmem:s16+$0xFFFFFE70] =	vst v8;
	v8 =	vmul.f32 $4.525483320e+01, v10  }
.LBB2_14:
0x3b8: {  	v9 =	vld [tilespmem:s22+$0x1F0];
	s17 =	sadd.s32 $0x8, s17;
	[tilespmem:s16+$0xFFFFFEF0] =	vst v7;
	v2 =	vmul.f32 $4.525483320e+01, v2  }
0x3b9: {  	v7 =	vld [tilespmem:s22+$0xFFFFFE80];
	p0 =	slt.u32 s17, $0x78;
	[tilespmem:s16+$0xFFFFFF70] =	vst v8;
	v3 =	vmul.f32 $4.525483320e+01, v3  }
0x3ba: {  	v8 =	vld [tilespmem:s22+$0xFFFFFF00];
	[tilespmem:s16+$0xFFFFFFF0] =	vst v2;
	v2 =	vmul.f32 $4.525483320e+01, v4  }
0x3bb: {  	v4 =	vld [tilespmem:s22+$0xFFFFFF80];
	[tilespmem:s16+$0x70] =	vst v3;
	v3 =	vmul.f32 $4.525483320e+01, v5  }
0x3bc: {  	v5 =	vld [tilespmem:s22+$0x0];
	v6 =	vmul.f32 $4.525483320e+01, v6;
	[tilespmem:s16+$0xF0] =	vst v2  }
0x3bd: {  	v2 =	vld [tilespmem:s22+$0x80];
	v9 =	vmul.f32 $4.525483320e+01, v9;
	[tilespmem:s16+$0x170] =	vst v3  }
0x3be: {  	v3 =	vmul.f32 $4.525483320e+01, v7;
	v7 =	vld [tilespmem:s22+$0x100];
	[tilespmem:s16+$0xFFFFFE00] =	vst v6;
	s16 =	smov.u32 s22  }
0x3bf: {  	v6 =	vmul.f32 $4.525483320e+01, v8;
	v8 =	vld [tilespmem:s22+$0x180];
	[tilespmem:s22+$0x1F0] =	vst v9  }
0x3c0: {  	[tilespmem:s22+$0xFFFFFE80] =	vst v3;
	v3 =	vmul.f32 $4.525483320e+01, v4;
	v4 =	vld [tilespmem:s22+$0xFFFFFE10]  }
0x3c1: {  	[tilespmem:s22+$0xFFFFFF00] =	vst v6;
	v5 =	vmul.f32 $4.525483320e+01, v5;
	v6 =	vld [tilespmem:s22+$0xFFFFFE90]  }
0x3c2: {  	[tilespmem:s22+$0xFFFFFF80] =	vst v3;
	v2 =	vmul.f32 $4.525483320e+01, v2;
	v3 =	vld [tilespmem:s22+$0xFFFFFF10]  }
0x3c3: {  	[tilespmem:s22+$0x0] =	vst v5;
	v5 =	vmul.f32 $4.525483320e+01, v7;
	v7 =	vld [tilespmem:s22+$0xFFFFFF90]  }
0x3c4: {  	[tilespmem:s22+$0x80] =	vst v2;
	v2 =	vmul.f32 $4.525483320e+01, v8;
	v8 =	vld [tilespmem:s22+$0x10]  }
0x3c5: {  	[tilespmem:s22+$0x100] =	vst v5;
	v4 =	vmul.f32 $4.525483320e+01, v4;
	v5 =	vld [tilespmem:s22+$0x90]  }
0x3c6: {  	[tilespmem:s22+$0x180] =	vst v2;
	v2 =	vmul.f32 $4.525483320e+01, v6;
	v6 =	vld [tilespmem:s22+$0x110]  }
0x3c7: {  	[tilespmem:s22+$0xFFFFFE10] =	vst v4;
	v3 =	vmul.f32 $4.525483320e+01, v3;
	v4 =	vld [tilespmem:s22+$0x190]  }
0x3c8: {  	[tilespmem:s22+$0xFFFFFE90] =	vst v2;
	v2 =	vmul.f32 $4.525483320e+01, v7;
	v7 =	vld [tilespmem:s22+$0xFFFFFE20]  }
0x3c9: {  	[tilespmem:s22+$0xFFFFFF10] =	vst v3;
	v3 =	vmul.f32 $4.525483320e+01, v8;
	v8 =	vld [tilespmem:s22+$0xFFFFFEA0]  }
0x3ca: {  	[tilespmem:s22+$0xFFFFFF90] =	vst v2;
	v2 =	vmul.f32 $4.525483320e+01, v5;
	v5 =	vld [tilespmem:s22+$0xFFFFFF20]  }
0x3cb: {  	[tilespmem:s22+$0x10] =	vst v3;
	v3 =	vmul.f32 $4.525483320e+01, v6;
	v6 =	vld [tilespmem:s22+$0xFFFFFFA0]  }
0x3cc: {  	[tilespmem:s22+$0x90] =	vst v2;
	v2 =	vmul.f32 $4.525483320e+01, v4;
	v4 =	vld [tilespmem:s22+$0x20]  }
0x3cd: {  	[tilespmem:s22+$0x110] =	vst v3;
	v3 =	vmul.f32 $4.525483320e+01, v7;
	v7 =	vld [tilespmem:s22+$0xA0]  }
0x3ce: {  	[tilespmem:s22+$0x190] =	vst v2;
	v2 =	vmul.f32 $4.525483320e+01, v8;
	v8 =	vld [tilespmem:s22+$0x120]  }
0x3cf: {  	[tilespmem:s22+$0xFFFFFE20] =	vst v3;
	v3 =	vmul.f32 $4.525483320e+01, v5;
	v5 =	vld [tilespmem:s22+$0x1A0]  }
0x3d0: {  	[tilespmem:s22+$0xFFFFFEA0] =	vst v2;
	v2 =	vmul.f32 $4.525483320e+01, v6;
	v6 =	vld [tilespmem:s22+$0xFFFFFE30]  }
0x3d1: {  	[tilespmem:s22+$0xFFFFFF20] =	vst v3;
	v3 =	vmul.f32 $4.525483320e+01, v4;
	v4 =	vld [tilespmem:s22+$0xFFFFFEB0]  }
0x3d2: {  	[tilespmem:s22+$0xFFFFFFA0] =	vst v2;
	v2 =	vmul.f32 $4.525483320e+01, v7;
	v7 =	vld [tilespmem:s22+$0xFFFFFF30]  }
0x3d3: {  	[tilespmem:s22+$0x20] =	vst v3;
	v3 =	vmul.f32 $4.525483320e+01, v8;
	v8 =	vld [tilespmem:s22+$0xFFFFFFB0]  }
0x3d4: {  	[tilespmem:s22+$0xA0] =	vst v2;
	v2 =	vmul.f32 $4.525483320e+01, v5;
	v5 =	vld [tilespmem:s22+$0x30]  }
0x3d5: {  	[tilespmem:s22+$0x120] =	vst v3;
	v3 =	vmul.f32 $4.525483320e+01, v6;
	v6 =	vld [tilespmem:s22+$0xB0]  }
0x3d6: {  	[tilespmem:s22+$0x1A0] =	vst v2;
	v2 =	vmul.f32 $4.525483320e+01, v4;
	v4 =	vld [tilespmem:s22+$0x130]  }
0x3d7: {  	[tilespmem:s22+$0xFFFFFE30] =	vst v3;
	v3 =	vmul.f32 $4.525483320e+01, v7;
	v7 =	vld [tilespmem:s22+$0x1B0]  }
0x3d8: {  	[tilespmem:s22+$0xFFFFFEB0] =	vst v2;
	v2 =	vmul.f32 $4.525483320e+01, v8;
	v8 =	vld [tilespmem:s22+$0xFFFFFE40]  }
0x3d9: {  	[tilespmem:s22+$0xFFFFFF30] =	vst v3;
	v3 =	vmul.f32 $4.525483320e+01, v5;
	v5 =	vld [tilespmem:s22+$0xFFFFFEC0]  }
0x3da: {  	[tilespmem:s22+$0xFFFFFFB0] =	vst v2;
	v2 =	vmul.f32 $4.525483320e+01, v6;
	v6 =	vld [tilespmem:s22+$0xFFFFFF40]  }
0x3db: {  	[tilespmem:s22+$0x30] =	vst v3;
	v3 =	vmul.f32 $4.525483320e+01, v4;
	v4 =	vld [tilespmem:s22+$0xFFFFFFC0]  }
0x3dc: {  	[tilespmem:s22+$0xB0] =	vst v2;
	v2 =	vmul.f32 $4.525483320e+01, v7;
	v7 =	vld [tilespmem:s22+$0x40]  }
0x3dd: {  	[tilespmem:s22+$0x130] =	vst v3;
	v3 =	vmul.f32 $4.525483320e+01, v8;
	v8 =	vld [tilespmem:s22+$0xC0]  }
0x3de: {  	[tilespmem:s22+$0x1B0] =	vst v2;
	v2 =	vmul.f32 $4.525483320e+01, v5;
	v5 =	vld [tilespmem:s22+$0x140]  }
0x3df: {  	[tilespmem:s22+$0xFFFFFE40] =	vst v3;
	v3 =	vmul.f32 $4.525483320e+01, v6;
	v6 =	vld [tilespmem:s22+$0x1C0]  }
0x3e0: {  	[tilespmem:s22+$0xFFFFFEC0] =	vst v2;
	v2 =	vmul.f32 $4.525483320e+01, v4;
	v4 =	vld [tilespmem:s22+$0xFFFFFE50]  }
0x3e1: {  	[tilespmem:s22+$0xFFFFFF40] =	vst v3;
	v3 =	vmul.f32 $4.525483320e+01, v7;
	v7 =	vld [tilespmem:s22+$0xFFFFFED0]  }
0x3e2: {  	[tilespmem:s22+$0xFFFFFFC0] =	vst v2;
	v2 =	vmul.f32 $4.525483320e+01, v8;
	v8 =	vld [tilespmem:s22+$0xFFFFFF50]  }
0x3e3: {  	[tilespmem:s22+$0x40] =	vst v3;
	v3 =	vmul.f32 $4.525483320e+01, v5;
	v5 =	vld [tilespmem:s22+$0xFFFFFFD0]  }
0x3e4: {  	[tilespmem:s22+$0xC0] =	vst v2;
	v2 =	vmul.f32 $4.525483320e+01, v6;
	v6 =	vld [tilespmem:s22+$0x50]  }
0x3e5: {  	[tilespmem:s22+$0x140] =	vst v3;
	v3 =	vmul.f32 $4.525483320e+01, v4;
	v4 =	vld [tilespmem:s22+$0xD0]  }
0x3e6: {  	[tilespmem:s22+$0x1C0] =	vst v2;
	v2 =	vmul.f32 $4.525483320e+01, v7;
	v7 =	vld [tilespmem:s22+$0x150]  }
0x3e7: {  	[tilespmem:s22+$0xFFFFFE50] =	vst v3;
	v3 =	vmul.f32 $4.525483320e+01, v8;
	v8 =	vld [tilespmem:s22+$0x1D0]  }
0x3e8: {  	[tilespmem:s22+$0xFFFFFED0] =	vst v2;
	v2 =	vmul.f32 $4.525483320e+01, v5;
	v5 =	vld [tilespmem:s22+$0xFFFFFE60]  }
0x3e9: {  	[tilespmem:s22+$0xFFFFFF50] =	vst v3;
	v3 =	vmul.f32 $4.525483320e+01, v6;
	v6 =	vld [tilespmem:s22+$0xFFFFFEE0]  }
0x3ea: {  	[tilespmem:s22+$0xFFFFFFD0] =	vst v2;
	v2 =	vmul.f32 $4.525483320e+01, v4;
	v4 =	vld [tilespmem:s22+$0xFFFFFF60]  }
0x3eb: {  	[tilespmem:s22+$0x50] =	vst v3;
	v3 =	vmul.f32 $4.525483320e+01, v7;
	v7 =	vld [tilespmem:s22+$0xFFFFFFE0]  }
0x3ec: {  	[tilespmem:s22+$0xD0] =	vst v2;
	v2 =	vmul.f32 $4.525483320e+01, v8;
	v8 =	vld [tilespmem:s22+$0x60]  }
0x3ed: {  	[tilespmem:s22+$0x150] =	vst v3;
	v3 =	vmul.f32 $4.525483320e+01, v5;
	v5 =	vld [tilespmem:s22+$0xE0]  }
0x3ee: {  	[tilespmem:s22+$0x1D0] =	vst v2;
	v2 =	vmul.f32 $4.525483320e+01, v6;
	v6 =	vld [tilespmem:s22+$0x160]  }
0x3ef: {  	[tilespmem:s22+$0xFFFFFE60] =	vst v3;
	v3 =	vmul.f32 $4.525483320e+01, v4;
	v4 =	vld [tilespmem:s22+$0x1E0]  }
0x3f0: {  	[tilespmem:s22+$0xFFFFFEE0] =	vst v2;
	v2 =	vmul.f32 $4.525483320e+01, v7;
	v7 =	vld [tilespmem:s22+$0xFFFFFE70]  }
0x3f1: {  	[tilespmem:s22+$0xFFFFFF60] =	vst v3;
	v3 =	vmul.f32 $4.525483320e+01, v8;
	v8 =	vld [tilespmem:s22+$0xFFFFFEF0]  }
0x3f2: {  	[tilespmem:s22+$0xFFFFFFE0] =	vst v2;
	v5 =	vmul.f32 $4.525483320e+01, v5;
	v9 =	vld [tilespmem:s22+$0xFFFFFF70]  }
.Ltmp6:
0x3f3: {  	[tilespmem:s22+$0x60] =	vst v3;
	v6 =	vmul.f32 $4.525483320e+01, v6;
	v2 =	vld [tilespmem:s22+$0xFFFFFFF0];
	(pc) =	sbr.rel @p0 .LBB2_14-.Ltmp6, $4  }
0x3f4: {  	[tilespmem:s22+$0xE0] =	vst v5;
	v5 =	vmul.f32 $4.525483320e+01, v4;
	v3 =	vld [tilespmem:s22+$0x70]  }
0x3f5: {  	[tilespmem:s22+$0x160] =	vst v6;
	v10 =	vmul.f32 $4.525483320e+01, v7;
	v4 =	vld [tilespmem:s22+$0xF0]  }
0x3f6: {  	[tilespmem:s22+$0x1E0] =	vst v5;
	v7 =	vmul.f32 $4.525483320e+01, v8;
	v5 =	vld [tilespmem:s22+$0x170]  }
0x3f7: {  	s22 =	sadd.s32 $0x400, s22;
	v6 =	vld [tilespmem:s16+$0xFFFFFE00];
	[tilespmem:s16+$0xFFFFFE70] =	vst v10;
	v8 =	vmul.f32 $4.525483320e+01, v9  }
0x3f8: {  	[tilespmem:s16+$0xFFFFFEF0] =	vst v7;
	v2 =	vmul.f32 $4.525483320e+01, v2  }
0x3f9: {  	[tilespmem:s16+$0xFFFFFF70] =	vst v8;
	v3 =	vmul.f32 $4.525483320e+01, v3  }
0x3fa: {  	[tilespmem:s16+$0xFFFFFFF0] =	vst v2;
	v2 =	vmul.f32 $4.525483320e+01, v4  }
0x3fb: {  	[tilespmem:s16+$0x70] =	vst v3;
	v3 =	vmul.f32 $4.525483320e+01, v5  }
0x3fc: {  	v4 =	vmul.f32 $4.525483320e+01, v6;
	[tilespmem:s16+$0xF0] =	vst v2  }
0x3fd: {  	[tilespmem:s16+$0x170] =	vst v3  }
0x3fe: {  	[tilespmem:s16+$0xFFFFFE00] =	vst v4  }
0x3ff: {  	s16 =	rddreg [dreg:$0x6]  }
0x400: {  	[hbm4b:s16+s4] =	stream.linear.scatter [tilespmem:s19], [sflag:$0x6], $0x4000, $0x38;
	[tilespmem:$0xE000] =	vst v63  }
0x401: {  	_ =	swait.ge [sflag:s5], $0x4000  }
0x402: {  	[sflag:s5] =	ssyncset.done $0x0  }
0x403: {  	[sflag:s5] =	ssyncadd.s32 $0xFFFFC000  }
0x404: {  	_ =	swait.ge [sflag:s18], $0x4000  }
0x405: {  	[sflag:s18] =	ssyncset.done $0x0  }
0x406: {  	s16 =	simm.s32 $0x2200;
	[sflag:s18] =	ssyncadd.s32 $0xFFFFC000  }
0x407: {  	v2 =	vld [tilespmem:s16+$0x1F0]  }
0x408: {  	v3 =	vld [tilespmem:s16+$0xFFFFFE80]  }
0x409: {  	v4 =	vld [tilespmem:s16+$0xFFFFFF00]  }
0x40a: {  	v13 =	vld [tilespmem:s16+$0xFFFFFF90]  }
0x40b: {  	v10 =	vld [tilespmem:s16+$0xFFFFFE10]  }
0x40c: {  	v6 =	vld [tilespmem:s16+$0x0];
	v2 =	vmul.f32 $4.525483320e+01, v2  }
0x40d: {  	v5 =	vld [tilespmem:s16+$0xFFFFFF80];
	v3 =	vmul.f32 $4.525483320e+01, v3  }
0x40e: {  	v8 =	vld [tilespmem:s16+$0x100];
	v4 =	vmul.f32 $4.525483320e+01, v4;
	[tilespmem:s16+$0x1F0] =	vst v2  }
0x40f: {  	v7 =	vld [tilespmem:s16+$0x80];
	v62 =	vmul.f32 $4.525483320e+01, v13;
	[tilespmem:s16+$0xFFFFFE80] =	vst v3  }
0x410: {  	v11 =	vld [tilespmem:s16+$0xFFFFFE90];
	v2 =	vmul.f32 $4.525483320e+01, v10;
	[tilespmem:s16+$0xFFFFFF00] =	vst v4  }
0x411: {  	v3 =	vld [tilespmem:s16+$0x110];
	v4 =	vmul.f32 $4.525483320e+01, v6;
	[tilespmem:s16+$0xFFFFFF90] =	vst v62  }
0x412: {  	v9 =	vld [tilespmem:s16+$0x180];
	[tilespmem:s16+$0xFFFFFE10] =	vst v2;
	v2 =	vmul.f32 $4.525483320e+01, v5  }
0x413: {  	v6 =	vld [tilespmem:s16+$0xFFFFFE20];
	[tilespmem:s16+$0x0] =	vst v4;
	v4 =	vmul.f32 $4.525483320e+01, v8  }
0x414: {  	v5 =	vld [tilespmem:s16+$0x190];
	[tilespmem:s16+$0xFFFFFF80] =	vst v2;
	v2 =	vmul.f32 $4.525483320e+01, v7  }
0x415: {  	v14 =	vld [tilespmem:s16+$0x10];
	[tilespmem:s16+$0x100] =	vst v4;
	v4 =	vmul.f32 $4.525483320e+01, v11  }
0x416: {  	v12 =	vld [tilespmem:s16+$0xFFFFFF10];
	v3 =	vmul.f32 $4.525483320e+01, v3;
	[tilespmem:s16+$0x80] =	vst v2  }
0x417: {  	v8 =	vld [tilespmem:s16+$0xFFFFFF20];
	v2 =	vmul.f32 $4.525483320e+01, v9;
	[tilespmem:s16+$0xFFFFFE90] =	vst v4  }
0x418: {  	v10 =	vld [tilespmem:s16+$0x90];
	v4 =	vmul.f32 $4.525483320e+01, v6;
	[tilespmem:s16+$0x110] =	vst v3  }
0x419: {  	v7 =	vld [tilespmem:s16+$0xFFFFFEA0];
	v5 =	vmul.f32 $4.525483320e+01, v5;
	[tilespmem:s16+$0x180] =	vst v2  }
0x41a: {  	v11 =	vld [tilespmem:s16+$0x20];
	[tilespmem:s16+$0xFFFFFE20] =	vst v4;
	v4 =	vmul.f32 $4.525483320e+01, v14  }
0x41b: {  	v9 =	vld [tilespmem:s16+$0xFFFFFFA0];
	v2 =	vmul.f32 $4.525483320e+01, v12;
	[tilespmem:s16+$0x190] =	vst v5  }
0x41c: {  	v5 =	vmul.f32 $4.525483320e+01, v8;
	[tilespmem:s16+$0x10] =	vst v4;
	v4 =	vld [tilespmem:s16+$0xFFFFFE30]  }
0x41d: {  	v10 =	vmul.f32 $4.525483320e+01, v10;
	[tilespmem:s16+$0xFFFFFF10] =	vst v2;
	v2 =	vld [tilespmem:s16+$0x120]  }
0x41e: {  	v3 =	vmul.f32 $4.525483320e+01, v7;
	[tilespmem:s16+$0xFFFFFF20] =	vst v5;
	v5 =	vld [tilespmem:s16+$0xB0]  }
0x41f: {  	v6 =	vld [tilespmem:s16+$0xA0];
	[tilespmem:s16+$0x90] =	vst v10;
	v11 =	vmul.f32 $4.525483320e+01, v11  }
0x420: {  	v10 =	vld [tilespmem:s16+$0xFFFFFEB0];
	[tilespmem:s16+$0xFFFFFEA0] =	vst v3;
	v3 =	vmul.f32 $4.525483320e+01, v9  }
0x421: {  	v63 =	vld [tilespmem:s16+$0x1A0];
	[tilespmem:s16+$0x20] =	vst v11;
	v4 =	vmul.f32 $4.525483320e+01, v4  }
0x422: {  	v8 =	vld [tilespmem:s16+$0xFFFFFFB0];
	[tilespmem:s16+$0xFFFFFFA0] =	vst v3;
	v2 =	vmul.f32 $4.525483320e+01, v2  }
0x423: {  	v7 =	vld [tilespmem:s16+$0xFFFFFF30];
	v5 =	vmul.f32 $4.525483320e+01, v5;
	[tilespmem:s16+$0xFFFFFE30] =	vst v4  }
0x424: {  	v11 =	vld [tilespmem:s16+$0xFFFFFE40];
	v4 =	vmul.f32 $4.525483320e+01, v6;
	[tilespmem:s16+$0x120] =	vst v2  }
0x425: {  	v9 =	vld [tilespmem:s16+$0x30];
	v2 =	vmul.f32 $4.525483320e+01, v10;
	[tilespmem:s16+$0xB0] =	vst v5  }
0x426: {  	v3 =	vld [tilespmem:s16+$0x130];
	[tilespmem:s16+$0xA0] =	vst v4;
	v4 =	vmul.f32 $4.525483320e+01, v63  }
0x427: {  	v6 =	vld [tilespmem:s16+$0x1B0];
	[tilespmem:s16+$0xFFFFFEB0] =	vst v2;
	v2 =	vmul.f32 $4.525483320e+01, v8  }
0x428: {  	v10 =	vld [tilespmem:s16+$0xFFFFFEC0];
	[tilespmem:s16+$0x1A0] =	vst v4;
	v4 =	vmul.f32 $4.525483320e+01, v7  }
0x429: {  	v7 =	vld [tilespmem:s16+$0xFFFFFF40];
	[tilespmem:s16+$0xFFFFFFB0] =	vst v2;
	v2 =	vmul.f32 $4.525483320e+01, v11  }
0x42a: {  	v8 =	vld [tilespmem:s16+$0xFFFFFFC0];
	[tilespmem:s16+$0xFFFFFF30] =	vst v4;
	v4 =	vmul.f32 $4.525483320e+01, v9  }
0x42b: {  	v9 =	vld [tilespmem:s16+$0x40];
	[tilespmem:s16+$0xFFFFFE40] =	vst v2;
	v2 =	vmul.f32 $4.525483320e+01, v3  }
0x42c: {  	v11 =	vld [tilespmem:s16+$0xC0];
	v3 =	vmul.f32 $4.525483320e+01, v6;
	[tilespmem:s16+$0x30] =	vst v4  }
0x42d: {  	v6 =	vld [tilespmem:s16+$0xFFFFFE50];
	[tilespmem:s16+$0x130] =	vst v2;
	v2 =	vmul.f32 $4.525483320e+01, v10  }
0x42e: {  	v4 =	vld [tilespmem:s16+$0x140];
	[tilespmem:s16+$0x1B0] =	vst v3;
	v3 =	vmul.f32 $4.525483320e+01, v7  }
0x42f: {  	v5 =	vld [tilespmem:s16+$0x1C0];
	[tilespmem:s16+$0xFFFFFEC0] =	vst v2;
	v2 =	vmul.f32 $4.525483320e+01, v8  }
0x430: {  	v7 =	vld [tilespmem:s16+$0xFFFFFED0];
	[tilespmem:s16+$0xFFFFFF40] =	vst v3;
	v3 =	vmul.f32 $4.525483320e+01, v9  }
0x431: {  	v8 =	vld [tilespmem:s16+$0xFFFFFF50];
	[tilespmem:s16+$0xFFFFFFC0] =	vst v2;
	v2 =	vmul.f32 $4.525483320e+01, v11  }
0x432: {  	v9 =	vld [tilespmem:s16+$0xFFFFFFD0];
	[tilespmem:s16+$0x40] =	vst v3;
	v3 =	vmul.f32 $4.525483320e+01, v6  }
0x433: {  	v10 =	vld [tilespmem:s16+$0x50];
	v4 =	vmul.f32 $4.525483320e+01, v4;
	[tilespmem:s16+$0xC0] =	vst v2  }
0x434: {  	v6 =	vld [tilespmem:s16+$0xD0];
	[tilespmem:s16+$0xFFFFFE50] =	vst v3;
	v3 =	vmul.f32 $4.525483320e+01, v5  }
0x435: {  	v2 =	vld [tilespmem:s16+$0x150];
	[tilespmem:s16+$0x140] =	vst v4;
	v4 =	vmul.f32 $4.525483320e+01, v7  }
0x436: {  	v5 =	vld [tilespmem:s16+$0x1D0];
	[tilespmem:s16+$0x1C0] =	vst v3;
	v3 =	vmul.f32 $4.525483320e+01, v8  }
0x437: {  	v7 =	vld [tilespmem:s16+$0xFFFFFE60];
	[tilespmem:s16+$0xFFFFFED0] =	vst v4;
	v4 =	vmul.f32 $4.525483320e+01, v9  }
0x438: {  	v8 =	vld [tilespmem:s16+$0xFFFFFEE0];
	[tilespmem:s16+$0xFFFFFF50] =	vst v3;
	v3 =	vmul.f32 $4.525483320e+01, v10  }
0x439: {  	v9 =	vld [tilespmem:s16+$0xFFFFFF60];
	[tilespmem:s16+$0xFFFFFFD0] =	vst v4;
	v4 =	vmul.f32 $4.525483320e+01, v6  }
0x43a: {  	v6 =	vld [tilespmem:s16+$0xFFFFFFE0];
	v2 =	vmul.f32 $4.525483320e+01, v2;
	[tilespmem:s16+$0x50] =	vst v3  }
0x43b: {  	v5 =	vmul.f32 $4.525483320e+01, v5;
	v3 =	vld [tilespmem:s16+$0x60];
	[tilespmem:s16+$0xD0] =	vst v4  }
0x43c: {  	v4 =	vmul.f32 $4.525483320e+01, v7;
	v7 =	vld [tilespmem:s16+$0xE0];
	[tilespmem:s16+$0x150] =	vst v2  }
0x43d: {  	v2 =	vld [tilespmem:s16+$0x160];
	v8 =	vmul.f32 $4.525483320e+01, v8;
	[tilespmem:s16+$0x1D0] =	vst v5  }
0x43e: {  	v5 =	vld [tilespmem:s16+$0x1E0];
	[tilespmem:s16+$0xFFFFFE60] =	vst v4;
	v4 =	vmul.f32 $4.525483320e+01, v9  }
0x43f: {  	[tilespmem:s16+$0xFFFFFEE0] =	vst v8;
	v6 =	vmul.f32 $4.525483320e+01, v6;
	v8 =	vld [tilespmem:s16+$0xFFFFFE70]  }
0x440: {  	v9 =	vld [tilespmem:s16+$0xFFFFFEF0];
	[tilespmem:s16+$0xFFFFFF60] =	vst v4;
	v3 =	vmul.f32 $4.525483320e+01, v3  }
0x441: {  	v10 =	vld [tilespmem:s16+$0xFFFFFF70];
	[tilespmem:s16+$0xFFFFFFE0] =	vst v6;
	v4 =	vmul.f32 $4.525483320e+01, v7  }
0x442: {  	v6 =	vmul.f32 $4.525483320e+01, v2;
	v2 =	vld [tilespmem:s16+$0xFFFFFFF0];
	[tilespmem:s16+$0x60] =	vst v3  }
0x443: {  	v5 =	vmul.f32 $4.525483320e+01, v5;
	[tilespmem:s16+$0xE0] =	vst v4;
	v3 =	vld [tilespmem:s16+$0x70]  }
0x444: {  	[tilespmem:s16+$0x160] =	vst v6;
	v4 =	vld [tilespmem:s16+$0xF0];
	v8 =	vmul.f32 $4.525483320e+01, v8  }
0x445: {  	v7 =	vmul.f32 $4.525483320e+01, v9;
	[tilespmem:s16+$0x1E0] =	vst v5;
	v5 =	vld [tilespmem:s16+$0x170]  }
0x446: {  	s17 =	simm.s32 $0x0;
	s22 =	simm.s32 $0x2600;
	v6 =	vld [tilespmem:s16+$0xFFFFFE00];
	[tilespmem:s16+$0xFFFFFE70] =	vst v8;
	v8 =	vmul.f32 $4.525483320e+01, v10  }
.LBB2_16:
0x447: {  	v9 =	vld [tilespmem:s22+$0x1F0];
	s17 =	sadd.s32 $0x8, s17;
	[tilespmem:s16+$0xFFFFFEF0] =	vst v7;
	v2 =	vmul.f32 $4.525483320e+01, v2  }
0x448: {  	v7 =	vld [tilespmem:s22+$0xFFFFFE80];
	p0 =	slt.u32 s17, $0x78;
	[tilespmem:s16+$0xFFFFFF70] =	vst v8;
	v3 =	vmul.f32 $4.525483320e+01, v3  }
0x449: {  	v8 =	vld [tilespmem:s22+$0xFFFFFF00];
	[tilespmem:s16+$0xFFFFFFF0] =	vst v2;
	v2 =	vmul.f32 $4.525483320e+01, v4  }
0x44a: {  	v4 =	vld [tilespmem:s22+$0xFFFFFF80];
	[tilespmem:s16+$0x70] =	vst v3;
	v3 =	vmul.f32 $4.525483320e+01, v5  }
0x44b: {  	v5 =	vld [tilespmem:s22+$0x0];
	v6 =	vmul.f32 $4.525483320e+01, v6;
	[tilespmem:s16+$0xF0] =	vst v2  }
0x44c: {  	v2 =	vld [tilespmem:s22+$0x80];
	v9 =	vmul.f32 $4.525483320e+01, v9;
	[tilespmem:s16+$0x170] =	vst v3  }
0x44d: {  	v3 =	vmul.f32 $4.525483320e+01, v7;
	v7 =	vld [tilespmem:s22+$0x100];
	[tilespmem:s16+$0xFFFFFE00] =	vst v6;
	s16 =	smov.u32 s22  }
0x44e: {  	v6 =	vmul.f32 $4.525483320e+01, v8;
	v8 =	vld [tilespmem:s22+$0x180];
	[tilespmem:s22+$0x1F0] =	vst v9  }
0x44f: {  	[tilespmem:s22+$0xFFFFFE80] =	vst v3;
	v3 =	vmul.f32 $4.525483320e+01, v4;
	v4 =	vld [tilespmem:s22+$0xFFFFFE10]  }
0x450: {  	[tilespmem:s22+$0xFFFFFF00] =	vst v6;
	v5 =	vmul.f32 $4.525483320e+01, v5;
	v6 =	vld [tilespmem:s22+$0xFFFFFE90]  }
0x451: {  	[tilespmem:s22+$0xFFFFFF80] =	vst v3;
	v2 =	vmul.f32 $4.525483320e+01, v2;
	v3 =	vld [tilespmem:s22+$0xFFFFFF10]  }
0x452: {  	[tilespmem:s22+$0x0] =	vst v5;
	v5 =	vmul.f32 $4.525483320e+01, v7;
	v7 =	vld [tilespmem:s22+$0xFFFFFF90]  }
0x453: {  	[tilespmem:s22+$0x80] =	vst v2;
	v2 =	vmul.f32 $4.525483320e+01, v8;
	v8 =	vld [tilespmem:s22+$0x10]  }
0x454: {  	[tilespmem:s22+$0x100] =	vst v5;
	v4 =	vmul.f32 $4.525483320e+01, v4;
	v5 =	vld [tilespmem:s22+$0x90]  }
0x455: {  	[tilespmem:s22+$0x180] =	vst v2;
	v2 =	vmul.f32 $4.525483320e+01, v6;
	v6 =	vld [tilespmem:s22+$0x110]  }
0x456: {  	[tilespmem:s22+$0xFFFFFE10] =	vst v4;
	v3 =	vmul.f32 $4.525483320e+01, v3;
	v4 =	vld [tilespmem:s22+$0x190]  }
0x457: {  	[tilespmem:s22+$0xFFFFFE90] =	vst v2;
	v2 =	vmul.f32 $4.525483320e+01, v7;
	v7 =	vld [tilespmem:s22+$0xFFFFFE20]  }
0x458: {  	[tilespmem:s22+$0xFFFFFF10] =	vst v3;
	v3 =	vmul.f32 $4.525483320e+01, v8;
	v8 =	vld [tilespmem:s22+$0xFFFFFEA0]  }
0x459: {  	[tilespmem:s22+$0xFFFFFF90] =	vst v2;
	v2 =	vmul.f32 $4.525483320e+01, v5;
	v5 =	vld [tilespmem:s22+$0xFFFFFF20]  }
0x45a: {  	[tilespmem:s22+$0x10] =	vst v3;
	v3 =	vmul.f32 $4.525483320e+01, v6;
	v6 =	vld [tilespmem:s22+$0xFFFFFFA0]  }
0x45b: {  	[tilespmem:s22+$0x90] =	vst v2;
	v2 =	vmul.f32 $4.525483320e+01, v4;
	v4 =	vld [tilespmem:s22+$0x20]  }
0x45c: {  	[tilespmem:s22+$0x110] =	vst v3;
	v3 =	vmul.f32 $4.525483320e+01, v7;
	v7 =	vld [tilespmem:s22+$0xA0]  }
0x45d: {  	[tilespmem:s22+$0x190] =	vst v2;
	v2 =	vmul.f32 $4.525483320e+01, v8;
	v8 =	vld [tilespmem:s22+$0x120]  }
0x45e: {  	[tilespmem:s22+$0xFFFFFE20] =	vst v3;
	v3 =	vmul.f32 $4.525483320e+01, v5;
	v5 =	vld [tilespmem:s22+$0x1A0]  }
0x45f: {  	[tilespmem:s22+$0xFFFFFEA0] =	vst v2;
	v2 =	vmul.f32 $4.525483320e+01, v6;
	v6 =	vld [tilespmem:s22+$0xFFFFFE30]  }
0x460: {  	[tilespmem:s22+$0xFFFFFF20] =	vst v3;
	v3 =	vmul.f32 $4.525483320e+01, v4;
	v4 =	vld [tilespmem:s22+$0xFFFFFEB0]  }
0x461: {  	[tilespmem:s22+$0xFFFFFFA0] =	vst v2;
	v2 =	vmul.f32 $4.525483320e+01, v7;
	v7 =	vld [tilespmem:s22+$0xFFFFFF30]  }
0x462: {  	[tilespmem:s22+$0x20] =	vst v3;
	v3 =	vmul.f32 $4.525483320e+01, v8;
	v8 =	vld [tilespmem:s22+$0xFFFFFFB0]  }
0x463: {  	[tilespmem:s22+$0xA0] =	vst v2;
	v2 =	vmul.f32 $4.525483320e+01, v5;
	v5 =	vld [tilespmem:s22+$0x30]  }
0x464: {  	[tilespmem:s22+$0x120] =	vst v3;
	v3 =	vmul.f32 $4.525483320e+01, v6;
	v6 =	vld [tilespmem:s22+$0xB0]  }
0x465: {  	[tilespmem:s22+$0x1A0] =	vst v2;
	v2 =	vmul.f32 $4.525483320e+01, v4;
	v4 =	vld [tilespmem:s22+$0x130]  }
0x466: {  	[tilespmem:s22+$0xFFFFFE30] =	vst v3;
	v3 =	vmul.f32 $4.525483320e+01, v7;
	v7 =	vld [tilespmem:s22+$0x1B0]  }
0x467: {  	[tilespmem:s22+$0xFFFFFEB0] =	vst v2;
	v2 =	vmul.f32 $4.525483320e+01, v8;
	v8 =	vld [tilespmem:s22+$0xFFFFFE40]  }
0x468: {  	[tilespmem:s22+$0xFFFFFF30] =	vst v3;
	v3 =	vmul.f32 $4.525483320e+01, v5;
	v5 =	vld [tilespmem:s22+$0xFFFFFEC0]  }
0x469: {  	[tilespmem:s22+$0xFFFFFFB0] =	vst v2;
	v2 =	vmul.f32 $4.525483320e+01, v6;
	v6 =	vld [tilespmem:s22+$0xFFFFFF40]  }
0x46a: {  	[tilespmem:s22+$0x30] =	vst v3;
	v3 =	vmul.f32 $4.525483320e+01, v4;
	v4 =	vld [tilespmem:s22+$0xFFFFFFC0]  }
0x46b: {  	[tilespmem:s22+$0xB0] =	vst v2;
	v2 =	vmul.f32 $4.525483320e+01, v7;
	v7 =	vld [tilespmem:s22+$0x40]  }
0x46c: {  	[tilespmem:s22+$0x130] =	vst v3;
	v3 =	vmul.f32 $4.525483320e+01, v8;
	v8 =	vld [tilespmem:s22+$0xC0]  }
0x46d: {  	[tilespmem:s22+$0x1B0] =	vst v2;
	v2 =	vmul.f32 $4.525483320e+01, v5;
	v5 =	vld [tilespmem:s22+$0x140]  }
0x46e: {  	[tilespmem:s22+$0xFFFFFE40] =	vst v3;
	v3 =	vmul.f32 $4.525483320e+01, v6;
	v6 =	vld [tilespmem:s22+$0x1C0]  }
0x46f: {  	[tilespmem:s22+$0xFFFFFEC0] =	vst v2;
	v2 =	vmul.f32 $4.525483320e+01, v4;
	v4 =	vld [tilespmem:s22+$0xFFFFFE50]  }
0x470: {  	[tilespmem:s22+$0xFFFFFF40] =	vst v3;
	v3 =	vmul.f32 $4.525483320e+01, v7;
	v7 =	vld [tilespmem:s22+$0xFFFFFED0]  }
0x471: {  	[tilespmem:s22+$0xFFFFFFC0] =	vst v2;
	v2 =	vmul.f32 $4.525483320e+01, v8;
	v8 =	vld [tilespmem:s22+$0xFFFFFF50]  }
0x472: {  	[tilespmem:s22+$0x40] =	vst v3;
	v3 =	vmul.f32 $4.525483320e+01, v5;
	v5 =	vld [tilespmem:s22+$0xFFFFFFD0]  }
0x473: {  	[tilespmem:s22+$0xC0] =	vst v2;
	v2 =	vmul.f32 $4.525483320e+01, v6;
	v6 =	vld [tilespmem:s22+$0x50]  }
0x474: {  	[tilespmem:s22+$0x140] =	vst v3;
	v3 =	vmul.f32 $4.525483320e+01, v4;
	v4 =	vld [tilespmem:s22+$0xD0]  }
0x475: {  	[tilespmem:s22+$0x1C0] =	vst v2;
	v2 =	vmul.f32 $4.525483320e+01, v7;
	v7 =	vld [tilespmem:s22+$0x150]  }
0x476: {  	[tilespmem:s22+$0xFFFFFE50] =	vst v3;
	v3 =	vmul.f32 $4.525483320e+01, v8;
	v8 =	vld [tilespmem:s22+$0x1D0]  }
0x477: {  	[tilespmem:s22+$0xFFFFFED0] =	vst v2;
	v2 =	vmul.f32 $4.525483320e+01, v5;
	v5 =	vld [tilespmem:s22+$0xFFFFFE60]  }
0x478: {  	[tilespmem:s22+$0xFFFFFF50] =	vst v3;
	v3 =	vmul.f32 $4.525483320e+01, v6;
	v6 =	vld [tilespmem:s22+$0xFFFFFEE0]  }
0x479: {  	[tilespmem:s22+$0xFFFFFFD0] =	vst v2;
	v2 =	vmul.f32 $4.525483320e+01, v4;
	v4 =	vld [tilespmem:s22+$0xFFFFFF60]  }
0x47a: {  	[tilespmem:s22+$0x50] =	vst v3;
	v3 =	vmul.f32 $4.525483320e+01, v7;
	v7 =	vld [tilespmem:s22+$0xFFFFFFE0]  }
0x47b: {  	[tilespmem:s22+$0xD0] =	vst v2;
	v2 =	vmul.f32 $4.525483320e+01, v8;
	v8 =	vld [tilespmem:s22+$0x60]  }
0x47c: {  	[tilespmem:s22+$0x150] =	vst v3;
	v3 =	vmul.f32 $4.525483320e+01, v5;
	v5 =	vld [tilespmem:s22+$0xE0]  }
0x47d: {  	[tilespmem:s22+$0x1D0] =	vst v2;
	v2 =	vmul.f32 $4.525483320e+01, v6;
	v6 =	vld [tilespmem:s22+$0x160]  }
0x47e: {  	[tilespmem:s22+$0xFFFFFE60] =	vst v3;
	v3 =	vmul.f32 $4.525483320e+01, v4;
	v4 =	vld [tilespmem:s22+$0x1E0]  }
0x47f: {  	[tilespmem:s22+$0xFFFFFEE0] =	vst v2;
	v2 =	vmul.f32 $4.525483320e+01, v7;
	v7 =	vld [tilespmem:s22+$0xFFFFFE70]  }
0x480: {  	[tilespmem:s22+$0xFFFFFF60] =	vst v3;
	v3 =	vmul.f32 $4.525483320e+01, v8;
	v8 =	vld [tilespmem:s22+$0xFFFFFEF0]  }
0x481: {  	[tilespmem:s22+$0xFFFFFFE0] =	vst v2;
	v5 =	vmul.f32 $4.525483320e+01, v5;
	v9 =	vld [tilespmem:s22+$0xFFFFFF70]  }
.Ltmp7:
0x482: {  	[tilespmem:s22+$0x60] =	vst v3;
	v6 =	vmul.f32 $4.525483320e+01, v6;
	v2 =	vld [tilespmem:s22+$0xFFFFFFF0];
	(pc) =	sbr.rel @p0 .LBB2_16-.Ltmp7, $4  }
0x483: {  	[tilespmem:s22+$0xE0] =	vst v5;
	v5 =	vmul.f32 $4.525483320e+01, v4;
	v3 =	vld [tilespmem:s22+$0x70]  }
0x484: {  	[tilespmem:s22+$0x160] =	vst v6;
	v10 =	vmul.f32 $4.525483320e+01, v7;
	v4 =	vld [tilespmem:s22+$0xF0]  }
0x485: {  	[tilespmem:s22+$0x1E0] =	vst v5;
	v7 =	vmul.f32 $4.525483320e+01, v8;
	v5 =	vld [tilespmem:s22+$0x170]  }
0x486: {  	s22 =	sadd.s32 $0x400, s22;
	v6 =	vld [tilespmem:s16+$0xFFFFFE00];
	[tilespmem:s16+$0xFFFFFE70] =	vst v10;
	v8 =	vmul.f32 $4.525483320e+01, v9  }
0x487: {  	[tilespmem:s16+$0xFFFFFEF0] =	vst v7;
	v2 =	vmul.f32 $4.525483320e+01, v2  }
0x488: {  	[tilespmem:s16+$0xFFFFFF70] =	vst v8;
	v3 =	vmul.f32 $4.525483320e+01, v3  }
0x489: {  	[tilespmem:s16+$0xFFFFFFF0] =	vst v2;
	v2 =	vmul.f32 $4.525483320e+01, v4  }
0x48a: {  	[tilespmem:s16+$0x70] =	vst v3;
	v3 =	vmul.f32 $4.525483320e+01, v5  }
0x48b: {  	v63 =	vmul.f32 $4.525483320e+01, v6;
	[tilespmem:s16+$0xF0] =	vst v2  }
0x48c: {  	[tilespmem:s16+$0x170] =	vst v3  }
0x48d: {  	[tilespmem:s16+$0xFFFFFE00] =	vst v63  }
0x48e: {  	s16 =	rddreg [dreg:$0x7]  }
0x48f: {  	[hbm4b:s16+s4] =	stream.linear.scatter [tilespmem:s21], [sflag:$0x4], $0x4000, $0x38;
	[tilespmem:$0xE000] =	vst v63  }
0x490: {  	_ =	swait.ge [sflag:s20], $0x4000  }
0x491: {  	s17 =	rddreg [dreg:$0x9]  }
0x492: {  	s26 =	rddreg [dreg:$0x8];
	s17 =	sadd.s32 $0x1, s17  }
0x493: {  	p0 =	sne.s32 s17, s26  }
.Ltmp8:
0x494: {  	_ = 	snop;
	(pc) =	sbr.rel @p0 .LBB2_1-.Ltmp8, $3  }
0x495: {  	_ =	sdelay $0x1  }
0x496: {  	[sflag:s20] =	ssyncset.done $0x0  }
0x497: {  	[sflag:s20] =	ssyncadd.s32 $0xFFFFC000  }
0x498: {  	_ =	sfence.sel $0x180000  }
0x499: {  	[bflag:$0x0] =	sbarrier.arrive $0xFFFF  }
0x49a: {  	_ =	strace $0x90000047  }
0x49b: {  	s0 =	stileid.u32;
	[bflag:$0x2] =	sbarrier.arrive $0xFFFF  }
0x49c: {  	p0 =	sne.s32 s0, $0x0;
	s0 =	rddreg [dreg:$0x3]  }
0x49d: {  	s0 =	sadd.s32 @!p0 $0x100000, s0  }
0x49e: {  	[sflag:s0] =	ssyncadd.tile.s32 @!p0 $0x1;
	_ =	shalt  }
.Lfunc_end2:
_tile_overlayer_lowered:
.L_overlay_start_2:
0x49f: {  	(tag) =	ssettag $0x2  }
0x4a0: {  	s0 =	rddreg [dreg:$0x0];
	s2 =	stileid.u32  }
0x4a1: {  	s1 =	rddreg [dreg:$0x1];
	p0 =	sne.s32 s2, $0x0  }
0x4a2: {  	s3 =	rddreg [dreg:$0x2];
	[bflag:$0x3] =	sbarrier.arrive $0xFFFF;
	s2 =	simm.s32 @!p0 $0x1C07  }
0x4a3: {  	[timem:s3], [sflag:s2] =	dma.local @!p0 [hbm:s0], s1  }
0x4a4: {  	s0 =	simm.s32 @!p0 $0x7  }
0x4a5: {  	_ =	swait.ge @!p0 [sflag:s0], s1  }
0x4a6: {  	s1 =	ssub.s32 @!p0 $0x0, s1;
	[sflag:s0] =	ssyncset.done @!p0 $0x0  }
0x4a7: {  	[sflag:s0] =	ssyncadd.s32 @!p0 s1  }
0x4a8: {  	[bflag:$0x3] =	sbarrier.arrive $0xFFFF  }
0x4a9: {  	_ =	shalt  }

</sc_bundles>
